<compile_context>
chip_gen: v7x
topology: tpu7x:2x2x1
jax: 0.10.2.dev20260603
libtpu: 0.0.44.dev20260713+nightly
codegen_flags: <defaults>
</compile_context>

<pallas_src>
import functools

import jax
import jax.numpy as jnp
from jax import lax
from jax.experimental import pallas as pl
from jax.experimental.pallas import tpu as pltpu
from jax.experimental.pallas import tpu_sc as plsc

BATCH = 4096
SEQ = 200
DIM = 128
LANES = 16

NUM_CORES = 2
NUM_SUBCORES = 16
NUM_WORKERS = NUM_CORES * NUM_SUBCORES

BPW = BATCH // NUM_WORKERS
CHUNK = BPW
NBUF = 4
ROWS = BATCH * SEQ


def _positional_encoding():
    pos = jnp.arange(0, SEQ, dtype=jnp.float32)
    i = jnp.arange(0, DIM)
    i = 2 * (i // 2) / DIM
    i = 1.0 / jnp.power(10000.0, i.astype(jnp.float32))
    mat = jnp.outer(pos, i)
    mat = mat.at[:, ::2].set(jnp.sin(mat[:, ::2]))
    mat = mat.at[:, 1::2].set(jnp.cos(mat[:, 1::2]))
    return mat


@functools.cache
def _build_embed_kernel():
    @functools.partial(
        pl.kernel,
        mesh=plsc.VectorSubcoreMesh(core_axis_name="c", subcore_axis_name="s",
                                    num_cores=NUM_CORES,
                                    num_subcores=NUM_SUBCORES),
        out_type=jax.ShapeDtypeStruct((ROWS, DIM), jnp.float32),
        scratch_types=[
            pltpu.VMEM((SEQ, CHUNK), jnp.int32),
            pltpu.VMEM((SEQ, DIM), jnp.float32),
            pltpu.VMEM((NBUF, CHUNK, DIM), jnp.float32),
            pltpu.VMEM((NBUF, CHUNK), jnp.int32),
            [pltpu.SemaphoreType.DMA] * NBUF,
            [pltpu.SemaphoreType.DMA] * NBUF,
            [pltpu.SemaphoreType.DMA] * 2,
        ],
    )
    def _embed_kernel(xt_hbm, table_hbm, pe_hbm, out_hbm,
                      idx_v, pe_v, rows_v, didx_v, gsem, ssem, stage_sem):
        wid = lax.axis_index("s") * NUM_CORES + lax.axis_index("c")
        b_base = wid * BPW

        idx_cp = pltpu.async_copy(xt_hbm.at[:, pl.ds(b_base, CHUNK)], idx_v,
                                  stage_sem[0])
        pe_cp = pltpu.async_copy(pe_hbm, pe_v, stage_sem[1])
        idx_cp.wait()

        ramp = [lax.iota(jnp.int32, LANES) * SEQ + (b_base + j * LANES) * SEQ
                for j in range(CHUNK // LANES)]

        def start_gather(s, buf):
            pltpu.async_copy(table_hbm.at[idx_v.at[s]], rows_v.at[buf],
                             gsem[buf])

        def wait_gather(s, buf):
            pltpu.make_async_copy(table_hbm.at[idx_v.at[s]], rows_v.at[buf],
                                  gsem[buf]).wait()

        def start_scatter(s, buf):
            for j in range(CHUNK // LANES):
                didx_v[buf, pl.ds(j * LANES, LANES)] = ramp[j] + s
            pltpu.async_copy(rows_v.at[buf], out_hbm.at[didx_v.at[buf]],
                             ssem[buf])

        def wait_scatter(buf):
            pltpu.make_async_copy(rows_v.at[buf], out_hbm.at[didx_v.at[buf]],
                                  ssem[buf]).wait()

        def add_pe(s, buf):
            rows = rows_v.at[buf]
            pe_row = [pe_v[s, pl.ds(j * LANES, LANES)]
                      for j in range(DIM // LANES)]

            @pl.loop(0, CHUNK, unroll=4)
            def _row(r):
                for j in range(DIM // LANES):
                    plsc.addupdate(rows.at[r, pl.ds(j * LANES, LANES)],
                                   pe_row[j])

        for k in range(NBUF - 1):
            start_gather(k, k)
        pe_cp.wait()

        @pl.loop(0, SEQ, step=NBUF)
        def _outer(s0):
            for b in range(NBUF):
                s = s0 + b
                wait_gather(s, b)

                fb = (b + NBUF - 1) % NBUF
                fs = s + NBUF - 1

                @pl.when(fs < SEQ)
                def _():
                    @pl.when(s > 0)
                    def _():
                        wait_scatter(fb)

                    start_gather(fs, fb)

                add_pe(s, b)
                start_scatter(s, b)

        for s in range(SEQ - NBUF, SEQ):
            wait_scatter(s % NBUF)

    return _embed_kernel


def kernel(x, table):
    pe = _positional_encoding()
    xt = x.astype(jnp.int32).T
    out = _build_embed_kernel()(xt, table, pe)
    return out.reshape(BATCH, SEQ, DIM)

# --- scband reference (transcript-rebuilt; emitter-appended) ---
"""Pipeline reference for scband-transformer-embedding-64115271795158 (READ-ONLY COPY).

The authoritative reference and input builder live on the scoring server;
editing this copy changes nothing except your own understanding.
"""

import jax, jax.numpy as jnp
import numpy as np

NUM_EMBEDDINGS = 100000
EMBEDDING_DIM = 128
BATCH = 4096
SEQ_LEN = 200


def positional_encoding(num_embeddings, embedding_dim):
    pos = jnp.arange(0, num_embeddings, dtype=jnp.float32)
    i = jnp.arange(0, embedding_dim)
    i = 2 * (i // 2) / embedding_dim
    i = 1.0 / jnp.power(10000.0, i.astype(jnp.float32))
    mat = jnp.outer(pos, i)
    mat = mat.at[:, ::2].set(jnp.sin(mat[:, ::2]))
    mat = mat.at[:, 1::2].set(jnp.cos(mat[:, 1::2]))
    return mat


def setup_inputs(seed: int = 0) -> dict:
    key = jax.random.key(seed)
    k1, k2 = jax.random.split(key)
    x = jax.random.randint(k1, (BATCH, SEQ_LEN), 0, NUM_EMBEDDINGS, dtype=jnp.int64) if jax.config.jax_enable_x64 else jax.random.randint(k1, (BATCH, SEQ_LEN), 0, NUM_EMBEDDINGS, dtype=jnp.int32)
    table = jax.random.normal(k2, (NUM_EMBEDDINGS, EMBEDDING_DIM), dtype=jnp.float32)
    return {"x": x, "table": table}


def reference(x, table):
    # nn.Embedding lookup: gather rows of the table
    embedded_x = jnp.take(table, x, axis=0)  # [B, S, D]
    pe = positional_encoding(512, EMBEDDING_DIM)  # [512, D]
    encoded_x = pe[: embedded_x.shape[1], :] + embedded_x
    return encoded_x

if __name__ == "__main__":
    import jax
    _d = setup_inputs()
    print(jax.jit(kernel)(*tuple(_d.values())))

</pallas_src>

<mosaic_0001>
#map = affine_map<(d0, d1) -> (0, 0)>
module attributes {stable_mosaic.version = 14 : i64} {
  func.func @_embed_kernel(%arg0: i32, %arg1: i32, %arg2: memref<200x4096xi32, #tpu.memory_space<hbm>>, %arg3: memref<100000x128xf32, #tpu.memory_space<hbm>>, %arg4: memref<200x128xf32, #tpu.memory_space<hbm>>, %arg5: memref<819200x128xf32, #tpu.memory_space<hbm>>, %arg6: memref<200x128xi32, #tpu.memory_space<vmem>>, %arg7: memref<200x128xf32, #tpu.memory_space<vmem>>, %arg8: memref<4x128x128xf32, #tpu.memory_space<vmem>>, %arg9: memref<4x128xi32, #tpu.memory_space<vmem>>, %arg10: memref<!tpu.dma_semaphore, #tpu.memory_space<semaphore_mem>>, %arg11: memref<!tpu.dma_semaphore, #tpu.memory_space<semaphore_mem>>, %arg12: memref<!tpu.dma_semaphore, #tpu.memory_space<semaphore_mem>>, %arg13: memref<!tpu.dma_semaphore, #tpu.memory_space<semaphore_mem>>, %arg14: memref<!tpu.dma_semaphore, #tpu.memory_space<semaphore_mem>>, %arg15: memref<!tpu.dma_semaphore, #tpu.memory_space<semaphore_mem>>, %arg16: memref<!tpu.dma_semaphore, #tpu.memory_space<semaphore_mem>>, %arg17: memref<!tpu.dma_semaphore, #tpu.memory_space<semaphore_mem>>, %arg18: memref<!tpu.dma_semaphore, #tpu.memory_space<semaphore_mem>>, %arg19: memref<!tpu.dma_semaphore, #tpu.memory_space<semaphore_mem>>) attributes {dimension_semantics = [#tpu.dimension_semantics<core_parallel>, #tpu.dimension_semantics<subcore_parallel>], iteration_bounds = array<i64: 2, 16>, scalar_prefetch = 0 : i64, scratch_operands = 14 : i64, tpu.core_type = #tpu.core_type<sc_vector_subcore>, window_params = [{transform_indices = #map}, {transform_indices = #map}, {transform_indices = #map}, {transform_indices = #map}]} {
    %mul3A = arith.constant 2 : i32
    %mul3A_0 = arith.muli %arg1, %mul3A : i32
    %add3A = arith.addi %mul3A_0, %arg0 : i32
    %mul3A_1 = arith.constant 128 : i32
    %mul3A_2 = arith.muli %add3A, %mul3A_1 : i32
    %dma_start3A = arith.constant 0 : i32
    %dma_start3A_3 = tpu.memref_slice %arg2[%dma_start3A, %mul3A_2] : memref<200x4096xi32, #tpu.memory_space<hbm>> -> memref<200x128xi32, #tpu.memory_space<hbm>>
    %dma_start3A_4 = arith.constant 0 : i32
    %dma_start3A_5 = tpu.memref_slice %arg2[%dma_start3A_4, %mul3A_2] : memref<200x4096xi32, #tpu.memory_space<hbm>> -> memref<200x128xi32, #tpu.memory_space<hbm>>
    tpu.enqueue_dma source(%dma_start3A_5 : memref<200x128xi32, #tpu.memory_space<hbm>>) target(%arg6 : memref<200x128xi32, #tpu.memory_space<vmem>>) target_semaphore(%arg18 : memref<!tpu.dma_semaphore, #tpu.memory_space<semaphore_mem>>)
    tpu.enqueue_dma source(%arg4 : memref<200x128xf32, #tpu.memory_space<hbm>>) target(%arg7 : memref<200x128xf32, #tpu.memory_space<vmem>>) target_semaphore(%arg19 : memref<!tpu.dma_semaphore, #tpu.memory_space<semaphore_mem>>)
    %dma_wait3A = arith.constant 0 : i32
    %dma_wait3A_6 = tpu.memref_slice %arg2[%dma_wait3A, %mul3A_2] : memref<200x4096xi32, #tpu.memory_space<hbm>> -> memref<200x128xi32, #tpu.memory_space<hbm>>
    %dma_wait3A_7 = arith.constant 0 : i32
    %dma_wait3A_8 = tpu.memref_slice %arg2[%dma_wait3A_7, %mul3A_2] : memref<200x4096xi32, #tpu.memory_space<hbm>> -> memref<200x128xi32, #tpu.memory_space<hbm>>
    tpu.wait_dma2 semaphore(%arg18 : memref<!tpu.dma_semaphore, #tpu.memory_space<semaphore_mem>>) src(%dma_wait3A_8 : memref<200x128xi32, #tpu.memory_space<hbm>>) dst(%arg6 : memref<200x128xi32, #tpu.memory_space<vmem>>)
    %iota3A = tpu.iota {dimensions = array<i32: 0>} : vector<16xi32>
    %mul3A_9 = arith.constant 200 : i32
    %mul3A_10 = vector.broadcast %mul3A_9 : i32 to vector<16xi32>
    %mul3A_11 = arith.muli %iota3A, %mul3A_10 : vector<16xi32>
    %add3A_12 = arith.constant 0 : i32
    %add3A_13 = arith.addi %mul3A_2, %add3A_12 : i32
    %mul3A_14 = arith.constant 200 : i32
    %mul3A_15 = arith.muli %add3A_13, %mul3A_14 : i32
    %add3A_16 = vector.broadcast %mul3A_15 : i32 to vector<16xi32>
    %add3A_17 = arith.addi %mul3A_11, %add3A_16 : vector<16xi32>
    %iota3A_18 = tpu.iota {dimensions = array<i32: 0>} : vector<16xi32>
    %mul3A_19 = arith.constant 200 : i32
    %mul3A_20 = vector.broadcast %mul3A_19 : i32 to vector<16xi32>
    %mul3A_21 = arith.muli %iota3A_18, %mul3A_20 : vector<16xi32>
    %add3A_22 = arith.constant 16 : i32
    %add3A_23 = arith.addi %mul3A_2, %add3A_22 : i32
    %mul3A_24 = arith.constant 200 : i32
    %mul3A_25 = arith.muli %add3A_23, %mul3A_24 : i32
    %add3A_26 = vector.broadcast %mul3A_25 : i32 to vector<16xi32>
    %add3A_27 = arith.addi %mul3A_21, %add3A_26 : vector<16xi32>
    %iota3A_28 = tpu.iota {dimensions = array<i32: 0>} : vector<16xi32>
    %mul3A_29 = arith.constant 200 : i32
    %mul3A_30 = vector.broadcast %mul3A_29 : i32 to vector<16xi32>
    %mul3A_31 = arith.muli %iota3A_28, %mul3A_30 : vector<16xi32>
    %add3A_32 = arith.constant 32 : i32
    %add3A_33 = arith.addi %mul3A_2, %add3A_32 : i32
    %mul3A_34 = arith.constant 200 : i32
    %mul3A_35 = arith.muli %add3A_33, %mul3A_34 : i32
    %add3A_36 = vector.broadcast %mul3A_35 : i32 to vector<16xi32>
    %add3A_37 = arith.addi %mul3A_31, %add3A_36 : vector<16xi32>
    %iota3A_38 = tpu.iota {dimensions = array<i32: 0>} : vector<16xi32>
    %mul3A_39 = arith.constant 200 : i32
    %mul3A_40 = vector.broadcast %mul3A_39 : i32 to vector<16xi32>
    %mul3A_41 = arith.muli %iota3A_38, %mul3A_40 : vector<16xi32>
    %add3A_42 = arith.constant 48 : i32
    %add3A_43 = arith.addi %mul3A_2, %add3A_42 : i32
    %mul3A_44 = arith.constant 200 : i32
    %mul3A_45 = arith.muli %add3A_43, %mul3A_44 : i32
    %add3A_46 = vector.broadcast %mul3A_45 : i32 to vector<16xi32>
    %add3A_47 = arith.addi %mul3A_41, %add3A_46 : vector<16xi32>
    %iota3A_48 = tpu.iota {dimensions = array<i32: 0>} : vector<16xi32>
    %mul3A_49 = arith.constant 200 : i32
    %mul3A_50 = vector.broadcast %mul3A_49 : i32 to vector<16xi32>
    %mul3A_51 = arith.muli %iota3A_48, %mul3A_50 : vector<16xi32>
    %add3A_52 = arith.constant 64 : i32
    %add3A_53 = arith.addi %mul3A_2, %add3A_52 : i32
    %mul3A_54 = arith.constant 200 : i32
    %mul3A_55 = arith.muli %add3A_53, %mul3A_54 : i32
    %add3A_56 = vector.broadcast %mul3A_55 : i32 to vector<16xi32>
    %add3A_57 = arith.addi %mul3A_51, %add3A_56 : vector<16xi32>
    %iota3A_58 = tpu.iota {dimensions = array<i32: 0>} : vector<16xi32>
    %mul3A_59 = arith.constant 200 : i32
    %mul3A_60 = vector.broadcast %mul3A_59 : i32 to vector<16xi32>
    %mul3A_61 = arith.muli %iota3A_58, %mul3A_60 : vector<16xi32>
    %add3A_62 = arith.constant 80 : i32
    %add3A_63 = arith.addi %mul3A_2, %add3A_62 : i32
    %mul3A_64 = arith.constant 200 : i32
    %mul3A_65 = arith.muli %add3A_63, %mul3A_64 : i32
    %add3A_66 = vector.broadcast %mul3A_65 : i32 to vector<16xi32>
    %add3A_67 = arith.addi %mul3A_61, %add3A_66 : vector<16xi32>
    %iota3A_68 = tpu.iota {dimensions = array<i32: 0>} : vector<16xi32>
    %mul3A_69 = arith.constant 200 : i32
    %mul3A_70 = vector.broadcast %mul3A_69 : i32 to vector<16xi32>
    %mul3A_71 = arith.muli %iota3A_68, %mul3A_70 : vector<16xi32>
    %add3A_72 = arith.constant 96 : i32
    %add3A_73 = arith.addi %mul3A_2, %add3A_72 : i32
    %mul3A_74 = arith.constant 200 : i32
    %mul3A_75 = arith.muli %add3A_73, %mul3A_74 : i32
    %add3A_76 = vector.broadcast %mul3A_75 : i32 to vector<16xi32>
    %add3A_77 = arith.addi %mul3A_71, %add3A_76 : vector<16xi32>
    %iota3A_78 = tpu.iota {dimensions = array<i32: 0>} : vector<16xi32>
    %mul3A_79 = arith.constant 200 : i32
    %mul3A_80 = vector.broadcast %mul3A_79 : i32 to vector<16xi32>
    %mul3A_81 = arith.muli %iota3A_78, %mul3A_80 : vector<16xi32>
    %add3A_82 = arith.constant 112 : i32
    %add3A_83 = arith.addi %mul3A_2, %add3A_82 : i32
    %mul3A_84 = arith.constant 200 : i32
    %mul3A_85 = arith.muli %add3A_83, %mul3A_84 : i32
    %add3A_86 = vector.broadcast %mul3A_85 : i32 to vector<16xi32>
    %add3A_87 = arith.addi %mul3A_81, %add3A_86 : vector<16xi32>
    %dma_start3A_88 = arith.constant 0 : i32
    %dma_start3A_89 = arith.constant 0 : i32
    %dma_start3A_90 = arith.constant 0 : i32
    %dma_start3A_91 = arith.constant 0 : i32
    %dma_start3A_92 = tpu.memref_slice %arg8[%dma_start3A_89, %dma_start3A_90, %dma_start3A_91] : memref<4x128x128xf32, #tpu.memory_space<vmem>> -> memref<1x128x128xf32, #tpu.memory_space<vmem>>
    %dma_start3A_93 = tpu.memref_squeeze %dma_start3A_92 : memref<1x128x128xf32, #tpu.memory_space<vmem>> -> memref<128x128xf32, #tpu.memory_space<vmem>>
    %dma_start3A_94 = arith.constant 0 : i32
    %dma_start3A_95 = tpu.memref_slice %arg6[%dma_start3A_88, %dma_start3A_94] : memref<200x128xi32, #tpu.memory_space<vmem>> -> memref<1x128xi32, #tpu.memory_space<vmem>>
    %dma_start3A_96 = tpu.memref_squeeze %dma_start3A_95 : memref<1x128xi32, #tpu.memory_space<vmem>> -> memref<128xi32, #tpu.memory_space<vmem>>
    %dma_start3A_97 = arith.constant 0 : i32
    %dma_start3A_98 = arith.constant 0 : i32
    %dma_start3A_99 = tpu.memref_slice %arg3[%dma_start3A_97, %dma_start3A_98] : memref<100000x128xf32, #tpu.memory_space<hbm>> -> memref<100000x128xf32, #tpu.memory_space<hbm>>
    tpu.enqueue_indirect_dma source(%dma_start3A_99 : memref<100000x128xf32, #tpu.memory_space<hbm>>) target(%dma_start3A_93 : memref<128x128xf32, #tpu.memory_space<vmem>>) offsets(%dma_start3A_96 : memref<128xi32, #tpu.memory_space<vmem>>) semaphore(%arg10 : memref<!tpu.dma_semaphore, #tpu.memory_space<semaphore_mem>>)
    %dma_start3A_100 = arith.constant 1 : i32
    %dma_start3A_101 = arith.constant 1 : i32
    %dma_start3A_102 = arith.constant 0 : i32
    %dma_start3A_103 = arith.constant 0 : i32
    %dma_start3A_104 = tpu.memref_slice %arg8[%dma_start3A_101, %dma_start3A_102, %dma_start3A_103] : memref<4x128x128xf32, #tpu.memory_space<vmem>> -> memref<1x128x128xf32, #tpu.memory_space<vmem>>
    %dma_start3A_105 = tpu.memref_squeeze %dma_start3A_104 : memref<1x128x128xf32, #tpu.memory_space<vmem>> -> memref<128x128xf32, #tpu.memory_space<vmem>>
    %dma_start3A_106 = arith.constant 0 : i32
    %dma_start3A_107 = tpu.memref_slice %arg6[%dma_start3A_100, %dma_start3A_106] : memref<200x128xi32, #tpu.memory_space<vmem>> -> memref<1x128xi32, #tpu.memory_space<vmem>>
    %dma_start3A_108 = tpu.memref_squeeze %dma_start3A_107 : memref<1x128xi32, #tpu.memory_space<vmem>> -> memref<128xi32, #tpu.memory_space<vmem>>
    %dma_start3A_109 = arith.constant 0 : i32
    %dma_start3A_110 = arith.constant 0 : i32
    %dma_start3A_111 = tpu.memref_slice %arg3[%dma_start3A_109, %dma_start3A_110] : memref<100000x128xf32, #tpu.memory_space<hbm>> -> memref<100000x128xf32, #tpu.memory_space<hbm>>
    tpu.enqueue_indirect_dma source(%dma_start3A_111 : memref<100000x128xf32, #tpu.memory_space<hbm>>) target(%dma_start3A_105 : memref<128x128xf32, #tpu.memory_space<vmem>>) offsets(%dma_start3A_108 : memref<128xi32, #tpu.memory_space<vmem>>) semaphore(%arg11 : memref<!tpu.dma_semaphore, #tpu.memory_space<semaphore_mem>>)
    %dma_start3A_112 = arith.constant 2 : i32
    %dma_start3A_113 = arith.constant 2 : i32
    %dma_start3A_114 = arith.constant 0 : i32
    %dma_start3A_115 = arith.constant 0 : i32
    %dma_start3A_116 = tpu.memref_slice %arg8[%dma_start3A_113, %dma_start3A_114, %dma_start3A_115] : memref<4x128x128xf32, #tpu.memory_space<vmem>> -> memref<1x128x128xf32, #tpu.memory_space<vmem>>
    %dma_start3A_117 = tpu.memref_squeeze %dma_start3A_116 : memref<1x128x128xf32, #tpu.memory_space<vmem>> -> memref<128x128xf32, #tpu.memory_space<vmem>>
    %dma_start3A_118 = arith.constant 0 : i32
    %dma_start3A_119 = tpu.memref_slice %arg6[%dma_start3A_112, %dma_start3A_118] : memref<200x128xi32, #tpu.memory_space<vmem>> -> memref<1x128xi32, #tpu.memory_space<vmem>>
    %dma_start3A_120 = tpu.memref_squeeze %dma_start3A_119 : memref<1x128xi32, #tpu.memory_space<vmem>> -> memref<128xi32, #tpu.memory_space<vmem>>
    %dma_start3A_121 = arith.constant 0 : i32
    %dma_start3A_122 = arith.constant 0 : i32
    %dma_start3A_123 = tpu.memref_slice %arg3[%dma_start3A_121, %dma_start3A_122] : memref<100000x128xf32, #tpu.memory_space<hbm>> -> memref<100000x128xf32, #tpu.memory_space<hbm>>
    tpu.enqueue_indirect_dma source(%dma_start3A_123 : memref<100000x128xf32, #tpu.memory_space<hbm>>) target(%dma_start3A_117 : memref<128x128xf32, #tpu.memory_space<vmem>>) offsets(%dma_start3A_120 : memref<128xi32, #tpu.memory_space<vmem>>) semaphore(%arg12 : memref<!tpu.dma_semaphore, #tpu.memory_space<semaphore_mem>>)
    tpu.wait_dma2 semaphore(%arg19 : memref<!tpu.dma_semaphore, #tpu.memory_space<semaphore_mem>>) src(%arg4 : memref<200x128xf32, #tpu.memory_space<hbm>>) dst(%arg7 : memref<200x128xf32, #tpu.memory_space<vmem>>)
    %scan3A = arith.constant 0 : i32
    %scan3A_124 = arith.constant 50 : i32
    %scan3A_125 = arith.addi %scan3A, %scan3A_124 : i32
    %scan3A_126 = arith.constant 1 : i32
    scf.for %scan3A_176 = %scan3A to %scan3A_125 step %scan3A_126  : i32 {
      %mul3A_177 = arith.constant 4 : i32
      %mul3A_178 = arith.muli %scan3A_176, %mul3A_177 : i32
      %add3A_179 = arith.constant 0 : i32
      %add3A_180 = arith.addi %add3A_179, %mul3A_178 : i32
      %add3A_181 = arith.constant 0 : i32
      %add3A_182 = arith.addi %add3A_180, %add3A_181 : i32
      %dma_wait3A_183 = arith.constant 0 : i32
      %dma_wait3A_184 = arith.constant 0 : i32
      %dma_wait3A_185 = arith.constant 0 : i32
      %dma_wait3A_186 = tpu.memref_slice %arg8[%dma_wait3A_183, %dma_wait3A_184, %dma_wait3A_185] : memref<4x128x128xf32, #tpu.memory_space<vmem>> -> memref<1x128x128xf32, #tpu.memory_space<vmem>>
      %dma_wait3A_187 = tpu.memref_squeeze %dma_wait3A_186 : memref<1x128x128xf32, #tpu.memory_space<vmem>> -> memref<128x128xf32, #tpu.memory_space<vmem>>
      %dma_wait3A_188 = arith.constant 0 : i32
      %dma_wait3A_189 = tpu.memref_slice %arg6[%add3A_182, %dma_wait3A_188] : memref<200x128xi32, #tpu.memory_space<vmem>> -> memref<1x128xi32, #tpu.memory_space<vmem>>
      %dma_wait3A_190 = tpu.memref_squeeze %dma_wait3A_189 : memref<1x128xi32, #tpu.memory_space<vmem>> -> memref<128xi32, #tpu.memory_space<vmem>>
      %dma_wait3A_191 = arith.constant 0 : i32
      %dma_wait3A_192 = arith.constant 0 : i32
      %dma_wait3A_193 = tpu.memref_slice %arg3[%dma_wait3A_191, %dma_wait3A_192] : memref<100000x128xf32, #tpu.memory_space<hbm>> -> memref<100000x128xf32, #tpu.memory_space<hbm>>
      tpu.wait_indirect_dma semaphore(%arg10 : memref<!tpu.dma_semaphore, #tpu.memory_space<semaphore_mem>>) src(%dma_wait3A_193 : memref<100000x128xf32, #tpu.memory_space<hbm>>) dst(%dma_wait3A_187 : memref<128x128xf32, #tpu.memory_space<vmem>>)
      %add3A_194 = arith.constant 4 : i32
      %add3A_195 = arith.addi %add3A_182, %add3A_194 : i32
      %sub3A = arith.constant 1 : i32
      %sub3A_196 = arith.subi %add3A_195, %sub3A : i32
      %lt3A = arith.constant 200 : i32
      %lt3A_197 = arith.cmpi slt, %sub3A_196, %lt3A : i32
      %convert_element_type3A = arith.extui %lt3A_197 : i1 to i32
      %cond3A = arith.constant 0 : i32
      %cond3A_198 = arith.cmpi ne, %convert_element_type3A, %cond3A : i32
      scf.if %cond3A_198 {
        %gt3A = arith.constant 0 : i32
        %gt3A_719 = arith.cmpi sgt, %add3A_182, %gt3A : i32
        %convert_element_type3A_720 = arith.extui %gt3A_719 : i1 to i32
        %cond3A_721 = arith.constant 0 : i32
        %cond3A_722 = arith.cmpi ne, %convert_element_type3A_720, %cond3A_721 : i32
        scf.if %cond3A_722 {
          %dma_wait3A_734 = arith.constant 3 : i32
          %dma_wait3A_735 = arith.constant 3 : i32
          %dma_wait3A_736 = arith.constant 0 : i32
          %dma_wait3A_737 = arith.constant 0 : i32
          %dma_wait3A_738 = tpu.memref_slice %arg8[%dma_wait3A_734, %dma_wait3A_736, %dma_wait3A_737] : memref<4x128x128xf32, #tpu.memory_space<vmem>> -> memref<1x128x128xf32, #tpu.memory_space<vmem>>
          %dma_wait3A_739 = tpu.memref_squeeze %dma_wait3A_738 : memref<1x128x128xf32, #tpu.memory_space<vmem>> -> memref<128x128xf32, #tpu.memory_space<vmem>>
          %dma_wait3A_740 = arith.constant 0 : i32
          %dma_wait3A_741 = tpu.memref_slice %arg9[%dma_wait3A_735, %dma_wait3A_740] : memref<4x128xi32, #tpu.memory_space<vmem>> -> memref<1x128xi32, #tpu.memory_space<vmem>>
          %dma_wait3A_742 = tpu.memref_squeeze %dma_wait3A_741 : memref<1x128xi32, #tpu.memory_space<vmem>> -> memref<128xi32, #tpu.memory_space<vmem>>
          %dma_wait3A_743 = arith.constant 0 : i32
          %dma_wait3A_744 = arith.constant 0 : i32
          %dma_wait3A_745 = tpu.memref_slice %arg5[%dma_wait3A_743, %dma_wait3A_744] : memref<819200x128xf32, #tpu.memory_space<hbm>> -> memref<819200x128xf32, #tpu.memory_space<hbm>>
          tpu.wait_indirect_dma semaphore(%arg17 : memref<!tpu.dma_semaphore, #tpu.memory_space<semaphore_mem>>) src(%dma_wait3A_739 : memref<128x128xf32, #tpu.memory_space<vmem>>) dst(%dma_wait3A_745 : memref<819200x128xf32, #tpu.memory_space<hbm>>)
        } else {
        }
        %dma_start3A_723 = arith.constant 3 : i32
        %dma_start3A_724 = arith.constant 0 : i32
        %dma_start3A_725 = arith.constant 0 : i32
        %dma_start3A_726 = tpu.memref_slice %arg8[%dma_start3A_723, %dma_start3A_724, %dma_start3A_725] : memref<4x128x128xf32, #tpu.memory_space<vmem>> -> memref<1x128x128xf32, #tpu.memory_space<vmem>>
        %dma_start3A_727 = tpu.memref_squeeze %dma_start3A_726 : memref<1x128x128xf32, #tpu.memory_space<vmem>> -> memref<128x128xf32, #tpu.memory_space<vmem>>
        %dma_start3A_728 = arith.constant 0 : i32
        %dma_start3A_729 = tpu.memref_slice %arg6[%sub3A_196, %dma_start3A_728] : memref<200x128xi32, #tpu.memory_space<vmem>> -> memref<1x128xi32, #tpu.memory_space<vmem>>
        %dma_start3A_730 = tpu.memref_squeeze %dma_start3A_729 : memref<1x128xi32, #tpu.memory_space<vmem>> -> memref<128xi32, #tpu.memory_space<vmem>>
        %dma_start3A_731 = arith.constant 0 : i32
        %dma_start3A_732 = arith.constant 0 : i32
        %dma_start3A_733 = tpu.memref_slice %arg3[%dma_start3A_731, %dma_start3A_732] : memref<100000x128xf32, #tpu.memory_space<hbm>> -> memref<100000x128xf32, #tpu.memory_space<hbm>>
        tpu.enqueue_indirect_dma source(%dma_start3A_733 : memref<100000x128xf32, #tpu.memory_space<hbm>>) target(%dma_start3A_727 : memref<128x128xf32, #tpu.memory_space<vmem>>) offsets(%dma_start3A_730 : memref<128xi32, #tpu.memory_space<vmem>>) semaphore(%arg13 : memref<!tpu.dma_semaphore, #tpu.memory_space<semaphore_mem>>)
      } else {
      }
      %get3A = arith.index_cast %add3A_182 : i32 to index
      %get3A_199 = arith.constant 0 : index
      %get3A_200 = tpu.vector_load %arg7[%get3A, %get3A_199] {strides = array<i32>} : memref<200x128xf32, #tpu.memory_space<vmem>>, vector<1x16xf32>,
      %get3A_201 = vector.shape_cast %get3A_200 : vector<1x16xf32> to vector<16xf32>
      %get3A_202 = arith.index_cast %add3A_182 : i32 to index
      %get3A_203 = arith.constant 16 : index
      %get3A_204 = tpu.vector_load %arg7[%get3A_202, %get3A_203] {strides = array<i32>} : memref<200x128xf32, #tpu.memory_space<vmem>>, vector<1x16xf32>,
      %get3A_205 = vector.shape_cast %get3A_204 : vector<1x16xf32> to vector<16xf32>
      %get3A_206 = arith.index_cast %add3A_182 : i32 to index
      %get3A_207 = arith.constant 32 : index
      %get3A_208 = tpu.vector_load %arg7[%get3A_206, %get3A_207] {strides = array<i32>} : memref<200x128xf32, #tpu.memory_space<vmem>>, vector<1x16xf32>,
      %get3A_209 = vector.shape_cast %get3A_208 : vector<1x16xf32> to vector<16xf32>
      %get3A_210 = arith.index_cast %add3A_182 : i32 to index
      %get3A_211 = arith.constant 48 : index
      %get3A_212 = tpu.vector_load %arg7[%get3A_210, %get3A_211] {strides = array<i32>} : memref<200x128xf32, #tpu.memory_space<vmem>>, vector<1x16xf32>,
      %get3A_213 = vector.shape_cast %get3A_212 : vector<1x16xf32> to vector<16xf32>
      %get3A_214 = arith.index_cast %add3A_182 : i32 to index
      %get3A_215 = arith.constant 64 : index
      %get3A_216 = tpu.vector_load %arg7[%get3A_214, %get3A_215] {strides = array<i32>} : memref<200x128xf32, #tpu.memory_space<vmem>>, vector<1x16xf32>,
      %get3A_217 = vector.shape_cast %get3A_216 : vector<1x16xf32> to vector<16xf32>
      %get3A_218 = arith.index_cast %add3A_182 : i32 to index
      %get3A_219 = arith.constant 80 : index
      %get3A_220 = tpu.vector_load %arg7[%get3A_218, %get3A_219] {strides = array<i32>} : memref<200x128xf32, #tpu.memory_space<vmem>>, vector<1x16xf32>,
      %get3A_221 = vector.shape_cast %get3A_220 : vector<1x16xf32> to vector<16xf32>
      %get3A_222 = arith.index_cast %add3A_182 : i32 to index
      %get3A_223 = arith.constant 96 : index
      %get3A_224 = tpu.vector_load %arg7[%get3A_222, %get3A_223] {strides = array<i32>} : memref<200x128xf32, #tpu.memory_space<vmem>>, vector<1x16xf32>,
      %get3A_225 = vector.shape_cast %get3A_224 : vector<1x16xf32> to vector<16xf32>
      %get3A_226 = arith.index_cast %add3A_182 : i32 to index
      %get3A_227 = arith.constant 112 : index
      %get3A_228 = tpu.vector_load %arg7[%get3A_226, %get3A_227] {strides = array<i32>} : memref<200x128xf32, #tpu.memory_space<vmem>>, vector<1x16xf32>,
      %get3A_229 = vector.shape_cast %get3A_228 : vector<1x16xf32> to vector<16xf32>
      %scan3A_230 = arith.constant 0 : i32
      %scan3A_231 = arith.constant 0 : i32
      %scan3A_232 = arith.constant 128 : i32
      %scan3A_233 = arith.addi %scan3A_231, %scan3A_232 : i32
      %scan3A_234 = arith.constant 4 : i32
      scf.for %scan3A_719 = %scan3A_231 to %scan3A_233 step %scan3A_234  : i32 {
        %mul3A_720 = arith.constant 1 : i32
        %mul3A_721 = arith.muli %scan3A_719, %mul3A_720 : i32
        %add3A_722 = arith.constant 0 : i32
        %add3A_723 = arith.addi %add3A_722, %mul3A_721 : i32
        %swap3A_724 = arith.constant 0 : i32
        %swap3A_725 = arith.constant 0 : i32
        %swap3A_726 = tpu.memref_slice %arg8[%scan3A_230, %swap3A_724, %swap3A_725] : memref<4x128x128xf32, #tpu.memory_space<vmem>> -> memref<1x128x128xf32, #tpu.memory_space<vmem>>
        %swap3A_727 = tpu.memref_squeeze %swap3A_726 : memref<1x128x128xf32, #tpu.memory_space<vmem>> -> memref<128x128xf32, #tpu.memory_space<vmem>>
        %swap3A_728 = arith.index_cast %add3A_723 : i32 to index
        %swap3A_729 = arith.constant 0 : index
        %swap3A_730 = tpu.vector_load %swap3A_727[%swap3A_728, %swap3A_729] {strides = array<i32>} : memref<128x128xf32, #tpu.memory_space<vmem>>, vector<1x16xf32>,
        %swap3A_731 = vector.shape_cast %swap3A_730 : vector<1x16xf32> to vector<16xf32>
        %swap3A_732 = vector.shape_cast %get3A_201 : vector<16xf32> to vector<1x16xf32>
        tpu.vector_store %swap3A_727[%swap3A_728, %swap3A_729], %swap3A_732 {add = true, strides = array<i32>} : memref<128x128xf32, #tpu.memory_space<vmem>>, vector<1x16xf32>,
        %swap3A_733 = arith.constant 0 : i32
        %swap3A_734 = arith.constant 0 : i32
        %swap3A_735 = tpu.memref_slice %arg8[%scan3A_230, %swap3A_733, %swap3A_734] : memref<4x128x128xf32, #tpu.memory_space<vmem>> -> memref<1x128x128xf32, #tpu.memory_space<vmem>>
        %swap3A_736 = tpu.memref_squeeze %swap3A_735 : memref<1x128x128xf32, #tpu.memory_space<vmem>> -> memref<128x128xf32, #tpu.memory_space<vmem>>
        %swap3A_737 = arith.index_cast %add3A_723 : i32 to index
        %swap3A_738 = arith.constant 16 : index
        %swap3A_739 = tpu.vector_load %swap3A_736[%swap3A_737, %swap3A_738] {strides = array<i32>} : memref<128x128xf32, #tpu.memory_space<vmem>>, vector<1x16xf32>,
        %swap3A_740 = vector.shape_cast %swap3A_739 : vector<1x16xf32> to vector<16xf32>
        %swap3A_741 = vector.shape_cast %get3A_205 : vector<16xf32> to vector<1x16xf32>
        tpu.vector_store %swap3A_736[%swap3A_737, %swap3A_738], %swap3A_741 {add = true, strides = array<i32>} : memref<128x128xf32, #tpu.memory_space<vmem>>, vector<1x16xf32>,
        %swap3A_742 = arith.constant 0 : i32
        %swap3A_743 = arith.constant 0 : i32
        %swap3A_744 = tpu.memref_slice %arg8[%scan3A_230, %swap3A_742, %swap3A_743] : memref<4x128x128xf32, #tpu.memory_space<vmem>> -> memref<1x128x128xf32, #tpu.memory_space<vmem>>
        %swap3A_745 = tpu.memref_squeeze %swap3A_744 : memref<1x128x128xf32, #tpu.memory_space<vmem>> -> memref<128x128xf32, #tpu.memory_space<vmem>>
        %swap3A_746 = arith.index_cast %add3A_723 : i32 to index
        %swap3A_747 = arith.constant 32 : index
        %swap3A_748 = tpu.vector_load %swap3A_745[%swap3A_746, %swap3A_747] {strides = array<i32>} : memref<128x128xf32, #tpu.memory_space<vmem>>, vector<1x16xf32>,
        %swap3A_749 = vector.shape_cast %swap3A_748 : vector<1x16xf32> to vector<16xf32>
        %swap3A_750 = vector.shape_cast %get3A_209 : vector<16xf32> to vector<1x16xf32>
        tpu.vector_store %swap3A_745[%swap3A_746, %swap3A_747], %swap3A_750 {add = true, strides = array<i32>} : memref<128x128xf32, #tpu.memory_space<vmem>>, vector<1x16xf32>,
        %swap3A_751 = arith.constant 0 : i32
        %swap3A_752 = arith.constant 0 : i32
        %swap3A_753 = tpu.memref_slice %arg8[%scan3A_230, %swap3A_751, %swap3A_752] : memref<4x128x128xf32, #tpu.memory_space<vmem>> -> memref<1x128x128xf32, #tpu.memory_space<vmem>>
        %swap3A_754 = tpu.memref_squeeze %swap3A_753 : memref<1x128x128xf32, #tpu.memory_space<vmem>> -> memref<128x128xf32, #tpu.memory_space<vmem>>
        %swap3A_755 = arith.index_cast %add3A_723 : i32 to index
        %swap3A_756 = arith.constant 48 : index
        %swap3A_757 = tpu.vector_load %swap3A_754[%swap3A_755, %swap3A_756] {strides = array<i32>} : memref<128x128xf32, #tpu.memory_space<vmem>>, vector<1x16xf32>,
        %swap3A_758 = vector.shape_cast %swap3A_757 : vector<1x16xf32> to vector<16xf32>
        %swap3A_759 = vector.shape_cast %get3A_213 : vector<16xf32> to vector<1x16xf32>
        tpu.vector_store %swap3A_754[%swap3A_755, %swap3A_756], %swap3A_759 {add = true, strides = array<i32>} : memref<128x128xf32, #tpu.memory_space<vmem>>, vector<1x16xf32>,
        %swap3A_760 = arith.constant 0 : i32
        %swap3A_761 = arith.constant 0 : i32
        %swap3A_762 = tpu.memref_slice %arg8[%scan3A_230, %swap3A_760, %swap3A_761] : memref<4x128x128xf32, #tpu.memory_space<vmem>> -> memref<1x128x128xf32, #tpu.memory_space<vmem>>
        %swap3A_763 = tpu.memref_squeeze %swap3A_762 : memref<1x128x128xf32, #tpu.memory_space<vmem>> -> memref<128x128xf32, #tpu.memory_space<vmem>>
        %swap3A_764 = arith.index_cast %add3A_723 : i32 to index
        %swap3A_765 = arith.constant 64 : index
        %swap3A_766 = tpu.vector_load %swap3A_763[%swap3A_764, %swap3A_765] {strides = array<i32>} : memref<128x128xf32, #tpu.memory_space<vmem>>, vector<1x16xf32>,
        %swap3A_767 = vector.shape_cast %swap3A_766 : vector<1x16xf32> to vector<16xf32>
        %swap3A_768 = vector.shape_cast %get3A_217 : vector<16xf32> to vector<1x16xf32>
        tpu.vector_store %swap3A_763[%swap3A_764, %swap3A_765], %swap3A_768 {add = true, strides = array<i32>} : memref<128x128xf32, #tpu.memory_space<vmem>>, vector<1x16xf32>,
        %swap3A_769 = arith.constant 0 : i32
        %swap3A_770 = arith.constant 0 : i32
        %swap3A_771 = tpu.memref_slice %arg8[%scan3A_230, %swap3A_769, %swap3A_770] : memref<4x128x128xf32, #tpu.memory_space<vmem>> -> memref<1x128x128xf32, #tpu.memory_space<vmem>>
        %swap3A_772 = tpu.memref_squeeze %swap3A_771 : memref<1x128x128xf32, #tpu.memory_space<vmem>> -> memref<128x128xf32, #tpu.memory_space<vmem>>
        %swap3A_773 = arith.index_cast %add3A_723 : i32 to index
        %swap3A_774 = arith.constant 80 : index
        %swap3A_775 = tpu.vector_load %swap3A_772[%swap3A_773, %swap3A_774] {strides = array<i32>} : memref<128x128xf32, #tpu.memory_space<vmem>>, vector<1x16xf32>,
        %swap3A_776 = vector.shape_cast %swap3A_775 : vector<1x16xf32> to vector<16xf32>
        %swap3A_777 = vector.shape_cast %get3A_221 : vector<16xf32> to vector<1x16xf32>
        tpu.vector_store %swap3A_772[%swap3A_773, %swap3A_774], %swap3A_777 {add = true, strides = array<i32>} : memref<128x128xf32, #tpu.memory_space<vmem>>, vector<1x16xf32>,
        %swap3A_778 = arith.constant 0 : i32
        %swap3A_779 = arith.constant 0 : i32
        %swap3A_780 = tpu.memref_slice %arg8[%scan3A_230, %swap3A_778, %swap3A_779] : memref<4x128x128xf32, #tpu.memory_space<vmem>> -> memref<1x128x128xf32, #tpu.memory_space<vmem>>
        %swap3A_781 = tpu.memref_squeeze %swap3A_780 : memref<1x128x128xf32, #tpu.memory_space<vmem>> -> memref<128x128xf32, #tpu.memory_space<vmem>>
        %swap3A_782 = arith.index_cast %add3A_723 : i32 to index
        %swap3A_783 = arith.constant 96 : index
        %swap3A_784 = tpu.vector_load %swap3A_781[%swap3A_782, %swap3A_783] {strides = array<i32>} : memref<128x128xf32, #tpu.memory_space<vmem>>, vector<1x16xf32>,
        %swap3A_785 = vector.shape_cast %swap3A_784 : vector<1x16xf32> to vector<16xf32>
        %swap3A_786 = vector.shape_cast %get3A_225 : vector<16xf32> to vector<1x16xf32>
        tpu.vector_store %swap3A_781[%swap3A_782, %swap3A_783], %swap3A_786 {add = true, strides = array<i32>} : memref<128x128xf32, #tpu.memory_space<vmem>>, vector<1x16xf32>,
        %swap3A_787 = arith.constant 0 : i32
        %swap3A_788 = arith.constant 0 : i32
        %swap3A_789 = tpu.memref_slice %arg8[%scan3A_230, %swap3A_787, %swap3A_788] : memref<4x128x128xf32, #tpu.memory_space<vmem>> -> memref<1x128x128xf32, #tpu.memory_space<vmem>>
        %swap3A_790 = tpu.memref_squeeze %swap3A_789 : memref<1x128x128xf32, #tpu.memory_space<vmem>> -> memref<128x128xf32, #tpu.memory_space<vmem>>
        %swap3A_791 = arith.index_cast %add3A_723 : i32 to index
        %swap3A_792 = arith.constant 112 : index
        %swap3A_793 = tpu.vector_load %swap3A_790[%swap3A_791, %swap3A_792] {strides = array<i32>} : memref<128x128xf32, #tpu.memory_space<vmem>>, vector<1x16xf32>,
        %swap3A_794 = vector.shape_cast %swap3A_793 : vector<1x16xf32> to vector<16xf32>
        %swap3A_795 = vector.shape_cast %get3A_229 : vector<16xf32> to vector<1x16xf32>
        tpu.vector_store %swap3A_790[%swap3A_791, %swap3A_792], %swap3A_795 {add = true, strides = array<i32>} : memref<128x128xf32, #tpu.memory_space<vmem>>, vector<1x16xf32>,
        %scan3A_796 = arith.constant 1 : i32
        %scan3A_797 = arith.addi %scan3A_719, %scan3A_796 : i32
        %mul3A_798 = arith.constant 1 : i32
        %mul3A_799 = arith.muli %scan3A_797, %mul3A_798 : i32
        %add3A_800 = arith.constant 0 : i32
        %add3A_801 = arith.addi %add3A_800, %mul3A_799 : i32
        %swap3A_802 = arith.constant 0 : i32
        %swap3A_803 = arith.constant 0 : i32
        %swap3A_804 = tpu.memref_slice %arg8[%scan3A_230, %swap3A_802, %swap3A_803] : memref<4x128x128xf32, #tpu.memory_space<vmem>> -> memref<1x128x128xf32, #tpu.memory_space<vmem>>
        %swap3A_805 = tpu.memref_squeeze %swap3A_804 : memref<1x128x128xf32, #tpu.memory_space<vmem>> -> memref<128x128xf32, #tpu.memory_space<vmem>>
        %swap3A_806 = arith.index_cast %add3A_801 : i32 to index
        %swap3A_807 = arith.constant 0 : index
        %swap3A_808 = tpu.vector_load %swap3A_805[%swap3A_806, %swap3A_807] {strides = array<i32>} : memref<128x128xf32, #tpu.memory_space<vmem>>, vector<1x16xf32>,
        %swap3A_809 = vector.shape_cast %swap3A_808 : vector<1x16xf32> to vector<16xf32>
        %swap3A_810 = vector.shape_cast %get3A_201 : vector<16xf32> to vector<1x16xf32>
        tpu.vector_store %swap3A_805[%swap3A_806, %swap3A_807], %swap3A_810 {add = true, strides = array<i32>} : memref<128x128xf32, #tpu.memory_space<vmem>>, vector<1x16xf32>,
        %swap3A_811 = arith.constant 0 : i32
        %swap3A_812 = arith.constant 0 : i32
        %swap3A_813 = tpu.memref_slice %arg8[%scan3A_230, %swap3A_811, %swap3A_812] : memref<4x128x128xf32, #tpu.memory_space<vmem>> -> memref<1x128x128xf32, #tpu.memory_space<vmem>>
        %swap3A_814 = tpu.memref_squeeze %swap3A_813 : memref<1x128x128xf32, #tpu.memory_space<vmem>> -> memref<128x128xf32, #tpu.memory_space<vmem>>
        %swap3A_815 = arith.index_cast %add3A_801 : i32 to index
        %swap3A_816 = arith.constant 16 : index
        %swap3A_817 = tpu.vector_load %swap3A_814[%swap3A_815, %swap3A_816] {strides = array<i32>} : memref<128x128xf32, #tpu.memory_space<vmem>>, vector<1x16xf32>,
        %swap3A_818 = vector.shape_cast %swap3A_817 : vector<1x16xf32> to vector<16xf32>
        %swap3A_819 = vector.shape_cast %get3A_205 : vector<16xf32> to vector<1x16xf32>
        tpu.vector_store %swap3A_814[%swap3A_815, %swap3A_816], %swap3A_819 {add = true, strides = array<i32>} : memref<128x128xf32, #tpu.memory_space<vmem>>, vector<1x16xf32>,
        %swap3A_820 = arith.constant 0 : i32
        %swap3A_821 = arith.constant 0 : i32
        %swap3A_822 = tpu.memref_slice %arg8[%scan3A_230, %swap3A_820, %swap3A_821] : memref<4x128x128xf32, #tpu.memory_space<vmem>> -> memref<1x128x128xf32, #tpu.memory_space<vmem>>
        %swap3A_823 = tpu.memref_squeeze %swap3A_822 : memref<1x128x128xf32, #tpu.memory_space<vmem>> -> memref<128x128xf32, #tpu.memory_space<vmem>>
        %swap3A_824 = arith.index_cast %add3A_801 : i32 to index
        %swap3A_825 = arith.constant 32 : index
        %swap3A_826 = tpu.vector_load %swap3A_823[%swap3A_824, %swap3A_825] {strides = array<i32>} : memref<128x128xf32, #tpu.memory_space<vmem>>, vector<1x16xf32>,
        %swap3A_827 = vector.shape_cast %swap3A_826 : vector<1x16xf32> to vector<16xf32>
        %swap3A_828 = vector.shape_cast %get3A_209 : vector<16xf32> to vector<1x16xf32>
        tpu.vector_store %swap3A_823[%swap3A_824, %swap3A_825], %swap3A_828 {add = true, strides = array<i32>} : memref<128x128xf32, #tpu.memory_space<vmem>>, vector<1x16xf32>,
        %swap3A_829 = arith.constant 0 : i32
        %swap3A_830 = arith.constant 0 : i32
        %swap3A_831 = tpu.memref_slice %arg8[%scan3A_230, %swap3A_829, %swap3A_830] : memref<4x128x128xf32, #tpu.memory_space<vmem>> -> memref<1x128x128xf32, #tpu.memory_space<vmem>>
        %swap3A_832 = tpu.memref_squeeze %swap3A_831 : memref<1x128x128xf32, #tpu.memory_space<vmem>> -> memref<128x128xf32, #tpu.memory_space<vmem>>
        %swap3A_833 = arith.index_cast %add3A_801 : i32 to index
        %swap3A_834 = arith.constant 48 : index
        %swap3A_835 = tpu.vector_load %swap3A_832[%swap3A_833, %swap3A_834] {strides = array<i32>} : memref<128x128xf32, #tpu.memory_space<vmem>>, vector<1x16xf32>,
        %swap3A_836 = vector.shape_cast %swap3A_835 : vector<1x16xf32> to vector<16xf32>
        %swap3A_837 = vector.shape_cast %get3A_213 : vector<16xf32> to vector<1x16xf32>
        tpu.vector_store %swap3A_832[%swap3A_833, %swap3A_834], %swap3A_837 {add = true, strides = array<i32>} : memref<128x128xf32, #tpu.memory_space<vmem>>, vector<1x16xf32>,
        %swap3A_838 = arith.constant 0 : i32
        %swap3A_839 = arith.constant 0 : i32
        %swap3A_840 = tpu.memref_slice %arg8[%scan3A_230, %swap3A_838, %swap3A_839] : memref<4x128x128xf32, #tpu.memory_space<vmem>> -> memref<1x128x128xf32, #tpu.memory_space<vmem>>
        %swap3A_841 = tpu.memref_squeeze %swap3A_840 : memref<1x128x128xf32, #tpu.memory_space<vmem>> -> memref<128x128xf32, #tpu.memory_space<vmem>>
        %swap3A_842 = arith.index_cast %add3A_801 : i32 to index
        %swap3A_843 = arith.constant 64 : index
        %swap3A_844 = tpu.vector_load %swap3A_841[%swap3A_842, %swap3A_843] {strides = array<i32>} : memref<128x128xf32, #tpu.memory_space<vmem>>, vector<1x16xf32>,
        %swap3A_845 = vector.shape_cast %swap3A_844 : vector<1x16xf32> to vector<16xf32>
        %swap3A_846 = vector.shape_cast %get3A_217 : vector<16xf32> to vector<1x16xf32>
        tpu.vector_store %swap3A_841[%swap3A_842, %swap3A_843], %swap3A_846 {add = true, strides = array<i32>} : memref<128x128xf32, #tpu.memory_space<vmem>>, vector<1x16xf32>,
        %swap3A_847 = arith.constant 0 : i32
        %swap3A_848 = arith.constant 0 : i32
        %swap3A_849 = tpu.memref_slice %arg8[%scan3A_230, %swap3A_847, %swap3A_848] : memref<4x128x128xf32, #tpu.memory_space<vmem>> -> memref<1x128x128xf32, #tpu.memory_space<vmem>>
        %swap3A_850 = tpu.memref_squeeze %swap3A_849 : memref<1x128x128xf32, #tpu.memory_space<vmem>> -> memref<128x128xf32, #tpu.memory_space<vmem>>
        %swap3A_851 = arith.index_cast %add3A_801 : i32 to index
        %swap3A_852 = arith.constant 80 : index
        %swap3A_853 = tpu.vector_load %swap3A_850[%swap3A_851, %swap3A_852] {strides = array<i32>} : memref<128x128xf32, #tpu.memory_space<vmem>>, vector<1x16xf32>,
        %swap3A_854 = vector.shape_cast %swap3A_853 : vector<1x16xf32> to vector<16xf32>
        %swap3A_855 = vector.shape_cast %get3A_221 : vector<16xf32> to vector<1x16xf32>
        tpu.vector_store %swap3A_850[%swap3A_851, %swap3A_852], %swap3A_855 {add = true, strides = array<i32>} : memref<128x128xf32, #tpu.memory_space<vmem>>, vector<1x16xf32>,
        %swap3A_856 = arith.constant 0 : i32
        %swap3A_857 = arith.constant 0 : i32
        %swap3A_858 = tpu.memref_slice %arg8[%scan3A_230, %swap3A_856, %swap3A_857] : memref<4x128x128xf32, #tpu.memory_space<vmem>> -> memref<1x128x128xf32, #tpu.memory_space<vmem>>
        %swap3A_859 = tpu.memref_squeeze %swap3A_858 : memref<1x128x128xf32, #tpu.memory_space<vmem>> -> memref<128x128xf32, #tpu.memory_space<vmem>>
        %swap3A_860 = arith.index_cast %add3A_801 : i32 to index
        %swap3A_861 = arith.constant 96 : index
        %swap3A_862 = tpu.vector_load %swap3A_859[%swap3A_860, %swap3A_861] {strides = array<i32>} : memref<128x128xf32, #tpu.memory_space<vmem>>, vector<1x16xf32>,
        %swap3A_863 = vector.shape_cast %swap3A_862 : vector<1x16xf32> to vector<16xf32>
        %swap3A_864 = vector.shape_cast %get3A_225 : vector<16xf32> to vector<1x16xf32>
        tpu.vector_store %swap3A_859[%swap3A_860, %swap3A_861], %swap3A_864 {add = true, strides = array<i32>} : memref<128x128xf32, #tpu.memory_space<vmem>>, vector<1x16xf32>,
        %swap3A_865 = arith.constant 0 : i32
        %swap3A_866 = arith.constant 0 : i32
        %swap3A_867 = tpu.memref_slice %arg8[%scan3A_230, %swap3A_865, %swap3A_866] : memref<4x128x128xf32, #tpu.memory_space<vmem>> -> memref<1x128x128xf32, #tpu.memory_space<vmem>>
        %swap3A_868 = tpu.memref_squeeze %swap3A_867 : memref<1x128x128xf32, #tpu.memory_space<vmem>> -> memref<128x128xf32, #tpu.memory_space<vmem>>
        %swap3A_869 = arith.index_cast %add3A_801 : i32 to index
        %swap3A_870 = arith.constant 112 : index
        %swap3A_871 = tpu.vector_load %swap3A_868[%swap3A_869, %swap3A_870] {strides = array<i32>} : memref<128x128xf32, #tpu.memory_space<vmem>>, vector<1x16xf32>,
        %swap3A_872 = vector.shape_cast %swap3A_871 : vector<1x16xf32> to vector<16xf32>
        %swap3A_873 = vector.shape_cast %get3A_229 : vector<16xf32> to vector<1x16xf32>
        tpu.vector_store %swap3A_868[%swap3A_869, %swap3A_870], %swap3A_873 {add = true, strides = array<i32>} : memref<128x128xf32, #tpu.memory_space<vmem>>, vector<1x16xf32>,
        %scan3A_874 = arith.constant 2 : i32
        %scan3A_875 = arith.addi %scan3A_719, %scan3A_874 : i32
        %mul3A_876 = arith.constant 1 : i32
        %mul3A_877 = arith.muli %scan3A_875, %mul3A_876 : i32
        %add3A_878 = arith.constant 0 : i32
        %add3A_879 = arith.addi %add3A_878, %mul3A_877 : i32
        %swap3A_880 = arith.constant 0 : i32
        %swap3A_881 = arith.constant 0 : i32
        %swap3A_882 = tpu.memref_slice %arg8[%scan3A_230, %swap3A_880, %swap3A_881] : memref<4x128x128xf32, #tpu.memory_space<vmem>> -> memref<1x128x128xf32, #tpu.memory_space<vmem>>
        %swap3A_883 = tpu.memref_squeeze %swap3A_882 : memref<1x128x128xf32, #tpu.memory_space<vmem>> -> memref<128x128xf32, #tpu.memory_space<vmem>>
        %swap3A_884 = arith.index_cast %add3A_879 : i32 to index
        %swap3A_885 = arith.constant 0 : index
        %swap3A_886 = tpu.vector_load %swap3A_883[%swap3A_884, %swap3A_885] {strides = array<i32>} : memref<128x128xf32, #tpu.memory_space<vmem>>, vector<1x16xf32>,
        %swap3A_887 = vector.shape_cast %swap3A_886 : vector<1x16xf32> to vector<16xf32>
        %swap3A_888 = vector.shape_cast %get3A_201 : vector<16xf32> to vector<1x16xf32>
        tpu.vector_store %swap3A_883[%swap3A_884, %swap3A_885], %swap3A_888 {add = true, strides = array<i32>} : memref<128x128xf32, #tpu.memory_space<vmem>>, vector<1x16xf32>,
        %swap3A_889 = arith.constant 0 : i32
        %swap3A_890 = arith.constant 0 : i32
        %swap3A_891 = tpu.memref_slice %arg8[%scan3A_230, %swap3A_889, %swap3A_890] : memref<4x128x128xf32, #tpu.memory_space<vmem>> -> memref<1x128x128xf32, #tpu.memory_space<vmem>>
        %swap3A_892 = tpu.memref_squeeze %swap3A_891 : memref<1x128x128xf32, #tpu.memory_space<vmem>> -> memref<128x128xf32, #tpu.memory_space<vmem>>
        %swap3A_893 = arith.index_cast %add3A_879 : i32 to index
        %swap3A_894 = arith.constant 16 : index
        %swap3A_895 = tpu.vector_load %swap3A_892[%swap3A_893, %swap3A_894] {strides = array<i32>} : memref<128x128xf32, #tpu.memory_space<vmem>>, vector<1x16xf32>,
        %swap3A_896 = vector.shape_cast %swap3A_895 : vector<1x16xf32> to vector<16xf32>
        %swap3A_897 = vector.shape_cast %get3A_205 : vector<16xf32> to vector<1x16xf32>
        tpu.vector_store %swap3A_892[%swap3A_893, %swap3A_894], %swap3A_897 {add = true, strides = array<i32>} : memref<128x128xf32, #tpu.memory_space<vmem>>, vector<1x16xf32>,
        %swap3A_898 = arith.constant 0 : i32
        %swap3A_899 = arith.constant 0 : i32
        %swap3A_900 = tpu.memref_slice %arg8[%scan3A_230, %swap3A_898, %swap3A_899] : memref<4x128x128xf32, #tpu.memory_space<vmem>> -> memref<1x128x128xf32, #tpu.memory_space<vmem>>
        %swap3A_901 = tpu.memref_squeeze %swap3A_900 : memref<1x128x128xf32, #tpu.memory_space<vmem>> -> memref<128x128xf32, #tpu.memory_space<vmem>>
        %swap3A_902 = arith.index_cast %add3A_879 : i32 to index
        %swap3A_903 = arith.constant 32 : index
        %swap3A_904 = tpu.vector_load %swap3A_901[%swap3A_902, %swap3A_903] {strides = array<i32>} : memref<128x128xf32, #tpu.memory_space<vmem>>, vector<1x16xf32>,
        %swap3A_905 = vector.shape_cast %swap3A_904 : vector<1x16xf32> to vector<16xf32>
        %swap3A_906 = vector.shape_cast %get3A_209 : vector<16xf32> to vector<1x16xf32>
        tpu.vector_store %swap3A_901[%swap3A_902, %swap3A_903], %swap3A_906 {add = true, strides = array<i32>} : memref<128x128xf32, #tpu.memory_space<vmem>>, vector<1x16xf32>,
        %swap3A_907 = arith.constant 0 : i32
        %swap3A_908 = arith.constant 0 : i32
        %swap3A_909 = tpu.memref_slice %arg8[%scan3A_230, %swap3A_907, %swap3A_908] : memref<4x128x128xf32, #tpu.memory_space<vmem>> -> memref<1x128x128xf32, #tpu.memory_space<vmem>>
        %swap3A_910 = tpu.memref_squeeze %swap3A_909 : memref<1x128x128xf32, #tpu.memory_space<vmem>> -> memref<128x128xf32, #tpu.memory_space<vmem>>
        %swap3A_911 = arith.index_cast %add3A_879 : i32 to index
        %swap3A_912 = arith.constant 48 : index
        %swap3A_913 = tpu.vector_load %swap3A_910[%swap3A_911, %swap3A_912] {strides = array<i32>} : memref<128x128xf32, #tpu.memory_space<vmem>>, vector<1x16xf32>,
        %swap3A_914 = vector.shape_cast %swap3A_913 : vector<1x16xf32> to vector<16xf32>
        %swap3A_915 = vector.shape_cast %get3A_213 : vector<16xf32> to vector<1x16xf32>
        tpu.vector_store %swap3A_910[%swap3A_911, %swap3A_912], %swap3A_915 {add = true, strides = array<i32>} : memref<128x128xf32, #tpu.memory_space<vmem>>, vector<1x16xf32>,
        %swap3A_916 = arith.constant 0 : i32
        %swap3A_917 = arith.constant 0 : i32
        %swap3A_918 = tpu.memref_slice %arg8[%scan3A_230, %swap3A_916, %swap3A_917] : memref<4x128x128xf32, #tpu.memory_space<vmem>> -> memref<1x128x128xf32, #tpu.memory_space<vmem>>
        %swap3A_919 = tpu.memref_squeeze %swap3A_918 : memref<1x128x128xf32, #tpu.memory_space<vmem>> -> memref<128x128xf32, #tpu.memory_space<vmem>>
        %swap3A_920 = arith.index_cast %add3A_879 : i32 to index
        %swap3A_921 = arith.constant 64 : index
        %swap3A_922 = tpu.vector_load %swap3A_919[%swap3A_920, %swap3A_921] {strides = array<i32>} : memref<128x128xf32, #tpu.memory_space<vmem>>, vector<1x16xf32>,
        %swap3A_923 = vector.shape_cast %swap3A_922 : vector<1x16xf32> to vector<16xf32>
        %swap3A_924 = vector.shape_cast %get3A_217 : vector<16xf32> to vector<1x16xf32>
        tpu.vector_store %swap3A_919[%swap3A_920, %swap3A_921], %swap3A_924 {add = true, strides = array<i32>} : memref<128x128xf32, #tpu.memory_space<vmem>>, vector<1x16xf32>,
        %swap3A_925 = arith.constant 0 : i32
        %swap3A_926 = arith.constant 0 : i32
        %swap3A_927 = tpu.memref_slice %arg8[%scan3A_230, %swap3A_925, %swap3A_926] : memref<4x128x128xf32, #tpu.memory_space<vmem>> -> memref<1x128x128xf32, #tpu.memory_space<vmem>>
        %swap3A_928 = tpu.memref_squeeze %swap3A_927 : memref<1x128x128xf32, #tpu.memory_space<vmem>> -> memref<128x128xf32, #tpu.memory_space<vmem>>
        %swap3A_929 = arith.index_cast %add3A_879 : i32 to index
        %swap3A_930 = arith.constant 80 : index
        %swap3A_931 = tpu.vector_load %swap3A_928[%swap3A_929, %swap3A_930] {strides = array<i32>} : memref<128x128xf32, #tpu.memory_space<vmem>>, vector<1x16xf32>,
        %swap3A_932 = vector.shape_cast %swap3A_931 : vector<1x16xf32> to vector<16xf32>
        %swap3A_933 = vector.shape_cast %get3A_221 : vector<16xf32> to vector<1x16xf32>
        tpu.vector_store %swap3A_928[%swap3A_929, %swap3A_930], %swap3A_933 {add = true, strides = array<i32>} : memref<128x128xf32, #tpu.memory_space<vmem>>, vector<1x16xf32>,
        %swap3A_934 = arith.constant 0 : i32
        %swap3A_935 = arith.constant 0 : i32
        %swap3A_936 = tpu.memref_slice %arg8[%scan3A_230, %swap3A_934, %swap3A_935] : memref<4x128x128xf32, #tpu.memory_space<vmem>> -> memref<1x128x128xf32, #tpu.memory_space<vmem>>
        %swap3A_937 = tpu.memref_squeeze %swap3A_936 : memref<1x128x128xf32, #tpu.memory_space<vmem>> -> memref<128x128xf32, #tpu.memory_space<vmem>>
        %swap3A_938 = arith.index_cast %add3A_879 : i32 to index
        %swap3A_939 = arith.constant 96 : index
        %swap3A_940 = tpu.vector_load %swap3A_937[%swap3A_938, %swap3A_939] {strides = array<i32>} : memref<128x128xf32, #tpu.memory_space<vmem>>, vector<1x16xf32>,
        %swap3A_941 = vector.shape_cast %swap3A_940 : vector<1x16xf32> to vector<16xf32>
        %swap3A_942 = vector.shape_cast %get3A_225 : vector<16xf32> to vector<1x16xf32>
        tpu.vector_store %swap3A_937[%swap3A_938, %swap3A_939], %swap3A_942 {add = true, strides = array<i32>} : memref<128x128xf32, #tpu.memory_space<vmem>>, vector<1x16xf32>,
        %swap3A_943 = arith.constant 0 : i32
        %swap3A_944 = arith.constant 0 : i32
        %swap3A_945 = tpu.memref_slice %arg8[%scan3A_230, %swap3A_943, %swap3A_944] : memref<4x128x128xf32, #tpu.memory_space<vmem>> -> memref<1x128x128xf32, #tpu.memory_space<vmem>>
        %swap3A_946 = tpu.memref_squeeze %swap3A_945 : memref<1x128x128xf32, #tpu.memory_space<vmem>> -> memref<128x128xf32, #tpu.memory_space<vmem>>
        %swap3A_947 = arith.index_cast %add3A_879 : i32 to index
        %swap3A_948 = arith.constant 112 : index
        %swap3A_949 = tpu.vector_load %swap3A_946[%swap3A_947, %swap3A_948] {strides = array<i32>} : memref<128x128xf32, #tpu.memory_space<vmem>>, vector<1x16xf32>,
        %swap3A_950 = vector.shape_cast %swap3A_949 : vector<1x16xf32> to vector<16xf32>
        %swap3A_951 = vector.shape_cast %get3A_229 : vector<16xf32> to vector<1x16xf32>
        tpu.vector_store %swap3A_946[%swap3A_947, %swap3A_948], %swap3A_951 {add = true, strides = array<i32>} : memref<128x128xf32, #tpu.memory_space<vmem>>, vector<1x16xf32>,
        %scan3A_952 = arith.constant 3 : i32
        %scan3A_953 = arith.addi %scan3A_719, %scan3A_952 : i32
        %mul3A_954 = arith.constant 1 : i32
        %mul3A_955 = arith.muli %scan3A_953, %mul3A_954 : i32
        %add3A_956 = arith.constant 0 : i32
        %add3A_957 = arith.addi %add3A_956, %mul3A_955 : i32
        %swap3A_958 = arith.constant 0 : i32
        %swap3A_959 = arith.constant 0 : i32
        %swap3A_960 = tpu.memref_slice %arg8[%scan3A_230, %swap3A_958, %swap3A_959] : memref<4x128x128xf32, #tpu.memory_space<vmem>> -> memref<1x128x128xf32, #tpu.memory_space<vmem>>
        %swap3A_961 = tpu.memref_squeeze %swap3A_960 : memref<1x128x128xf32, #tpu.memory_space<vmem>> -> memref<128x128xf32, #tpu.memory_space<vmem>>
        %swap3A_962 = arith.index_cast %add3A_957 : i32 to index
        %swap3A_963 = arith.constant 0 : index
        %swap3A_964 = tpu.vector_load %swap3A_961[%swap3A_962, %swap3A_963] {strides = array<i32>} : memref<128x128xf32, #tpu.memory_space<vmem>>, vector<1x16xf32>,
        %swap3A_965 = vector.shape_cast %swap3A_964 : vector<1x16xf32> to vector<16xf32>
        %swap3A_966 = vector.shape_cast %get3A_201 : vector<16xf32> to vector<1x16xf32>
        tpu.vector_store %swap3A_961[%swap3A_962, %swap3A_963], %swap3A_966 {add = true, strides = array<i32>} : memref<128x128xf32, #tpu.memory_space<vmem>>, vector<1x16xf32>,
        %swap3A_967 = arith.constant 0 : i32
        %swap3A_968 = arith.constant 0 : i32
        %swap3A_969 = tpu.memref_slice %arg8[%scan3A_230, %swap3A_967, %swap3A_968] : memref<4x128x128xf32, #tpu.memory_space<vmem>> -> memref<1x128x128xf32, #tpu.memory_space<vmem>>
        %swap3A_970 = tpu.memref_squeeze %swap3A_969 : memref<1x128x128xf32, #tpu.memory_space<vmem>> -> memref<128x128xf32, #tpu.memory_space<vmem>>
        %swap3A_971 = arith.index_cast %add3A_957 : i32 to index
        %swap3A_972 = arith.constant 16 : index
        %swap3A_973 = tpu.vector_load %swap3A_970[%swap3A_971, %swap3A_972] {strides = array<i32>} : memref<128x128xf32, #tpu.memory_space<vmem>>, vector<1x16xf32>,
        %swap3A_974 = vector.shape_cast %swap3A_973 : vector<1x16xf32> to vector<16xf32>
        %swap3A_975 = vector.shape_cast %get3A_205 : vector<16xf32> to vector<1x16xf32>
        tpu.vector_store %swap3A_970[%swap3A_971, %swap3A_972], %swap3A_975 {add = true, strides = array<i32>} : memref<128x128xf32, #tpu.memory_space<vmem>>, vector<1x16xf32>,
        %swap3A_976 = arith.constant 0 : i32
        %swap3A_977 = arith.constant 0 : i32
        %swap3A_978 = tpu.memref_slice %arg8[%scan3A_230, %swap3A_976, %swap3A_977] : memref<4x128x128xf32, #tpu.memory_space<vmem>> -> memref<1x128x128xf32, #tpu.memory_space<vmem>>
        %swap3A_979 = tpu.memref_squeeze %swap3A_978 : memref<1x128x128xf32, #tpu.memory_space<vmem>> -> memref<128x128xf32, #tpu.memory_space<vmem>>
        %swap3A_980 = arith.index_cast %add3A_957 : i32 to index
        %swap3A_981 = arith.constant 32 : index
        %swap3A_982 = tpu.vector_load %swap3A_979[%swap3A_980, %swap3A_981] {strides = array<i32>} : memref<128x128xf32, #tpu.memory_space<vmem>>, vector<1x16xf32>,
        %swap3A_983 = vector.shape_cast %swap3A_982 : vector<1x16xf32> to vector<16xf32>
        %swap3A_984 = vector.shape_cast %get3A_209 : vector<16xf32> to vector<1x16xf32>
        tpu.vector_store %swap3A_979[%swap3A_980, %swap3A_981], %swap3A_984 {add = true, strides = array<i32>} : memref<128x128xf32, #tpu.memory_space<vmem>>, vector<1x16xf32>,
        %swap3A_985 = arith.constant 0 : i32
        %swap3A_986 = arith.constant 0 : i32
        %swap3A_987 = tpu.memref_slice %arg8[%scan3A_230, %swap3A_985, %swap3A_986] : memref<4x128x128xf32, #tpu.memory_space<vmem>> -> memref<1x128x128xf32, #tpu.memory_space<vmem>>
        %swap3A_988 = tpu.memref_squeeze %swap3A_987 : memref<1x128x128xf32, #tpu.memory_space<vmem>> -> memref<128x128xf32, #tpu.memory_space<vmem>>
        %swap3A_989 = arith.index_cast %add3A_957 : i32 to index
        %swap3A_990 = arith.constant 48 : index
        %swap3A_991 = tpu.vector_load %swap3A_988[%swap3A_989, %swap3A_990] {strides = array<i32>} : memref<128x128xf32, #tpu.memory_space<vmem>>, vector<1x16xf32>,
        %swap3A_992 = vector.shape_cast %swap3A_991 : vector<1x16xf32> to vector<16xf32>
        %swap3A_993 = vector.shape_cast %get3A_213 : vector<16xf32> to vector<1x16xf32>
        tpu.vector_store %swap3A_988[%swap3A_989, %swap3A_990], %swap3A_993 {add = true, strides = array<i32>} : memref<128x128xf32, #tpu.memory_space<vmem>>, vector<1x16xf32>,
        %swap3A_994 = arith.constant 0 : i32
        %swap3A_995 = arith.constant 0 : i32
        %swap3A_996 = tpu.memref_slice %arg8[%scan3A_230, %swap3A_994, %swap3A_995] : memref<4x128x128xf32, #tpu.memory_space<vmem>> -> memref<1x128x128xf32, #tpu.memory_space<vmem>>
        %swap3A_997 = tpu.memref_squeeze %swap3A_996 : memref<1x128x128xf32, #tpu.memory_space<vmem>> -> memref<128x128xf32, #tpu.memory_space<vmem>>
        %swap3A_998 = arith.index_cast %add3A_957 : i32 to index
        %swap3A_999 = arith.constant 64 : index
        %swap3A_1000 = tpu.vector_load %swap3A_997[%swap3A_998, %swap3A_999] {strides = array<i32>} : memref<128x128xf32, #tpu.memory_space<vmem>>, vector<1x16xf32>,
        %swap3A_1001 = vector.shape_cast %swap3A_1000 : vector<1x16xf32> to vector<16xf32>
        %swap3A_1002 = vector.shape_cast %get3A_217 : vector<16xf32> to vector<1x16xf32>
        tpu.vector_store %swap3A_997[%swap3A_998, %swap3A_999], %swap3A_1002 {add = true, strides = array<i32>} : memref<128x128xf32, #tpu.memory_space<vmem>>, vector<1x16xf32>,
        %swap3A_1003 = arith.constant 0 : i32
        %swap3A_1004 = arith.constant 0 : i32
        %swap3A_1005 = tpu.memref_slice %arg8[%scan3A_230, %swap3A_1003, %swap3A_1004] : memref<4x128x128xf32, #tpu.memory_space<vmem>> -> memref<1x128x128xf32, #tpu.memory_space<vmem>>
        %swap3A_1006 = tpu.memref_squeeze %swap3A_1005 : memref<1x128x128xf32, #tpu.memory_space<vmem>> -> memref<128x128xf32, #tpu.memory_space<vmem>>
        %swap3A_1007 = arith.index_cast %add3A_957 : i32 to index
        %swap3A_1008 = arith.constant 80 : index
        %swap3A_1009 = tpu.vector_load %swap3A_1006[%swap3A_1007, %swap3A_1008] {strides = array<i32>} : memref<128x128xf32, #tpu.memory_space<vmem>>, vector<1x16xf32>,
        %swap3A_1010 = vector.shape_cast %swap3A_1009 : vector<1x16xf32> to vector<16xf32>
        %swap3A_1011 = vector.shape_cast %get3A_221 : vector<16xf32> to vector<1x16xf32>
        tpu.vector_store %swap3A_1006[%swap3A_1007, %swap3A_1008], %swap3A_1011 {add = true, strides = array<i32>} : memref<128x128xf32, #tpu.memory_space<vmem>>, vector<1x16xf32>,
        %swap3A_1012 = arith.constant 0 : i32
        %swap3A_1013 = arith.constant 0 : i32
        %swap3A_1014 = tpu.memref_slice %arg8[%scan3A_230, %swap3A_1012, %swap3A_1013] : memref<4x128x128xf32, #tpu.memory_space<vmem>> -> memref<1x128x128xf32, #tpu.memory_space<vmem>>
        %swap3A_1015 = tpu.memref_squeeze %swap3A_1014 : memref<1x128x128xf32, #tpu.memory_space<vmem>> -> memref<128x128xf32, #tpu.memory_space<vmem>>
        %swap3A_1016 = arith.index_cast %add3A_957 : i32 to index
        %swap3A_1017 = arith.constant 96 : index
        %swap3A_1018 = tpu.vector_load %swap3A_1015[%swap3A_1016, %swap3A_1017] {strides = array<i32>} : memref<128x128xf32, #tpu.memory_space<vmem>>, vector<1x16xf32>,
        %swap3A_1019 = vector.shape_cast %swap3A_1018 : vector<1x16xf32> to vector<16xf32>
        %swap3A_1020 = vector.shape_cast %get3A_225 : vector<16xf32> to vector<1x16xf32>
        tpu.vector_store %swap3A_1015[%swap3A_1016, %swap3A_1017], %swap3A_1020 {add = true, strides = array<i32>} : memref<128x128xf32, #tpu.memory_space<vmem>>, vector<1x16xf32>,
        %swap3A_1021 = arith.constant 0 : i32
        %swap3A_1022 = arith.constant 0 : i32
        %swap3A_1023 = tpu.memref_slice %arg8[%scan3A_230, %swap3A_1021, %swap3A_1022] : memref<4x128x128xf32, #tpu.memory_space<vmem>> -> memref<1x128x128xf32, #tpu.memory_space<vmem>>
        %swap3A_1024 = tpu.memref_squeeze %swap3A_1023 : memref<1x128x128xf32, #tpu.memory_space<vmem>> -> memref<128x128xf32, #tpu.memory_space<vmem>>
        %swap3A_1025 = arith.index_cast %add3A_957 : i32 to index
        %swap3A_1026 = arith.constant 112 : index
        %swap3A_1027 = tpu.vector_load %swap3A_1024[%swap3A_1025, %swap3A_1026] {strides = array<i32>} : memref<128x128xf32, #tpu.memory_space<vmem>>, vector<1x16xf32>,
        %swap3A_1028 = vector.shape_cast %swap3A_1027 : vector<1x16xf32> to vector<16xf32>
        %swap3A_1029 = vector.shape_cast %get3A_229 : vector<16xf32> to vector<1x16xf32>
        tpu.vector_store %swap3A_1024[%swap3A_1025, %swap3A_1026], %swap3A_1029 {add = true, strides = array<i32>} : memref<128x128xf32, #tpu.memory_space<vmem>>, vector<1x16xf32>,
      }
      %scan3A_235 = arith.constant 128 : i32
      %add3A_236 = vector.broadcast %add3A_182 : i32 to vector<16xi32>
      %add3A_237 = arith.addi %add3A_17, %add3A_236 : vector<16xi32>
      %swap3A = arith.constant 0 : i32
      %swap3A_238 = arith.index_cast %swap3A : i32 to index
      %swap3A_239 = arith.constant 0 : index
      %swap3A_240 = tpu.vector_load %arg9[%swap3A_238, %swap3A_239] {strides = array<i32>} : memref<4x128xi32, #tpu.memory_space<vmem>>, vector<1x16xi32>,
      %swap3A_241 = vector.shape_cast %swap3A_240 : vector<1x16xi32> to vector<16xi32>
      %swap3A_242 = vector.shape_cast %add3A_237 : vector<16xi32> to vector<1x16xi32>
      tpu.vector_store %arg9[%swap3A_238, %swap3A_239], %swap3A_242 {strides = array<i32>} : memref<4x128xi32, #tpu.memory_space<vmem>>, vector<1x16xi32>,
      %add3A_243 = vector.broadcast %add3A_182 : i32 to vector<16xi32>
      %add3A_244 = arith.addi %add3A_27, %add3A_243 : vector<16xi32>
      %swap3A_245 = arith.constant 0 : i32
      %swap3A_246 = arith.index_cast %swap3A_245 : i32 to index
      %swap3A_247 = arith.constant 16 : index
      %swap3A_248 = tpu.vector_load %arg9[%swap3A_246, %swap3A_247] {strides = array<i32>} : memref<4x128xi32, #tpu.memory_space<vmem>>, vector<1x16xi32>,
      %swap3A_249 = vector.shape_cast %swap3A_248 : vector<1x16xi32> to vector<16xi32>
      %swap3A_250 = vector.shape_cast %add3A_244 : vector<16xi32> to vector<1x16xi32>
      tpu.vector_store %arg9[%swap3A_246, %swap3A_247], %swap3A_250 {strides = array<i32>} : memref<4x128xi32, #tpu.memory_space<vmem>>, vector<1x16xi32>,
      %add3A_251 = vector.broadcast %add3A_182 : i32 to vector<16xi32>
      %add3A_252 = arith.addi %add3A_37, %add3A_251 : vector<16xi32>
      %swap3A_253 = arith.constant 0 : i32
      %swap3A_254 = arith.index_cast %swap3A_253 : i32 to index
      %swap3A_255 = arith.constant 32 : index
      %swap3A_256 = tpu.vector_load %arg9[%swap3A_254, %swap3A_255] {strides = array<i32>} : memref<4x128xi32, #tpu.memory_space<vmem>>, vector<1x16xi32>,
      %swap3A_257 = vector.shape_cast %swap3A_256 : vector<1x16xi32> to vector<16xi32>
      %swap3A_258 = vector.shape_cast %add3A_252 : vector<16xi32> to vector<1x16xi32>
      tpu.vector_store %arg9[%swap3A_254, %swap3A_255], %swap3A_258 {strides = array<i32>} : memref<4x128xi32, #tpu.memory_space<vmem>>, vector<1x16xi32>,
      %add3A_259 = vector.broadcast %add3A_182 : i32 to vector<16xi32>
      %add3A_260 = arith.addi %add3A_47, %add3A_259 : vector<16xi32>
      %swap3A_261 = arith.constant 0 : i32
      %swap3A_262 = arith.index_cast %swap3A_261 : i32 to index
      %swap3A_263 = arith.constant 48 : index
      %swap3A_264 = tpu.vector_load %arg9[%swap3A_262, %swap3A_263] {strides = array<i32>} : memref<4x128xi32, #tpu.memory_space<vmem>>, vector<1x16xi32>,
      %swap3A_265 = vector.shape_cast %swap3A_264 : vector<1x16xi32> to vector<16xi32>
      %swap3A_266 = vector.shape_cast %add3A_260 : vector<16xi32> to vector<1x16xi32>
      tpu.vector_store %arg9[%swap3A_262, %swap3A_263], %swap3A_266 {strides = array<i32>} : memref<4x128xi32, #tpu.memory_space<vmem>>, vector<1x16xi32>,
      %add3A_267 = vector.broadcast %add3A_182 : i32 to vector<16xi32>
      %add3A_268 = arith.addi %add3A_57, %add3A_267 : vector<16xi32>
      %swap3A_269 = arith.constant 0 : i32
      %swap3A_270 = arith.index_cast %swap3A_269 : i32 to index
      %swap3A_271 = arith.constant 64 : index
      %swap3A_272 = tpu.vector_load %arg9[%swap3A_270, %swap3A_271] {strides = array<i32>} : memref<4x128xi32, #tpu.memory_space<vmem>>, vector<1x16xi32>,
      %swap3A_273 = vector.shape_cast %swap3A_272 : vector<1x16xi32> to vector<16xi32>
      %swap3A_274 = vector.shape_cast %add3A_268 : vector<16xi32> to vector<1x16xi32>
      tpu.vector_store %arg9[%swap3A_270, %swap3A_271], %swap3A_274 {strides = array<i32>} : memref<4x128xi32, #tpu.memory_space<vmem>>, vector<1x16xi32>,
      %add3A_275 = vector.broadcast %add3A_182 : i32 to vector<16xi32>
      %add3A_276 = arith.addi %add3A_67, %add3A_275 : vector<16xi32>
      %swap3A_277 = arith.constant 0 : i32
      %swap3A_278 = arith.index_cast %swap3A_277 : i32 to index
      %swap3A_279 = arith.constant 80 : index
      %swap3A_280 = tpu.vector_load %arg9[%swap3A_278, %swap3A_279] {strides = array<i32>} : memref<4x128xi32, #tpu.memory_space<vmem>>, vector<1x16xi32>,
      %swap3A_281 = vector.shape_cast %swap3A_280 : vector<1x16xi32> to vector<16xi32>
      %swap3A_282 = vector.shape_cast %add3A_276 : vector<16xi32> to vector<1x16xi32>
      tpu.vector_store %arg9[%swap3A_278, %swap3A_279], %swap3A_282 {strides = array<i32>} : memref<4x128xi32, #tpu.memory_space<vmem>>, vector<1x16xi32>,
      %add3A_283 = vector.broadcast %add3A_182 : i32 to vector<16xi32>
      %add3A_284 = arith.addi %add3A_77, %add3A_283 : vector<16xi32>
      %swap3A_285 = arith.constant 0 : i32
      %swap3A_286 = arith.index_cast %swap3A_285 : i32 to index
      %swap3A_287 = arith.constant 96 : index
      %swap3A_288 = tpu.vector_load %arg9[%swap3A_286, %swap3A_287] {strides = array<i32>} : memref<4x128xi32, #tpu.memory_space<vmem>>, vector<1x16xi32>,
      %swap3A_289 = vector.shape_cast %swap3A_288 : vector<1x16xi32> to vector<16xi32>
      %swap3A_290 = vector.shape_cast %add3A_284 : vector<16xi32> to vector<1x16xi32>
      tpu.vector_store %arg9[%swap3A_286, %swap3A_287], %swap3A_290 {strides = array<i32>} : memref<4x128xi32, #tpu.memory_space<vmem>>, vector<1x16xi32>,
      %add3A_291 = vector.broadcast %add3A_182 : i32 to vector<16xi32>
      %add3A_292 = arith.addi %add3A_87, %add3A_291 : vector<16xi32>
      %swap3A_293 = arith.constant 0 : i32
      %swap3A_294 = arith.index_cast %swap3A_293 : i32 to index
      %swap3A_295 = arith.constant 112 : index
      %swap3A_296 = tpu.vector_load %arg9[%swap3A_294, %swap3A_295] {strides = array<i32>} : memref<4x128xi32, #tpu.memory_space<vmem>>, vector<1x16xi32>,
      %swap3A_297 = vector.shape_cast %swap3A_296 : vector<1x16xi32> to vector<16xi32>
      %swap3A_298 = vector.shape_cast %add3A_292 : vector<16xi32> to vector<1x16xi32>
      tpu.vector_store %arg9[%swap3A_294, %swap3A_295], %swap3A_298 {strides = array<i32>} : memref<4x128xi32, #tpu.memory_space<vmem>>, vector<1x16xi32>,
      %dma_start3A_299 = arith.constant 0 : i32
      %dma_start3A_300 = arith.constant 0 : i32
      %dma_start3A_301 = arith.constant 0 : i32
      %dma_start3A_302 = arith.constant 0 : i32
      %dma_start3A_303 = tpu.memref_slice %arg8[%dma_start3A_299, %dma_start3A_301, %dma_start3A_302] : memref<4x128x128xf32, #tpu.memory_space<vmem>> -> memref<1x128x128xf32, #tpu.memory_space<vmem>>
      %dma_start3A_304 = tpu.memref_squeeze %dma_start3A_303 : memref<1x128x128xf32, #tpu.memory_space<vmem>> -> memref<128x128xf32, #tpu.memory_space<vmem>>
      %dma_start3A_305 = arith.constant 0 : i32
      %dma_start3A_306 = tpu.memref_slice %arg9[%dma_start3A_300, %dma_start3A_305] : memref<4x128xi32, #tpu.memory_space<vmem>> -> memref<1x128xi32, #tpu.memory_space<vmem>>
      %dma_start3A_307 = tpu.memref_squeeze %dma_start3A_306 : memref<1x128xi32, #tpu.memory_space<vmem>> -> memref<128xi32, #tpu.memory_space<vmem>>
      %dma_start3A_308 = arith.constant 0 : i32
      %dma_start3A_309 = arith.constant 0 : i32
      %dma_start3A_310 = tpu.memref_slice %arg5[%dma_start3A_308, %dma_start3A_309] : memref<819200x128xf32, #tpu.memory_space<hbm>> -> memref<819200x128xf32, #tpu.memory_space<hbm>>
      tpu.enqueue_indirect_dma source(%dma_start3A_304 : memref<128x128xf32, #tpu.memory_space<vmem>>) target(%dma_start3A_310 : memref<819200x128xf32, #tpu.memory_space<hbm>>) offsets(%dma_start3A_307 : memref<128xi32, #tpu.memory_space<vmem>>) semaphore(%arg14 : memref<!tpu.dma_semaphore, #tpu.memory_space<semaphore_mem>>)
      %add3A_311 = arith.constant 1 : i32
      %add3A_312 = arith.addi %add3A_180, %add3A_311 : i32
      %dma_wait3A_313 = arith.constant 1 : i32
      %dma_wait3A_314 = arith.constant 0 : i32
      %dma_wait3A_315 = arith.constant 0 : i32
      %dma_wait3A_316 = tpu.memref_slice %arg8[%dma_wait3A_313, %dma_wait3A_314, %dma_wait3A_315] : memref<4x128x128xf32, #tpu.memory_space<vmem>> -> memref<1x128x128xf32, #tpu.memory_space<vmem>>
      %dma_wait3A_317 = tpu.memref_squeeze %dma_wait3A_316 : memref<1x128x128xf32, #tpu.memory_space<vmem>> -> memref<128x128xf32, #tpu.memory_space<vmem>>
      %dma_wait3A_318 = arith.constant 0 : i32
      %dma_wait3A_319 = tpu.memref_slice %arg6[%add3A_312, %dma_wait3A_318] : memref<200x128xi32, #tpu.memory_space<vmem>> -> memref<1x128xi32, #tpu.memory_space<vmem>>
      %dma_wait3A_320 = tpu.memref_squeeze %dma_wait3A_319 : memref<1x128xi32, #tpu.memory_space<vmem>> -> memref<128xi32, #tpu.memory_space<vmem>>
      %dma_wait3A_321 = arith.constant 0 : i32
      %dma_wait3A_322 = arith.constant 0 : i32
      %dma_wait3A_323 = tpu.memref_slice %arg3[%dma_wait3A_321, %dma_wait3A_322] : memref<100000x128xf32, #tpu.memory_space<hbm>> -> memref<100000x128xf32, #tpu.memory_space<hbm>>
      tpu.wait_indirect_dma semaphore(%arg11 : memref<!tpu.dma_semaphore, #tpu.memory_space<semaphore_mem>>) src(%dma_wait3A_323 : memref<100000x128xf32, #tpu.memory_space<hbm>>) dst(%dma_wait3A_317 : memref<128x128xf32, #tpu.memory_space<vmem>>)
      %add3A_324 = arith.constant 4 : i32
      %add3A_325 = arith.addi %add3A_312, %add3A_324 : i32
      %sub3A_326 = arith.constant 1 : i32
      %sub3A_327 = arith.subi %add3A_325, %sub3A_326 : i32
      %lt3A_328 = arith.constant 200 : i32
      %lt3A_329 = arith.cmpi slt, %sub3A_327, %lt3A_328 : i32
      %convert_element_type3A_330 = arith.extui %lt3A_329 : i1 to i32
      %cond3A_331 = arith.constant 0 : i32
      %cond3A_332 = arith.cmpi ne, %convert_element_type3A_330, %cond3A_331 : i32
      scf.if %cond3A_332 {
        %gt3A = arith.constant 0 : i32
        %gt3A_719 = arith.cmpi sgt, %add3A_312, %gt3A : i32
        %convert_element_type3A_720 = arith.extui %gt3A_719 : i1 to i32
        %cond3A_721 = arith.constant 0 : i32
        %cond3A_722 = arith.cmpi ne, %convert_element_type3A_720, %cond3A_721 : i32
        scf.if %cond3A_722 {
          %dma_wait3A_734 = arith.constant 0 : i32
          %dma_wait3A_735 = arith.constant 0 : i32
          %dma_wait3A_736 = arith.constant 0 : i32
          %dma_wait3A_737 = arith.constant 0 : i32
          %dma_wait3A_738 = tpu.memref_slice %arg8[%dma_wait3A_734, %dma_wait3A_736, %dma_wait3A_737] : memref<4x128x128xf32, #tpu.memory_space<vmem>> -> memref<1x128x128xf32, #tpu.memory_space<vmem>>
          %dma_wait3A_739 = tpu.memref_squeeze %dma_wait3A_738 : memref<1x128x128xf32, #tpu.memory_space<vmem>> -> memref<128x128xf32, #tpu.memory_space<vmem>>
          %dma_wait3A_740 = arith.constant 0 : i32
          %dma_wait3A_741 = tpu.memref_slice %arg9[%dma_wait3A_735, %dma_wait3A_740] : memref<4x128xi32, #tpu.memory_space<vmem>> -> memref<1x128xi32, #tpu.memory_space<vmem>>
          %dma_wait3A_742 = tpu.memref_squeeze %dma_wait3A_741 : memref<1x128xi32, #tpu.memory_space<vmem>> -> memref<128xi32, #tpu.memory_space<vmem>>
          %dma_wait3A_743 = arith.constant 0 : i32
          %dma_wait3A_744 = arith.constant 0 : i32
          %dma_wait3A_745 = tpu.memref_slice %arg5[%dma_wait3A_743, %dma_wait3A_744] : memref<819200x128xf32, #tpu.memory_space<hbm>> -> memref<819200x128xf32, #tpu.memory_space<hbm>>
          tpu.wait_indirect_dma semaphore(%arg14 : memref<!tpu.dma_semaphore, #tpu.memory_space<semaphore_mem>>) src(%dma_wait3A_739 : memref<128x128xf32, #tpu.memory_space<vmem>>) dst(%dma_wait3A_745 : memref<819200x128xf32, #tpu.memory_space<hbm>>)
        } else {
        }
        %dma_start3A_723 = arith.constant 0 : i32
        %dma_start3A_724 = arith.constant 0 : i32
        %dma_start3A_725 = arith.constant 0 : i32
        %dma_start3A_726 = tpu.memref_slice %arg8[%dma_start3A_723, %dma_start3A_724, %dma_start3A_725] : memref<4x128x128xf32, #tpu.memory_space<vmem>> -> memref<1x128x128xf32, #tpu.memory_space<vmem>>
        %dma_start3A_727 = tpu.memref_squeeze %dma_start3A_726 : memref<1x128x128xf32, #tpu.memory_space<vmem>> -> memref<128x128xf32, #tpu.memory_space<vmem>>
        %dma_start3A_728 = arith.constant 0 : i32
        %dma_start3A_729 = tpu.memref_slice %arg6[%sub3A_327, %dma_start3A_728] : memref<200x128xi32, #tpu.memory_space<vmem>> -> memref<1x128xi32, #tpu.memory_space<vmem>>
        %dma_start3A_730 = tpu.memref_squeeze %dma_start3A_729 : memref<1x128xi32, #tpu.memory_space<vmem>> -> memref<128xi32, #tpu.memory_space<vmem>>
        %dma_start3A_731 = arith.constant 0 : i32
        %dma_start3A_732 = arith.constant 0 : i32
        %dma_start3A_733 = tpu.memref_slice %arg3[%dma_start3A_731, %dma_start3A_732] : memref<100000x128xf32, #tpu.memory_space<hbm>> -> memref<100000x128xf32, #tpu.memory_space<hbm>>
        tpu.enqueue_indirect_dma source(%dma_start3A_733 : memref<100000x128xf32, #tpu.memory_space<hbm>>) target(%dma_start3A_727 : memref<128x128xf32, #tpu.memory_space<vmem>>) offsets(%dma_start3A_730 : memref<128xi32, #tpu.memory_space<vmem>>) semaphore(%arg10 : memref<!tpu.dma_semaphore, #tpu.memory_space<semaphore_mem>>)
      } else {
      }
      %get3A_333 = arith.index_cast %add3A_312 : i32 to index
      %get3A_334 = arith.constant 0 : index
      %get3A_335 = tpu.vector_load %arg7[%get3A_333, %get3A_334] {strides = array<i32>} : memref<200x128xf32, #tpu.memory_space<vmem>>, vector<1x16xf32>,
      %get3A_336 = vector.shape_cast %get3A_335 : vector<1x16xf32> to vector<16xf32>
      %get3A_337 = arith.index_cast %add3A_312 : i32 to index
      %get3A_338 = arith.constant 16 : index
      %get3A_339 = tpu.vector_load %arg7[%get3A_337, %get3A_338] {strides = array<i32>} : memref<200x128xf32, #tpu.memory_space<vmem>>, vector<1x16xf32>,
      %get3A_340 = vector.shape_cast %get3A_339 : vector<1x16xf32> to vector<16xf32>
      %get3A_341 = arith.index_cast %add3A_312 : i32 to index
      %get3A_342 = arith.constant 32 : index
      %get3A_343 = tpu.vector_load %arg7[%get3A_341, %get3A_342] {strides = array<i32>} : memref<200x128xf32, #tpu.memory_space<vmem>>, vector<1x16xf32>,
      %get3A_344 = vector.shape_cast %get3A_343 : vector<1x16xf32> to vector<16xf32>
      %get3A_345 = arith.index_cast %add3A_312 : i32 to index
      %get3A_346 = arith.constant 48 : index
      %get3A_347 = tpu.vector_load %arg7[%get3A_345, %get3A_346] {strides = array<i32>} : memref<200x128xf32, #tpu.memory_space<vmem>>, vector<1x16xf32>,
      %get3A_348 = vector.shape_cast %get3A_347 : vector<1x16xf32> to vector<16xf32>
      %get3A_349 = arith.index_cast %add3A_312 : i32 to index
      %get3A_350 = arith.constant 64 : index
      %get3A_351 = tpu.vector_load %arg7[%get3A_349, %get3A_350] {strides = array<i32>} : memref<200x128xf32, #tpu.memory_space<vmem>>, vector<1x16xf32>,
      %get3A_352 = vector.shape_cast %get3A_351 : vector<1x16xf32> to vector<16xf32>
      %get3A_353 = arith.index_cast %add3A_312 : i32 to index
      %get3A_354 = arith.constant 80 : index
      %get3A_355 = tpu.vector_load %arg7[%get3A_353, %get3A_354] {strides = array<i32>} : memref<200x128xf32, #tpu.memory_space<vmem>>, vector<1x16xf32>,
      %get3A_356 = vector.shape_cast %get3A_355 : vector<1x16xf32> to vector<16xf32>
      %get3A_357 = arith.index_cast %add3A_312 : i32 to index
      %get3A_358 = arith.constant 96 : index
      %get3A_359 = tpu.vector_load %arg7[%get3A_357, %get3A_358] {strides = array<i32>} : memref<200x128xf32, #tpu.memory_space<vmem>>, vector<1x16xf32>,
      %get3A_360 = vector.shape_cast %get3A_359 : vector<1x16xf32> to vector<16xf32>
      %get3A_361 = arith.index_cast %add3A_312 : i32 to index
      %get3A_362 = arith.constant 112 : index
      %get3A_363 = tpu.vector_load %arg7[%get3A_361, %get3A_362] {strides = array<i32>} : memref<200x128xf32, #tpu.memory_space<vmem>>, vector<1x16xf32>,
      %get3A_364 = vector.shape_cast %get3A_363 : vector<1x16xf32> to vector<16xf32>
      %scan3A_365 = arith.constant 1 : i32
      %scan3A_366 = arith.constant 0 : i32
      %scan3A_367 = arith.constant 128 : i32
      %scan3A_368 = arith.addi %scan3A_366, %scan3A_367 : i32
      %scan3A_369 = arith.constant 4 : i32
      scf.for %scan3A_719 = %scan3A_366 to %scan3A_368 step %scan3A_369  : i32 {
        %mul3A_720 = arith.constant 1 : i32
        %mul3A_721 = arith.muli %scan3A_719, %mul3A_720 : i32
        %add3A_722 = arith.constant 0 : i32
        %add3A_723 = arith.addi %add3A_722, %mul3A_721 : i32
        %swap3A_724 = arith.constant 0 : i32
        %swap3A_725 = arith.constant 0 : i32
        %swap3A_726 = tpu.memref_slice %arg8[%scan3A_365, %swap3A_724, %swap3A_725] : memref<4x128x128xf32, #tpu.memory_space<vmem>> -> memref<1x128x128xf32, #tpu.memory_space<vmem>>
        %swap3A_727 = tpu.memref_squeeze %swap3A_726 : memref<1x128x128xf32, #tpu.memory_space<vmem>> -> memref<128x128xf32, #tpu.memory_space<vmem>>
        %swap3A_728 = arith.index_cast %add3A_723 : i32 to index
        %swap3A_729 = arith.constant 0 : index
        %swap3A_730 = tpu.vector_load %swap3A_727[%swap3A_728, %swap3A_729] {strides = array<i32>} : memref<128x128xf32, #tpu.memory_space<vmem>>, vector<1x16xf32>,
        %swap3A_731 = vector.shape_cast %swap3A_730 : vector<1x16xf32> to vector<16xf32>
        %swap3A_732 = vector.shape_cast %get3A_336 : vector<16xf32> to vector<1x16xf32>
        tpu.vector_store %swap3A_727[%swap3A_728, %swap3A_729], %swap3A_732 {add = true, strides = array<i32>} : memref<128x128xf32, #tpu.memory_space<vmem>>, vector<1x16xf32>,
        %swap3A_733 = arith.constant 0 : i32
        %swap3A_734 = arith.constant 0 : i32
        %swap3A_735 = tpu.memref_slice %arg8[%scan3A_365, %swap3A_733, %swap3A_734] : memref<4x128x128xf32, #tpu.memory_space<vmem>> -> memref<1x128x128xf32, #tpu.memory_space<vmem>>
        %swap3A_736 = tpu.memref_squeeze %swap3A_735 : memref<1x128x128xf32, #tpu.memory_space<vmem>> -> memref<128x128xf32, #tpu.memory_space<vmem>>
        %swap3A_737 = arith.index_cast %add3A_723 : i32 to index
        %swap3A_738 = arith.constant 16 : index
        %swap3A_739 = tpu.vector_load %swap3A_736[%swap3A_737, %swap3A_738] {strides = array<i32>} : memref<128x128xf32, #tpu.memory_space<vmem>>, vector<1x16xf32>,
        %swap3A_740 = vector.shape_cast %swap3A_739 : vector<1x16xf32> to vector<16xf32>
        %swap3A_741 = vector.shape_cast %get3A_340 : vector<16xf32> to vector<1x16xf32>
        tpu.vector_store %swap3A_736[%swap3A_737, %swap3A_738], %swap3A_741 {add = true, strides = array<i32>} : memref<128x128xf32, #tpu.memory_space<vmem>>, vector<1x16xf32>,
        %swap3A_742 = arith.constant 0 : i32
        %swap3A_743 = arith.constant 0 : i32
        %swap3A_744 = tpu.memref_slice %arg8[%scan3A_365, %swap3A_742, %swap3A_743] : memref<4x128x128xf32, #tpu.memory_space<vmem>> -> memref<1x128x128xf32, #tpu.memory_space<vmem>>
        %swap3A_745 = tpu.memref_squeeze %swap3A_744 : memref<1x128x128xf32, #tpu.memory_space<vmem>> -> memref<128x128xf32, #tpu.memory_space<vmem>>
        %swap3A_746 = arith.index_cast %add3A_723 : i32 to index
        %swap3A_747 = arith.constant 32 : index
        %swap3A_748 = tpu.vector_load %swap3A_745[%swap3A_746, %swap3A_747] {strides = array<i32>} : memref<128x128xf32, #tpu.memory_space<vmem>>, vector<1x16xf32>,
        %swap3A_749 = vector.shape_cast %swap3A_748 : vector<1x16xf32> to vector<16xf32>
        %swap3A_750 = vector.shape_cast %get3A_344 : vector<16xf32> to vector<1x16xf32>
        tpu.vector_store %swap3A_745[%swap3A_746, %swap3A_747], %swap3A_750 {add = true, strides = array<i32>} : memref<128x128xf32, #tpu.memory_space<vmem>>, vector<1x16xf32>,
        %swap3A_751 = arith.constant 0 : i32
        %swap3A_752 = arith.constant 0 : i32
        %swap3A_753 = tpu.memref_slice %arg8[%scan3A_365, %swap3A_751, %swap3A_752] : memref<4x128x128xf32, #tpu.memory_space<vmem>> -> memref<1x128x128xf32, #tpu.memory_space<vmem>>
        %swap3A_754 = tpu.memref_squeeze %swap3A_753 : memref<1x128x128xf32, #tpu.memory_space<vmem>> -> memref<128x128xf32, #tpu.memory_space<vmem>>
        %swap3A_755 = arith.index_cast %add3A_723 : i32 to index
        %swap3A_756 = arith.constant 48 : index
        %swap3A_757 = tpu.vector_load %swap3A_754[%swap3A_755, %swap3A_756] {strides = array<i32>} : memref<128x128xf32, #tpu.memory_space<vmem>>, vector<1x16xf32>,
        %swap3A_758 = vector.shape_cast %swap3A_757 : vector<1x16xf32> to vector<16xf32>
        %swap3A_759 = vector.shape_cast %get3A_348 : vector<16xf32> to vector<1x16xf32>
        tpu.vector_store %swap3A_754[%swap3A_755, %swap3A_756], %swap3A_759 {add = true, strides = array<i32>} : memref<128x128xf32, #tpu.memory_space<vmem>>, vector<1x16xf32>,
        %swap3A_760 = arith.constant 0 : i32
        %swap3A_761 = arith.constant 0 : i32
        %swap3A_762 = tpu.memref_slice %arg8[%scan3A_365, %swap3A_760, %swap3A_761] : memref<4x128x128xf32, #tpu.memory_space<vmem>> -> memref<1x128x128xf32, #tpu.memory_space<vmem>>
        %swap3A_763 = tpu.memref_squeeze %swap3A_762 : memref<1x128x128xf32, #tpu.memory_space<vmem>> -> memref<128x128xf32, #tpu.memory_space<vmem>>
        %swap3A_764 = arith.index_cast %add3A_723 : i32 to index
        %swap3A_765 = arith.constant 64 : index
        %swap3A_766 = tpu.vector_load %swap3A_763[%swap3A_764, %swap3A_765] {strides = array<i32>} : memref<128x128xf32, #tpu.memory_space<vmem>>, vector<1x16xf32>,
        %swap3A_767 = vector.shape_cast %swap3A_766 : vector<1x16xf32> to vector<16xf32>
        %swap3A_768 = vector.shape_cast %get3A_352 : vector<16xf32> to vector<1x16xf32>
        tpu.vector_store %swap3A_763[%swap3A_764, %swap3A_765], %swap3A_768 {add = true, strides = array<i32>} : memref<128x128xf32, #tpu.memory_space<vmem>>, vector<1x16xf32>,
        %swap3A_769 = arith.constant 0 : i32
        %swap3A_770 = arith.constant 0 : i32
        %swap3A_771 = tpu.memref_slice %arg8[%scan3A_365, %swap3A_769, %swap3A_770] : memref<4x128x128xf32, #tpu.memory_space<vmem>> -> memref<1x128x128xf32, #tpu.memory_space<vmem>>
        %swap3A_772 = tpu.memref_squeeze %swap3A_771 : memref<1x128x128xf32, #tpu.memory_space<vmem>> -> memref<128x128xf32, #tpu.memory_space<vmem>>
        %swap3A_773 = arith.index_cast %add3A_723 : i32 to index
        %swap3A_774 = arith.constant 80 : index
        %swap3A_775 = tpu.vector_load %swap3A_772[%swap3A_773, %swap3A_774] {strides = array<i32>} : memref<128x128xf32, #tpu.memory_space<vmem>>, vector<1x16xf32>,
        %swap3A_776 = vector.shape_cast %swap3A_775 : vector<1x16xf32> to vector<16xf32>
        %swap3A_777 = vector.shape_cast %get3A_356 : vector<16xf32> to vector<1x16xf32>
        tpu.vector_store %swap3A_772[%swap3A_773, %swap3A_774], %swap3A_777 {add = true, strides = array<i32>} : memref<128x128xf32, #tpu.memory_space<vmem>>, vector<1x16xf32>,
        %swap3A_778 = arith.constant 0 : i32
        %swap3A_779 = arith.constant 0 : i32
        %swap3A_780 = tpu.memref_slice %arg8[%scan3A_365, %swap3A_778, %swap3A_779] : memref<4x128x128xf32, #tpu.memory_space<vmem>> -> memref<1x128x128xf32, #tpu.memory_space<vmem>>
        %swap3A_781 = tpu.memref_squeeze %swap3A_780 : memref<1x128x128xf32, #tpu.memory_space<vmem>> -> memref<128x128xf32, #tpu.memory_space<vmem>>
        %swap3A_782 = arith.index_cast %add3A_723 : i32 to index
        %swap3A_783 = arith.constant 96 : index
        %swap3A_784 = tpu.vector_load %swap3A_781[%swap3A_782, %swap3A_783] {strides = array<i32>} : memref<128x128xf32, #tpu.memory_space<vmem>>, vector<1x16xf32>,
        %swap3A_785 = vector.shape_cast %swap3A_784 : vector<1x16xf32> to vector<16xf32>
        %swap3A_786 = vector.shape_cast %get3A_360 : vector<16xf32> to vector<1x16xf32>
        tpu.vector_store %swap3A_781[%swap3A_782, %swap3A_783], %swap3A_786 {add = true, strides = array<i32>} : memref<128x128xf32, #tpu.memory_space<vmem>>, vector<1x16xf32>,
        %swap3A_787 = arith.constant 0 : i32
        %swap3A_788 = arith.constant 0 : i32
        %swap3A_789 = tpu.memref_slice %arg8[%scan3A_365, %swap3A_787, %swap3A_788] : memref<4x128x128xf32, #tpu.memory_space<vmem>> -> memref<1x128x128xf32, #tpu.memory_space<vmem>>
        %swap3A_790 = tpu.memref_squeeze %swap3A_789 : memref<1x128x128xf32, #tpu.memory_space<vmem>> -> memref<128x128xf32, #tpu.memory_space<vmem>>
        %swap3A_791 = arith.index_cast %add3A_723 : i32 to index
        %swap3A_792 = arith.constant 112 : index
        %swap3A_793 = tpu.vector_load %swap3A_790[%swap3A_791, %swap3A_792] {strides = array<i32>} : memref<128x128xf32, #tpu.memory_space<vmem>>, vector<1x16xf32>,
        %swap3A_794 = vector.shape_cast %swap3A_793 : vector<1x16xf32> to vector<16xf32>
        %swap3A_795 = vector.shape_cast %get3A_364 : vector<16xf32> to vector<1x16xf32>
        tpu.vector_store %swap3A_790[%swap3A_791, %swap3A_792], %swap3A_795 {add = true, strides = array<i32>} : memref<128x128xf32, #tpu.memory_space<vmem>>, vector<1x16xf32>,
        %scan3A_796 = arith.constant 1 : i32
        %scan3A_797 = arith.addi %scan3A_719, %scan3A_796 : i32
        %mul3A_798 = arith.constant 1 : i32
        %mul3A_799 = arith.muli %scan3A_797, %mul3A_798 : i32
        %add3A_800 = arith.constant 0 : i32
        %add3A_801 = arith.addi %add3A_800, %mul3A_799 : i32
        %swap3A_802 = arith.constant 0 : i32
        %swap3A_803 = arith.constant 0 : i32
        %swap3A_804 = tpu.memref_slice %arg8[%scan3A_365, %swap3A_802, %swap3A_803] : memref<4x128x128xf32, #tpu.memory_space<vmem>> -> memref<1x128x128xf32, #tpu.memory_space<vmem>>
        %swap3A_805 = tpu.memref_squeeze %swap3A_804 : memref<1x128x128xf32, #tpu.memory_space<vmem>> -> memref<128x128xf32, #tpu.memory_space<vmem>>
        %swap3A_806 = arith.index_cast %add3A_801 : i32 to index
        %swap3A_807 = arith.constant 0 : index
        %swap3A_808 = tpu.vector_load %swap3A_805[%swap3A_806, %swap3A_807] {strides = array<i32>} : memref<128x128xf32, #tpu.memory_space<vmem>>, vector<1x16xf32>,
        %swap3A_809 = vector.shape_cast %swap3A_808 : vector<1x16xf32> to vector<16xf32>
        %swap3A_810 = vector.shape_cast %get3A_336 : vector<16xf32> to vector<1x16xf32>
        tpu.vector_store %swap3A_805[%swap3A_806, %swap3A_807], %swap3A_810 {add = true, strides = array<i32>} : memref<128x128xf32, #tpu.memory_space<vmem>>, vector<1x16xf32>,
        %swap3A_811 = arith.constant 0 : i32
        %swap3A_812 = arith.constant 0 : i32
        %swap3A_813 = tpu.memref_slice %arg8[%scan3A_365, %swap3A_811, %swap3A_812] : memref<4x128x128xf32, #tpu.memory_space<vmem>> -> memref<1x128x128xf32, #tpu.memory_space<vmem>>
        %swap3A_814 = tpu.memref_squeeze %swap3A_813 : memref<1x128x128xf32, #tpu.memory_space<vmem>> -> memref<128x128xf32, #tpu.memory_space<vmem>>
        %swap3A_815 = arith.index_cast %add3A_801 : i32 to index
        %swap3A_816 = arith.constant 16 : index
        %swap3A_817 = tpu.vector_load %swap3A_814[%swap3A_815, %swap3A_816] {strides = array<i32>} : memref<128x128xf32, #tpu.memory_space<vmem>>, vector<1x16xf32>,
        %swap3A_818 = vector.shape_cast %swap3A_817 : vector<1x16xf32> to vector<16xf32>
        %swap3A_819 = vector.shape_cast %get3A_340 : vector<16xf32> to vector<1x16xf32>
        tpu.vector_store %swap3A_814[%swap3A_815, %swap3A_816], %swap3A_819 {add = true, strides = array<i32>} : memref<128x128xf32, #tpu.memory_space<vmem>>, vector<1x16xf32>,
        %swap3A_820 = arith.constant 0 : i32
        %swap3A_821 = arith.constant 0 : i32
        %swap3A_822 = tpu.memref_slice %arg8[%scan3A_365, %swap3A_820, %swap3A_821] : memref<4x128x128xf32, #tpu.memory_space<vmem>> -> memref<1x128x128xf32, #tpu.memory_space<vmem>>
        %swap3A_823 = tpu.memref_squeeze %swap3A_822 : memref<1x128x128xf32, #tpu.memory_space<vmem>> -> memref<128x128xf32, #tpu.memory_space<vmem>>
        %swap3A_824 = arith.index_cast %add3A_801 : i32 to index
        %swap3A_825 = arith.constant 32 : index
        %swap3A_826 = tpu.vector_load %swap3A_823[%swap3A_824, %swap3A_825] {strides = array<i32>} : memref<128x128xf32, #tpu.memory_space<vmem>>, vector<1x16xf32>,
        %swap3A_827 = vector.shape_cast %swap3A_826 : vector<1x16xf32> to vector<16xf32>
        %swap3A_828 = vector.shape_cast %get3A_344 : vector<16xf32> to vector<1x16xf32>
        tpu.vector_store %swap3A_823[%swap3A_824, %swap3A_825], %swap3A_828 {add = true, strides = array<i32>} : memref<128x128xf32, #tpu.memory_space<vmem>>, vector<1x16xf32>,
        %swap3A_829 = arith.constant 0 : i32
        %swap3A_830 = arith.constant 0 : i32
        %swap3A_831 = tpu.memref_slice %arg8[%scan3A_365, %swap3A_829, %swap3A_830] : memref<4x128x128xf32, #tpu.memory_space<vmem>> -> memref<1x128x128xf32, #tpu.memory_space<vmem>>
        %swap3A_832 = tpu.memref_squeeze %swap3A_831 : memref<1x128x128xf32, #tpu.memory_space<vmem>> -> memref<128x128xf32, #tpu.memory_space<vmem>>
        %swap3A_833 = arith.index_cast %add3A_801 : i32 to index
        %swap3A_834 = arith.constant 48 : index
        %swap3A_835 = tpu.vector_load %swap3A_832[%swap3A_833, %swap3A_834] {strides = array<i32>} : memref<128x128xf32, #tpu.memory_space<vmem>>, vector<1x16xf32>,
        %swap3A_836 = vector.shape_cast %swap3A_835 : vector<1x16xf32> to vector<16xf32>
        %swap3A_837 = vector.shape_cast %get3A_348 : vector<16xf32> to vector<1x16xf32>
        tpu.vector_store %swap3A_832[%swap3A_833, %swap3A_834], %swap3A_837 {add = true, strides = array<i32>} : memref<128x128xf32, #tpu.memory_space<vmem>>, vector<1x16xf32>,
        %swap3A_838 = arith.constant 0 : i32
        %swap3A_839 = arith.constant 0 : i32
        %swap3A_840 = tpu.memref_slice %arg8[%scan3A_365, %swap3A_838, %swap3A_839] : memref<4x128x128xf32, #tpu.memory_space<vmem>> -> memref<1x128x128xf32, #tpu.memory_space<vmem>>
        %swap3A_841 = tpu.memref_squeeze %swap3A_840 : memref<1x128x128xf32, #tpu.memory_space<vmem>> -> memref<128x128xf32, #tpu.memory_space<vmem>>
        %swap3A_842 = arith.index_cast %add3A_801 : i32 to index
        %swap3A_843 = arith.constant 64 : index
        %swap3A_844 = tpu.vector_load %swap3A_841[%swap3A_842, %swap3A_843] {strides = array<i32>} : memref<128x128xf32, #tpu.memory_space<vmem>>, vector<1x16xf32>,
        %swap3A_845 = vector.shape_cast %swap3A_844 : vector<1x16xf32> to vector<16xf32>
        %swap3A_846 = vector.shape_cast %get3A_352 : vector<16xf32> to vector<1x16xf32>
        tpu.vector_store %swap3A_841[%swap3A_842, %swap3A_843], %swap3A_846 {add = true, strides = array<i32>} : memref<128x128xf32, #tpu.memory_space<vmem>>, vector<1x16xf32>,
        %swap3A_847 = arith.constant 0 : i32
        %swap3A_848 = arith.constant 0 : i32
        %swap3A_849 = tpu.memref_slice %arg8[%scan3A_365, %swap3A_847, %swap3A_848] : memref<4x128x128xf32, #tpu.memory_space<vmem>> -> memref<1x128x128xf32, #tpu.memory_space<vmem>>
        %swap3A_850 = tpu.memref_squeeze %swap3A_849 : memref<1x128x128xf32, #tpu.memory_space<vmem>> -> memref<128x128xf32, #tpu.memory_space<vmem>>
        %swap3A_851 = arith.index_cast %add3A_801 : i32 to index
        %swap3A_852 = arith.constant 80 : index
        %swap3A_853 = tpu.vector_load %swap3A_850[%swap3A_851, %swap3A_852] {strides = array<i32>} : memref<128x128xf32, #tpu.memory_space<vmem>>, vector<1x16xf32>,
        %swap3A_854 = vector.shape_cast %swap3A_853 : vector<1x16xf32> to vector<16xf32>
        %swap3A_855 = vector.shape_cast %get3A_356 : vector<16xf32> to vector<1x16xf32>
        tpu.vector_store %swap3A_850[%swap3A_851, %swap3A_852], %swap3A_855 {add = true, strides = array<i32>} : memref<128x128xf32, #tpu.memory_space<vmem>>, vector<1x16xf32>,
        %swap3A_856 = arith.constant 0 : i32
        %swap3A_857 = arith.constant 0 : i32
        %swap3A_858 = tpu.memref_slice %arg8[%scan3A_365, %swap3A_856, %swap3A_857] : memref<4x128x128xf32, #tpu.memory_space<vmem>> -> memref<1x128x128xf32, #tpu.memory_space<vmem>>
        %swap3A_859 = tpu.memref_squeeze %swap3A_858 : memref<1x128x128xf32, #tpu.memory_space<vmem>> -> memref<128x128xf32, #tpu.memory_space<vmem>>
        %swap3A_860 = arith.index_cast %add3A_801 : i32 to index
        %swap3A_861 = arith.constant 96 : index
        %swap3A_862 = tpu.vector_load %swap3A_859[%swap3A_860, %swap3A_861] {strides = array<i32>} : memref<128x128xf32, #tpu.memory_space<vmem>>, vector<1x16xf32>,
        %swap3A_863 = vector.shape_cast %swap3A_862 : vector<1x16xf32> to vector<16xf32>
        %swap3A_864 = vector.shape_cast %get3A_360 : vector<16xf32> to vector<1x16xf32>
        tpu.vector_store %swap3A_859[%swap3A_860, %swap3A_861], %swap3A_864 {add = true, strides = array<i32>} : memref<128x128xf32, #tpu.memory_space<vmem>>, vector<1x16xf32>,
        %swap3A_865 = arith.constant 0 : i32
        %swap3A_866 = arith.constant 0 : i32
        %swap3A_867 = tpu.memref_slice %arg8[%scan3A_365, %swap3A_865, %swap3A_866] : memref<4x128x128xf32, #tpu.memory_space<vmem>> -> memref<1x128x128xf32, #tpu.memory_space<vmem>>
        %swap3A_868 = tpu.memref_squeeze %swap3A_867 : memref<1x128x128xf32, #tpu.memory_space<vmem>> -> memref<128x128xf32, #tpu.memory_space<vmem>>
        %swap3A_869 = arith.index_cast %add3A_801 : i32 to index
        %swap3A_870 = arith.constant 112 : index
        %swap3A_871 = tpu.vector_load %swap3A_868[%swap3A_869, %swap3A_870] {strides = array<i32>} : memref<128x128xf32, #tpu.memory_space<vmem>>, vector<1x16xf32>,
        %swap3A_872 = vector.shape_cast %swap3A_871 : vector<1x16xf32> to vector<16xf32>
        %swap3A_873 = vector.shape_cast %get3A_364 : vector<16xf32> to vector<1x16xf32>
        tpu.vector_store %swap3A_868[%swap3A_869, %swap3A_870], %swap3A_873 {add = true, strides = array<i32>} : memref<128x128xf32, #tpu.memory_space<vmem>>, vector<1x16xf32>,
        %scan3A_874 = arith.constant 2 : i32
        %scan3A_875 = arith.addi %scan3A_719, %scan3A_874 : i32
        %mul3A_876 = arith.constant 1 : i32
        %mul3A_877 = arith.muli %scan3A_875, %mul3A_876 : i32
        %add3A_878 = arith.constant 0 : i32
        %add3A_879 = arith.addi %add3A_878, %mul3A_877 : i32
        %swap3A_880 = arith.constant 0 : i32
        %swap3A_881 = arith.constant 0 : i32
        %swap3A_882 = tpu.memref_slice %arg8[%scan3A_365, %swap3A_880, %swap3A_881] : memref<4x128x128xf32, #tpu.memory_space<vmem>> -> memref<1x128x128xf32, #tpu.memory_space<vmem>>
        %swap3A_883 = tpu.memref_squeeze %swap3A_882 : memref<1x128x128xf32, #tpu.memory_space<vmem>> -> memref<128x128xf32, #tpu.memory_space<vmem>>
        %swap3A_884 = arith.index_cast %add3A_879 : i32 to index
        %swap3A_885 = arith.constant 0 : index
        %swap3A_886 = tpu.vector_load %swap3A_883[%swap3A_884, %swap3A_885] {strides = array<i32>} : memref<128x128xf32, #tpu.memory_space<vmem>>, vector<1x16xf32>,
        %swap3A_887 = vector.shape_cast %swap3A_886 : vector<1x16xf32> to vector<16xf32>
        %swap3A_888 = vector.shape_cast %get3A_336 : vector<16xf32> to vector<1x16xf32>
        tpu.vector_store %swap3A_883[%swap3A_884, %swap3A_885], %swap3A_888 {add = true, strides = array<i32>} : memref<128x128xf32, #tpu.memory_space<vmem>>, vector<1x16xf32>,
        %swap3A_889 = arith.constant 0 : i32
        %swap3A_890 = arith.constant 0 : i32
        %swap3A_891 = tpu.memref_slice %arg8[%scan3A_365, %swap3A_889, %swap3A_890] : memref<4x128x128xf32, #tpu.memory_space<vmem>> -> memref<1x128x128xf32, #tpu.memory_space<vmem>>
        %swap3A_892 = tpu.memref_squeeze %swap3A_891 : memref<1x128x128xf32, #tpu.memory_space<vmem>> -> memref<128x128xf32, #tpu.memory_space<vmem>>
        %swap3A_893 = arith.index_cast %add3A_879 : i32 to index
        %swap3A_894 = arith.constant 16 : index
        %swap3A_895 = tpu.vector_load %swap3A_892[%swap3A_893, %swap3A_894] {strides = array<i32>} : memref<128x128xf32, #tpu.memory_space<vmem>>, vector<1x16xf32>,
        %swap3A_896 = vector.shape_cast %swap3A_895 : vector<1x16xf32> to vector<16xf32>
        %swap3A_897 = vector.shape_cast %get3A_340 : vector<16xf32> to vector<1x16xf32>
        tpu.vector_store %swap3A_892[%swap3A_893, %swap3A_894], %swap3A_897 {add = true, strides = array<i32>} : memref<128x128xf32, #tpu.memory_space<vmem>>, vector<1x16xf32>,
        %swap3A_898 = arith.constant 0 : i32
        %swap3A_899 = arith.constant 0 : i32
        %swap3A_900 = tpu.memref_slice %arg8[%scan3A_365, %swap3A_898, %swap3A_899] : memref<4x128x128xf32, #tpu.memory_space<vmem>> -> memref<1x128x128xf32, #tpu.memory_space<vmem>>
        %swap3A_901 = tpu.memref_squeeze %swap3A_900 : memref<1x128x128xf32, #tpu.memory_space<vmem>> -> memref<128x128xf32, #tpu.memory_space<vmem>>
        %swap3A_902 = arith.index_cast %add3A_879 : i32 to index
        %swap3A_903 = arith.constant 32 : index
        %swap3A_904 = tpu.vector_load %swap3A_901[%swap3A_902, %swap3A_903] {strides = array<i32>} : memref<128x128xf32, #tpu.memory_space<vmem>>, vector<1x16xf32>,
        %swap3A_905 = vector.shape_cast %swap3A_904 : vector<1x16xf32> to vector<16xf32>
        %swap3A_906 = vector.shape_cast %get3A_344 : vector<16xf32> to vector<1x16xf32>
        tpu.vector_store %swap3A_901[%swap3A_902, %swap3A_903], %swap3A_906 {add = true, strides = array<i32>} : memref<128x128xf32, #tpu.memory_space<vmem>>, vector<1x16xf32>,
        %swap3A_907 = arith.constant 0 : i32
        %swap3A_908 = arith.constant 0 : i32
        %swap3A_909 = tpu.memref_slice %arg8[%scan3A_365, %swap3A_907, %swap3A_908] : memref<4x128x128xf32, #tpu.memory_space<vmem>> -> memref<1x128x128xf32, #tpu.memory_space<vmem>>
        %swap3A_910 = tpu.memref_squeeze %swap3A_909 : memref<1x128x128xf32, #tpu.memory_space<vmem>> -> memref<128x128xf32, #tpu.memory_space<vmem>>
        %swap3A_911 = arith.index_cast %add3A_879 : i32 to index
        %swap3A_912 = arith.constant 48 : index
        %swap3A_913 = tpu.vector_load %swap3A_910[%swap3A_911, %swap3A_912] {strides = array<i32>} : memref<128x128xf32, #tpu.memory_space<vmem>>, vector<1x16xf32>,
        %swap3A_914 = vector.shape_cast %swap3A_913 : vector<1x16xf32> to vector<16xf32>
        %swap3A_915 = vector.shape_cast %get3A_348 : vector<16xf32> to vector<1x16xf32>
        tpu.vector_store %swap3A_910[%swap3A_911, %swap3A_912], %swap3A_915 {add = true, strides = array<i32>} : memref<128x128xf32, #tpu.memory_space<vmem>>, vector<1x16xf32>,
        %swap3A_916 = arith.constant 0 : i32
        %swap3A_917 = arith.constant 0 : i32
        %swap3A_918 = tpu.memref_slice %arg8[%scan3A_365, %swap3A_916, %swap3A_917] : memref<4x128x128xf32, #tpu.memory_space<vmem>> -> memref<1x128x128xf32, #tpu.memory_space<vmem>>
        %swap3A_919 = tpu.memref_squeeze %swap3A_918 : memref<1x128x128xf32, #tpu.memory_space<vmem>> -> memref<128x128xf32, #tpu.memory_space<vmem>>
        %swap3A_920 = arith.index_cast %add3A_879 : i32 to index
        %swap3A_921 = arith.constant 64 : index
        %swap3A_922 = tpu.vector_load %swap3A_919[%swap3A_920, %swap3A_921] {strides = array<i32>} : memref<128x128xf32, #tpu.memory_space<vmem>>, vector<1x16xf32>,
        %swap3A_923 = vector.shape_cast %swap3A_922 : vector<1x16xf32> to vector<16xf32>
        %swap3A_924 = vector.shape_cast %get3A_352 : vector<16xf32> to vector<1x16xf32>
        tpu.vector_store %swap3A_919[%swap3A_920, %swap3A_921], %swap3A_924 {add = true, strides = array<i32>} : memref<128x128xf32, #tpu.memory_space<vmem>>, vector<1x16xf32>,
        %swap3A_925 = arith.constant 0 : i32
        %swap3A_926 = arith.constant 0 : i32
        %swap3A_927 = tpu.memref_slice %arg8[%scan3A_365, %swap3A_925, %swap3A_926] : memref<4x128x128xf32, #tpu.memory_space<vmem>> -> memref<1x128x128xf32, #tpu.memory_space<vmem>>
        %swap3A_928 = tpu.memref_squeeze %swap3A_927 : memref<1x128x128xf32, #tpu.memory_space<vmem>> -> memref<128x128xf32, #tpu.memory_space<vmem>>
        %swap3A_929 = arith.index_cast %add3A_879 : i32 to index
        %swap3A_930 = arith.constant 80 : index
        %swap3A_931 = tpu.vector_load %swap3A_928[%swap3A_929, %swap3A_930] {strides = array<i32>} : memref<128x128xf32, #tpu.memory_space<vmem>>, vector<1x16xf32>,
        %swap3A_932 = vector.shape_cast %swap3A_931 : vector<1x16xf32> to vector<16xf32>
        %swap3A_933 = vector.shape_cast %get3A_356 : vector<16xf32> to vector<1x16xf32>
        tpu.vector_store %swap3A_928[%swap3A_929, %swap3A_930], %swap3A_933 {add = true, strides = array<i32>} : memref<128x128xf32, #tpu.memory_space<vmem>>, vector<1x16xf32>,
        %swap3A_934 = arith.constant 0 : i32
        %swap3A_935 = arith.constant 0 : i32
        %swap3A_936 = tpu.memref_slice %arg8[%scan3A_365, %swap3A_934, %swap3A_935] : memref<4x128x128xf32, #tpu.memory_space<vmem>> -> memref<1x128x128xf32, #tpu.memory_space<vmem>>
        %swap3A_937 = tpu.memref_squeeze %swap3A_936 : memref<1x128x128xf32, #tpu.memory_space<vmem>> -> memref<128x128xf32, #tpu.memory_space<vmem>>
        %swap3A_938 = arith.index_cast %add3A_879 : i32 to index
        %swap3A_939 = arith.constant 96 : index
        %swap3A_940 = tpu.vector_load %swap3A_937[%swap3A_938, %swap3A_939] {strides = array<i32>} : memref<128x128xf32, #tpu.memory_space<vmem>>, vector<1x16xf32>,
        %swap3A_941 = vector.shape_cast %swap3A_940 : vector<1x16xf32> to vector<16xf32>
        %swap3A_942 = vector.shape_cast %get3A_360 : vector<16xf32> to vector<1x16xf32>
        tpu.vector_store %swap3A_937[%swap3A_938, %swap3A_939], %swap3A_942 {add = true, strides = array<i32>} : memref<128x128xf32, #tpu.memory_space<vmem>>, vector<1x16xf32>,
        %swap3A_943 = arith.constant 0 : i32
        %swap3A_944 = arith.constant 0 : i32
        %swap3A_945 = tpu.memref_slice %arg8[%scan3A_365, %swap3A_943, %swap3A_944] : memref<4x128x128xf32, #tpu.memory_space<vmem>> -> memref<1x128x128xf32, #tpu.memory_space<vmem>>
        %swap3A_946 = tpu.memref_squeeze %swap3A_945 : memref<1x128x128xf32, #tpu.memory_space<vmem>> -> memref<128x128xf32, #tpu.memory_space<vmem>>
        %swap3A_947 = arith.index_cast %add3A_879 : i32 to index
        %swap3A_948 = arith.constant 112 : index
        %swap3A_949 = tpu.vector_load %swap3A_946[%swap3A_947, %swap3A_948] {strides = array<i32>} : memref<128x128xf32, #tpu.memory_space<vmem>>, vector<1x16xf32>,
        %swap3A_950 = vector.shape_cast %swap3A_949 : vector<1x16xf32> to vector<16xf32>
        %swap3A_951 = vector.shape_cast %get3A_364 : vector<16xf32> to vector<1x16xf32>
        tpu.vector_store %swap3A_946[%swap3A_947, %swap3A_948], %swap3A_951 {add = true, strides = array<i32>} : memref<128x128xf32, #tpu.memory_space<vmem>>, vector<1x16xf32>,
        %scan3A_952 = arith.constant 3 : i32
        %scan3A_953 = arith.addi %scan3A_719, %scan3A_952 : i32
        %mul3A_954 = arith.constant 1 : i32
        %mul3A_955 = arith.muli %scan3A_953, %mul3A_954 : i32
        %add3A_956 = arith.constant 0 : i32
        %add3A_957 = arith.addi %add3A_956, %mul3A_955 : i32
        %swap3A_958 = arith.constant 0 : i32
        %swap3A_959 = arith.constant 0 : i32
        %swap3A_960 = tpu.memref_slice %arg8[%scan3A_365, %swap3A_958, %swap3A_959] : memref<4x128x128xf32, #tpu.memory_space<vmem>> -> memref<1x128x128xf32, #tpu.memory_space<vmem>>
        %swap3A_961 = tpu.memref_squeeze %swap3A_960 : memref<1x128x128xf32, #tpu.memory_space<vmem>> -> memref<128x128xf32, #tpu.memory_space<vmem>>
        %swap3A_962 = arith.index_cast %add3A_957 : i32 to index
        %swap3A_963 = arith.constant 0 : index
        %swap3A_964 = tpu.vector_load %swap3A_961[%swap3A_962, %swap3A_963] {strides = array<i32>} : memref<128x128xf32, #tpu.memory_space<vmem>>, vector<1x16xf32>,
        %swap3A_965 = vector.shape_cast %swap3A_964 : vector<1x16xf32> to vector<16xf32>
        %swap3A_966 = vector.shape_cast %get3A_336 : vector<16xf32> to vector<1x16xf32>
        tpu.vector_store %swap3A_961[%swap3A_962, %swap3A_963], %swap3A_966 {add = true, strides = array<i32>} : memref<128x128xf32, #tpu.memory_space<vmem>>, vector<1x16xf32>,
        %swap3A_967 = arith.constant 0 : i32
        %swap3A_968 = arith.constant 0 : i32
        %swap3A_969 = tpu.memref_slice %arg8[%scan3A_365, %swap3A_967, %swap3A_968] : memref<4x128x128xf32, #tpu.memory_space<vmem>> -> memref<1x128x128xf32, #tpu.memory_space<vmem>>
        %swap3A_970 = tpu.memref_squeeze %swap3A_969 : memref<1x128x128xf32, #tpu.memory_space<vmem>> -> memref<128x128xf32, #tpu.memory_space<vmem>>
        %swap3A_971 = arith.index_cast %add3A_957 : i32 to index
        %swap3A_972 = arith.constant 16 : index
        %swap3A_973 = tpu.vector_load %swap3A_970[%swap3A_971, %swap3A_972] {strides = array<i32>} : memref<128x128xf32, #tpu.memory_space<vmem>>, vector<1x16xf32>,
        %swap3A_974 = vector.shape_cast %swap3A_973 : vector<1x16xf32> to vector<16xf32>
        %swap3A_975 = vector.shape_cast %get3A_340 : vector<16xf32> to vector<1x16xf32>
        tpu.vector_store %swap3A_970[%swap3A_971, %swap3A_972], %swap3A_975 {add = true, strides = array<i32>} : memref<128x128xf32, #tpu.memory_space<vmem>>, vector<1x16xf32>,
        %swap3A_976 = arith.constant 0 : i32
        %swap3A_977 = arith.constant 0 : i32
        %swap3A_978 = tpu.memref_slice %arg8[%scan3A_365, %swap3A_976, %swap3A_977] : memref<4x128x128xf32, #tpu.memory_space<vmem>> -> memref<1x128x128xf32, #tpu.memory_space<vmem>>
        %swap3A_979 = tpu.memref_squeeze %swap3A_978 : memref<1x128x128xf32, #tpu.memory_space<vmem>> -> memref<128x128xf32, #tpu.memory_space<vmem>>
        %swap3A_980 = arith.index_cast %add3A_957 : i32 to index
        %swap3A_981 = arith.constant 32 : index
        %swap3A_982 = tpu.vector_load %swap3A_979[%swap3A_980, %swap3A_981] {strides = array<i32>} : memref<128x128xf32, #tpu.memory_space<vmem>>, vector<1x16xf32>,
        %swap3A_983 = vector.shape_cast %swap3A_982 : vector<1x16xf32> to vector<16xf32>
        %swap3A_984 = vector.shape_cast %get3A_344 : vector<16xf32> to vector<1x16xf32>
        tpu.vector_store %swap3A_979[%swap3A_980, %swap3A_981], %swap3A_984 {add = true, strides = array<i32>} : memref<128x128xf32, #tpu.memory_space<vmem>>, vector<1x16xf32>,
        %swap3A_985 = arith.constant 0 : i32
        %swap3A_986 = arith.constant 0 : i32
        %swap3A_987 = tpu.memref_slice %arg8[%scan3A_365, %swap3A_985, %swap3A_986] : memref<4x128x128xf32, #tpu.memory_space<vmem>> -> memref<1x128x128xf32, #tpu.memory_space<vmem>>
        %swap3A_988 = tpu.memref_squeeze %swap3A_987 : memref<1x128x128xf32, #tpu.memory_space<vmem>> -> memref<128x128xf32, #tpu.memory_space<vmem>>
        %swap3A_989 = arith.index_cast %add3A_957 : i32 to index
        %swap3A_990 = arith.constant 48 : index
        %swap3A_991 = tpu.vector_load %swap3A_988[%swap3A_989, %swap3A_990] {strides = array<i32>} : memref<128x128xf32, #tpu.memory_space<vmem>>, vector<1x16xf32>,
        %swap3A_992 = vector.shape_cast %swap3A_991 : vector<1x16xf32> to vector<16xf32>
        %swap3A_993 = vector.shape_cast %get3A_348 : vector<16xf32> to vector<1x16xf32>
        tpu.vector_store %swap3A_988[%swap3A_989, %swap3A_990], %swap3A_993 {add = true, strides = array<i32>} : memref<128x128xf32, #tpu.memory_space<vmem>>, vector<1x16xf32>,
        %swap3A_994 = arith.constant 0 : i32
        %swap3A_995 = arith.constant 0 : i32
        %swap3A_996 = tpu.memref_slice %arg8[%scan3A_365, %swap3A_994, %swap3A_995] : memref<4x128x128xf32, #tpu.memory_space<vmem>> -> memref<1x128x128xf32, #tpu.memory_space<vmem>>
        %swap3A_997 = tpu.memref_squeeze %swap3A_996 : memref<1x128x128xf32, #tpu.memory_space<vmem>> -> memref<128x128xf32, #tpu.memory_space<vmem>>
        %swap3A_998 = arith.index_cast %add3A_957 : i32 to index
        %swap3A_999 = arith.constant 64 : index
        %swap3A_1000 = tpu.vector_load %swap3A_997[%swap3A_998, %swap3A_999] {strides = array<i32>} : memref<128x128xf32, #tpu.memory_space<vmem>>, vector<1x16xf32>,
        %swap3A_1001 = vector.shape_cast %swap3A_1000 : vector<1x16xf32> to vector<16xf32>
        %swap3A_1002 = vector.shape_cast %get3A_352 : vector<16xf32> to vector<1x16xf32>
        tpu.vector_store %swap3A_997[%swap3A_998, %swap3A_999], %swap3A_1002 {add = true, strides = array<i32>} : memref<128x128xf32, #tpu.memory_space<vmem>>, vector<1x16xf32>,
        %swap3A_1003 = arith.constant 0 : i32
        %swap3A_1004 = arith.constant 0 : i32
        %swap3A_1005 = tpu.memref_slice %arg8[%scan3A_365, %swap3A_1003, %swap3A_1004] : memref<4x128x128xf32, #tpu.memory_space<vmem>> -> memref<1x128x128xf32, #tpu.memory_space<vmem>>
        %swap3A_1006 = tpu.memref_squeeze %swap3A_1005 : memref<1x128x128xf32, #tpu.memory_space<vmem>> -> memref<128x128xf32, #tpu.memory_space<vmem>>
        %swap3A_1007 = arith.index_cast %add3A_957 : i32 to index
        %swap3A_1008 = arith.constant 80 : index
        %swap3A_1009 = tpu.vector_load %swap3A_1006[%swap3A_1007, %swap3A_1008] {strides = array<i32>} : memref<128x128xf32, #tpu.memory_space<vmem>>, vector<1x16xf32>,
        %swap3A_1010 = vector.shape_cast %swap3A_1009 : vector<1x16xf32> to vector<16xf32>
        %swap3A_1011 = vector.shape_cast %get3A_356 : vector<16xf32> to vector<1x16xf32>
        tpu.vector_store %swap3A_1006[%swap3A_1007, %swap3A_1008], %swap3A_1011 {add = true, strides = array<i32>} : memref<128x128xf32, #tpu.memory_space<vmem>>, vector<1x16xf32>,
        %swap3A_1012 = arith.constant 0 : i32
        %swap3A_1013 = arith.constant 0 : i32
        %swap3A_1014 = tpu.memref_slice %arg8[%scan3A_365, %swap3A_1012, %swap3A_1013] : memref<4x128x128xf32, #tpu.memory_space<vmem>> -> memref<1x128x128xf32, #tpu.memory_space<vmem>>
        %swap3A_1015 = tpu.memref_squeeze %swap3A_1014 : memref<1x128x128xf32, #tpu.memory_space<vmem>> -> memref<128x128xf32, #tpu.memory_space<vmem>>
        %swap3A_1016 = arith.index_cast %add3A_957 : i32 to index
        %swap3A_1017 = arith.constant 96 : index
        %swap3A_1018 = tpu.vector_load %swap3A_1015[%swap3A_1016, %swap3A_1017] {strides = array<i32>} : memref<128x128xf32, #tpu.memory_space<vmem>>, vector<1x16xf32>,
        %swap3A_1019 = vector.shape_cast %swap3A_1018 : vector<1x16xf32> to vector<16xf32>
        %swap3A_1020 = vector.shape_cast %get3A_360 : vector<16xf32> to vector<1x16xf32>
        tpu.vector_store %swap3A_1015[%swap3A_1016, %swap3A_1017], %swap3A_1020 {add = true, strides = array<i32>} : memref<128x128xf32, #tpu.memory_space<vmem>>, vector<1x16xf32>,
        %swap3A_1021 = arith.constant 0 : i32
        %swap3A_1022 = arith.constant 0 : i32
        %swap3A_1023 = tpu.memref_slice %arg8[%scan3A_365, %swap3A_1021, %swap3A_1022] : memref<4x128x128xf32, #tpu.memory_space<vmem>> -> memref<1x128x128xf32, #tpu.memory_space<vmem>>
        %swap3A_1024 = tpu.memref_squeeze %swap3A_1023 : memref<1x128x128xf32, #tpu.memory_space<vmem>> -> memref<128x128xf32, #tpu.memory_space<vmem>>
        %swap3A_1025 = arith.index_cast %add3A_957 : i32 to index
        %swap3A_1026 = arith.constant 112 : index
        %swap3A_1027 = tpu.vector_load %swap3A_1024[%swap3A_1025, %swap3A_1026] {strides = array<i32>} : memref<128x128xf32, #tpu.memory_space<vmem>>, vector<1x16xf32>,
        %swap3A_1028 = vector.shape_cast %swap3A_1027 : vector<1x16xf32> to vector<16xf32>
        %swap3A_1029 = vector.shape_cast %get3A_364 : vector<16xf32> to vector<1x16xf32>
        tpu.vector_store %swap3A_1024[%swap3A_1025, %swap3A_1026], %swap3A_1029 {add = true, strides = array<i32>} : memref<128x128xf32, #tpu.memory_space<vmem>>, vector<1x16xf32>,
      }
      %scan3A_370 = arith.constant 128 : i32
      %add3A_371 = vector.broadcast %add3A_312 : i32 to vector<16xi32>
      %add3A_372 = arith.addi %add3A_17, %add3A_371 : vector<16xi32>
      %swap3A_373 = arith.constant 1 : i32
      %swap3A_374 = arith.index_cast %swap3A_373 : i32 to index
      %swap3A_375 = arith.constant 0 : index
      %swap3A_376 = tpu.vector_load %arg9[%swap3A_374, %swap3A_375] {strides = array<i32>} : memref<4x128xi32, #tpu.memory_space<vmem>>, vector<1x16xi32>,
      %swap3A_377 = vector.shape_cast %swap3A_376 : vector<1x16xi32> to vector<16xi32>
      %swap3A_378 = vector.shape_cast %add3A_372 : vector<16xi32> to vector<1x16xi32>
      tpu.vector_store %arg9[%swap3A_374, %swap3A_375], %swap3A_378 {strides = array<i32>} : memref<4x128xi32, #tpu.memory_space<vmem>>, vector<1x16xi32>,
      %add3A_379 = vector.broadcast %add3A_312 : i32 to vector<16xi32>
      %add3A_380 = arith.addi %add3A_27, %add3A_379 : vector<16xi32>
      %swap3A_381 = arith.constant 1 : i32
      %swap3A_382 = arith.index_cast %swap3A_381 : i32 to index
      %swap3A_383 = arith.constant 16 : index
      %swap3A_384 = tpu.vector_load %arg9[%swap3A_382, %swap3A_383] {strides = array<i32>} : memref<4x128xi32, #tpu.memory_space<vmem>>, vector<1x16xi32>,
      %swap3A_385 = vector.shape_cast %swap3A_384 : vector<1x16xi32> to vector<16xi32>
      %swap3A_386 = vector.shape_cast %add3A_380 : vector<16xi32> to vector<1x16xi32>
      tpu.vector_store %arg9[%swap3A_382, %swap3A_383], %swap3A_386 {strides = array<i32>} : memref<4x128xi32, #tpu.memory_space<vmem>>, vector<1x16xi32>,
      %add3A_387 = vector.broadcast %add3A_312 : i32 to vector<16xi32>
      %add3A_388 = arith.addi %add3A_37, %add3A_387 : vector<16xi32>
      %swap3A_389 = arith.constant 1 : i32
      %swap3A_390 = arith.index_cast %swap3A_389 : i32 to index
      %swap3A_391 = arith.constant 32 : index
      %swap3A_392 = tpu.vector_load %arg9[%swap3A_390, %swap3A_391] {strides = array<i32>} : memref<4x128xi32, #tpu.memory_space<vmem>>, vector<1x16xi32>,
      %swap3A_393 = vector.shape_cast %swap3A_392 : vector<1x16xi32> to vector<16xi32>
      %swap3A_394 = vector.shape_cast %add3A_388 : vector<16xi32> to vector<1x16xi32>
      tpu.vector_store %arg9[%swap3A_390, %swap3A_391], %swap3A_394 {strides = array<i32>} : memref<4x128xi32, #tpu.memory_space<vmem>>, vector<1x16xi32>,
      %add3A_395 = vector.broadcast %add3A_312 : i32 to vector<16xi32>
      %add3A_396 = arith.addi %add3A_47, %add3A_395 : vector<16xi32>
      %swap3A_397 = arith.constant 1 : i32
      %swap3A_398 = arith.index_cast %swap3A_397 : i32 to index
      %swap3A_399 = arith.constant 48 : index
      %swap3A_400 = tpu.vector_load %arg9[%swap3A_398, %swap3A_399] {strides = array<i32>} : memref<4x128xi32, #tpu.memory_space<vmem>>, vector<1x16xi32>,
      %swap3A_401 = vector.shape_cast %swap3A_400 : vector<1x16xi32> to vector<16xi32>
      %swap3A_402 = vector.shape_cast %add3A_396 : vector<16xi32> to vector<1x16xi32>
      tpu.vector_store %arg9[%swap3A_398, %swap3A_399], %swap3A_402 {strides = array<i32>} : memref<4x128xi32, #tpu.memory_space<vmem>>, vector<1x16xi32>,
      %add3A_403 = vector.broadcast %add3A_312 : i32 to vector<16xi32>
      %add3A_404 = arith.addi %add3A_57, %add3A_403 : vector<16xi32>
      %swap3A_405 = arith.constant 1 : i32
      %swap3A_406 = arith.index_cast %swap3A_405 : i32 to index
      %swap3A_407 = arith.constant 64 : index
      %swap3A_408 = tpu.vector_load %arg9[%swap3A_406, %swap3A_407] {strides = array<i32>} : memref<4x128xi32, #tpu.memory_space<vmem>>, vector<1x16xi32>,
      %swap3A_409 = vector.shape_cast %swap3A_408 : vector<1x16xi32> to vector<16xi32>
      %swap3A_410 = vector.shape_cast %add3A_404 : vector<16xi32> to vector<1x16xi32>
      tpu.vector_store %arg9[%swap3A_406, %swap3A_407], %swap3A_410 {strides = array<i32>} : memref<4x128xi32, #tpu.memory_space<vmem>>, vector<1x16xi32>,
      %add3A_411 = vector.broadcast %add3A_312 : i32 to vector<16xi32>
      %add3A_412 = arith.addi %add3A_67, %add3A_411 : vector<16xi32>
      %swap3A_413 = arith.constant 1 : i32
      %swap3A_414 = arith.index_cast %swap3A_413 : i32 to index
      %swap3A_415 = arith.constant 80 : index
      %swap3A_416 = tpu.vector_load %arg9[%swap3A_414, %swap3A_415] {strides = array<i32>} : memref<4x128xi32, #tpu.memory_space<vmem>>, vector<1x16xi32>,
      %swap3A_417 = vector.shape_cast %swap3A_416 : vector<1x16xi32> to vector<16xi32>
      %swap3A_418 = vector.shape_cast %add3A_412 : vector<16xi32> to vector<1x16xi32>
      tpu.vector_store %arg9[%swap3A_414, %swap3A_415], %swap3A_418 {strides = array<i32>} : memref<4x128xi32, #tpu.memory_space<vmem>>, vector<1x16xi32>,
      %add3A_419 = vector.broadcast %add3A_312 : i32 to vector<16xi32>
      %add3A_420 = arith.addi %add3A_77, %add3A_419 : vector<16xi32>
      %swap3A_421 = arith.constant 1 : i32
      %swap3A_422 = arith.index_cast %swap3A_421 : i32 to index
      %swap3A_423 = arith.constant 96 : index
      %swap3A_424 = tpu.vector_load %arg9[%swap3A_422, %swap3A_423] {strides = array<i32>} : memref<4x128xi32, #tpu.memory_space<vmem>>, vector<1x16xi32>,
      %swap3A_425 = vector.shape_cast %swap3A_424 : vector<1x16xi32> to vector<16xi32>
      %swap3A_426 = vector.shape_cast %add3A_420 : vector<16xi32> to vector<1x16xi32>
      tpu.vector_store %arg9[%swap3A_422, %swap3A_423], %swap3A_426 {strides = array<i32>} : memref<4x128xi32, #tpu.memory_space<vmem>>, vector<1x16xi32>,
      %add3A_427 = vector.broadcast %add3A_312 : i32 to vector<16xi32>
      %add3A_428 = arith.addi %add3A_87, %add3A_427 : vector<16xi32>
      %swap3A_429 = arith.constant 1 : i32
      %swap3A_430 = arith.index_cast %swap3A_429 : i32 to index
      %swap3A_431 = arith.constant 112 : index
      %swap3A_432 = tpu.vector_load %arg9[%swap3A_430, %swap3A_431] {strides = array<i32>} : memref<4x128xi32, #tpu.memory_space<vmem>>, vector<1x16xi32>,
      %swap3A_433 = vector.shape_cast %swap3A_432 : vector<1x16xi32> to vector<16xi32>
      %swap3A_434 = vector.shape_cast %add3A_428 : vector<16xi32> to vector<1x16xi32>
      tpu.vector_store %arg9[%swap3A_430, %swap3A_431], %swap3A_434 {strides = array<i32>} : memref<4x128xi32, #tpu.memory_space<vmem>>, vector<1x16xi32>,
      %dma_start3A_435 = arith.constant 1 : i32
      %dma_start3A_436 = arith.constant 1 : i32
      %dma_start3A_437 = arith.constant 0 : i32
      %dma_start3A_438 = arith.constant 0 : i32
      %dma_start3A_439 = tpu.memref_slice %arg8[%dma_start3A_435, %dma_start3A_437, %dma_start3A_438] : memref<4x128x128xf32, #tpu.memory_space<vmem>> -> memref<1x128x128xf32, #tpu.memory_space<vmem>>
      %dma_start3A_440 = tpu.memref_squeeze %dma_start3A_439 : memref<1x128x128xf32, #tpu.memory_space<vmem>> -> memref<128x128xf32, #tpu.memory_space<vmem>>
      %dma_start3A_441 = arith.constant 0 : i32
      %dma_start3A_442 = tpu.memref_slice %arg9[%dma_start3A_436, %dma_start3A_441] : memref<4x128xi32, #tpu.memory_space<vmem>> -> memref<1x128xi32, #tpu.memory_space<vmem>>
      %dma_start3A_443 = tpu.memref_squeeze %dma_start3A_442 : memref<1x128xi32, #tpu.memory_space<vmem>> -> memref<128xi32, #tpu.memory_space<vmem>>
      %dma_start3A_444 = arith.constant 0 : i32
      %dma_start3A_445 = arith.constant 0 : i32
      %dma_start3A_446 = tpu.memref_slice %arg5[%dma_start3A_444, %dma_start3A_445] : memref<819200x128xf32, #tpu.memory_space<hbm>> -> memref<819200x128xf32, #tpu.memory_space<hbm>>
      tpu.enqueue_indirect_dma source(%dma_start3A_440 : memref<128x128xf32, #tpu.memory_space<vmem>>) target(%dma_start3A_446 : memref<819200x128xf32, #tpu.memory_space<hbm>>) offsets(%dma_start3A_443 : memref<128xi32, #tpu.memory_space<vmem>>) semaphore(%arg15 : memref<!tpu.dma_semaphore, #tpu.memory_space<semaphore_mem>>)
      %add3A_447 = arith.constant 2 : i32
      %add3A_448 = arith.addi %add3A_180, %add3A_447 : i32
      %dma_wait3A_449 = arith.constant 2 : i32
      %dma_wait3A_450 = arith.constant 0 : i32
      %dma_wait3A_451 = arith.constant 0 : i32
      %dma_wait3A_452 = tpu.memref_slice %arg8[%dma_wait3A_449, %dma_wait3A_450, %dma_wait3A_451] : memref<4x128x128xf32, #tpu.memory_space<vmem>> -> memref<1x128x128xf32, #tpu.memory_space<vmem>>
      %dma_wait3A_453 = tpu.memref_squeeze %dma_wait3A_452 : memref<1x128x128xf32, #tpu.memory_space<vmem>> -> memref<128x128xf32, #tpu.memory_space<vmem>>
      %dma_wait3A_454 = arith.constant 0 : i32
      %dma_wait3A_455 = tpu.memref_slice %arg6[%add3A_448, %dma_wait3A_454] : memref<200x128xi32, #tpu.memory_space<vmem>> -> memref<1x128xi32, #tpu.memory_space<vmem>>
      %dma_wait3A_456 = tpu.memref_squeeze %dma_wait3A_455 : memref<1x128xi32, #tpu.memory_space<vmem>> -> memref<128xi32, #tpu.memory_space<vmem>>
      %dma_wait3A_457 = arith.constant 0 : i32
      %dma_wait3A_458 = arith.constant 0 : i32
      %dma_wait3A_459 = tpu.memref_slice %arg3[%dma_wait3A_457, %dma_wait3A_458] : memref<100000x128xf32, #tpu.memory_space<hbm>> -> memref<100000x128xf32, #tpu.memory_space<hbm>>
      tpu.wait_indirect_dma semaphore(%arg12 : memref<!tpu.dma_semaphore, #tpu.memory_space<semaphore_mem>>) src(%dma_wait3A_459 : memref<100000x128xf32, #tpu.memory_space<hbm>>) dst(%dma_wait3A_453 : memref<128x128xf32, #tpu.memory_space<vmem>>)
      %add3A_460 = arith.constant 4 : i32
      %add3A_461 = arith.addi %add3A_448, %add3A_460 : i32
      %sub3A_462 = arith.constant 1 : i32
      %sub3A_463 = arith.subi %add3A_461, %sub3A_462 : i32
      %lt3A_464 = arith.constant 200 : i32
      %lt3A_465 = arith.cmpi slt, %sub3A_463, %lt3A_464 : i32
      %convert_element_type3A_466 = arith.extui %lt3A_465 : i1 to i32
      %cond3A_467 = arith.constant 0 : i32
      %cond3A_468 = arith.cmpi ne, %convert_element_type3A_466, %cond3A_467 : i32
      scf.if %cond3A_468 {
        %gt3A = arith.constant 0 : i32
        %gt3A_719 = arith.cmpi sgt, %add3A_448, %gt3A : i32
        %convert_element_type3A_720 = arith.extui %gt3A_719 : i1 to i32
        %cond3A_721 = arith.constant 0 : i32
        %cond3A_722 = arith.cmpi ne, %convert_element_type3A_720, %cond3A_721 : i32
        scf.if %cond3A_722 {
          %dma_wait3A_734 = arith.constant 1 : i32
          %dma_wait3A_735 = arith.constant 1 : i32
          %dma_wait3A_736 = arith.constant 0 : i32
          %dma_wait3A_737 = arith.constant 0 : i32
          %dma_wait3A_738 = tpu.memref_slice %arg8[%dma_wait3A_734, %dma_wait3A_736, %dma_wait3A_737] : memref<4x128x128xf32, #tpu.memory_space<vmem>> -> memref<1x128x128xf32, #tpu.memory_space<vmem>>
          %dma_wait3A_739 = tpu.memref_squeeze %dma_wait3A_738 : memref<1x128x128xf32, #tpu.memory_space<vmem>> -> memref<128x128xf32, #tpu.memory_space<vmem>>
          %dma_wait3A_740 = arith.constant 0 : i32
          %dma_wait3A_741 = tpu.memref_slice %arg9[%dma_wait3A_735, %dma_wait3A_740] : memref<4x128xi32, #tpu.memory_space<vmem>> -> memref<1x128xi32, #tpu.memory_space<vmem>>
          %dma_wait3A_742 = tpu.memref_squeeze %dma_wait3A_741 : memref<1x128xi32, #tpu.memory_space<vmem>> -> memref<128xi32, #tpu.memory_space<vmem>>
          %dma_wait3A_743 = arith.constant 0 : i32
          %dma_wait3A_744 = arith.constant 0 : i32
          %dma_wait3A_745 = tpu.memref_slice %arg5[%dma_wait3A_743, %dma_wait3A_744] : memref<819200x128xf32, #tpu.memory_space<hbm>> -> memref<819200x128xf32, #tpu.memory_space<hbm>>
          tpu.wait_indirect_dma semaphore(%arg15 : memref<!tpu.dma_semaphore, #tpu.memory_space<semaphore_mem>>) src(%dma_wait3A_739 : memref<128x128xf32, #tpu.memory_space<vmem>>) dst(%dma_wait3A_745 : memref<819200x128xf32, #tpu.memory_space<hbm>>)
        } else {
        }
        %dma_start3A_723 = arith.constant 1 : i32
        %dma_start3A_724 = arith.constant 0 : i32
        %dma_start3A_725 = arith.constant 0 : i32
        %dma_start3A_726 = tpu.memref_slice %arg8[%dma_start3A_723, %dma_start3A_724, %dma_start3A_725] : memref<4x128x128xf32, #tpu.memory_space<vmem>> -> memref<1x128x128xf32, #tpu.memory_space<vmem>>
        %dma_start3A_727 = tpu.memref_squeeze %dma_start3A_726 : memref<1x128x128xf32, #tpu.memory_space<vmem>> -> memref<128x128xf32, #tpu.memory_space<vmem>>
        %dma_start3A_728 = arith.constant 0 : i32
        %dma_start3A_729 = tpu.memref_slice %arg6[%sub3A_463, %dma_start3A_728] : memref<200x128xi32, #tpu.memory_space<vmem>> -> memref<1x128xi32, #tpu.memory_space<vmem>>
        %dma_start3A_730 = tpu.memref_squeeze %dma_start3A_729 : memref<1x128xi32, #tpu.memory_space<vmem>> -> memref<128xi32, #tpu.memory_space<vmem>>
        %dma_start3A_731 = arith.constant 0 : i32
        %dma_start3A_732 = arith.constant 0 : i32
        %dma_start3A_733 = tpu.memref_slice %arg3[%dma_start3A_731, %dma_start3A_732] : memref<100000x128xf32, #tpu.memory_space<hbm>> -> memref<100000x128xf32, #tpu.memory_space<hbm>>
        tpu.enqueue_indirect_dma source(%dma_start3A_733 : memref<100000x128xf32, #tpu.memory_space<hbm>>) target(%dma_start3A_727 : memref<128x128xf32, #tpu.memory_space<vmem>>) offsets(%dma_start3A_730 : memref<128xi32, #tpu.memory_space<vmem>>) semaphore(%arg11 : memref<!tpu.dma_semaphore, #tpu.memory_space<semaphore_mem>>)
      } else {
      }
      %get3A_469 = arith.index_cast %add3A_448 : i32 to index
      %get3A_470 = arith.constant 0 : index
      %get3A_471 = tpu.vector_load %arg7[%get3A_469, %get3A_470] {strides = array<i32>} : memref<200x128xf32, #tpu.memory_space<vmem>>, vector<1x16xf32>,
      %get3A_472 = vector.shape_cast %get3A_471 : vector<1x16xf32> to vector<16xf32>
      %get3A_473 = arith.index_cast %add3A_448 : i32 to index
      %get3A_474 = arith.constant 16 : index
      %get3A_475 = tpu.vector_load %arg7[%get3A_473, %get3A_474] {strides = array<i32>} : memref<200x128xf32, #tpu.memory_space<vmem>>, vector<1x16xf32>,
      %get3A_476 = vector.shape_cast %get3A_475 : vector<1x16xf32> to vector<16xf32>
      %get3A_477 = arith.index_cast %add3A_448 : i32 to index
      %get3A_478 = arith.constant 32 : index
      %get3A_479 = tpu.vector_load %arg7[%get3A_477, %get3A_478] {strides = array<i32>} : memref<200x128xf32, #tpu.memory_space<vmem>>, vector<1x16xf32>,
      %get3A_480 = vector.shape_cast %get3A_479 : vector<1x16xf32> to vector<16xf32>
      %get3A_481 = arith.index_cast %add3A_448 : i32 to index
      %get3A_482 = arith.constant 48 : index
      %get3A_483 = tpu.vector_load %arg7[%get3A_481, %get3A_482] {strides = array<i32>} : memref<200x128xf32, #tpu.memory_space<vmem>>, vector<1x16xf32>,
      %get3A_484 = vector.shape_cast %get3A_483 : vector<1x16xf32> to vector<16xf32>
      %get3A_485 = arith.index_cast %add3A_448 : i32 to index
      %get3A_486 = arith.constant 64 : index
      %get3A_487 = tpu.vector_load %arg7[%get3A_485, %get3A_486] {strides = array<i32>} : memref<200x128xf32, #tpu.memory_space<vmem>>, vector<1x16xf32>,
      %get3A_488 = vector.shape_cast %get3A_487 : vector<1x16xf32> to vector<16xf32>
      %get3A_489 = arith.index_cast %add3A_448 : i32 to index
      %get3A_490 = arith.constant 80 : index
      %get3A_491 = tpu.vector_load %arg7[%get3A_489, %get3A_490] {strides = array<i32>} : memref<200x128xf32, #tpu.memory_space<vmem>>, vector<1x16xf32>,
      %get3A_492 = vector.shape_cast %get3A_491 : vector<1x16xf32> to vector<16xf32>
      %get3A_493 = arith.index_cast %add3A_448 : i32 to index
      %get3A_494 = arith.constant 96 : index
      %get3A_495 = tpu.vector_load %arg7[%get3A_493, %get3A_494] {strides = array<i32>} : memref<200x128xf32, #tpu.memory_space<vmem>>, vector<1x16xf32>,
      %get3A_496 = vector.shape_cast %get3A_495 : vector<1x16xf32> to vector<16xf32>
      %get3A_497 = arith.index_cast %add3A_448 : i32 to index
      %get3A_498 = arith.constant 112 : index
      %get3A_499 = tpu.vector_load %arg7[%get3A_497, %get3A_498] {strides = array<i32>} : memref<200x128xf32, #tpu.memory_space<vmem>>, vector<1x16xf32>,
      %get3A_500 = vector.shape_cast %get3A_499 : vector<1x16xf32> to vector<16xf32>
      %scan3A_501 = arith.constant 2 : i32
      %scan3A_502 = arith.constant 0 : i32
      %scan3A_503 = arith.constant 128 : i32
      %scan3A_504 = arith.addi %scan3A_502, %scan3A_503 : i32
      %scan3A_505 = arith.constant 4 : i32
      scf.for %scan3A_719 = %scan3A_502 to %scan3A_504 step %scan3A_505  : i32 {
        %mul3A_720 = arith.constant 1 : i32
        %mul3A_721 = arith.muli %scan3A_719, %mul3A_720 : i32
        %add3A_722 = arith.constant 0 : i32
        %add3A_723 = arith.addi %add3A_722, %mul3A_721 : i32
        %swap3A_724 = arith.constant 0 : i32
        %swap3A_725 = arith.constant 0 : i32
        %swap3A_726 = tpu.memref_slice %arg8[%scan3A_501, %swap3A_724, %swap3A_725] : memref<4x128x128xf32, #tpu.memory_space<vmem>> -> memref<1x128x128xf32, #tpu.memory_space<vmem>>
        %swap3A_727 = tpu.memref_squeeze %swap3A_726 : memref<1x128x128xf32, #tpu.memory_space<vmem>> -> memref<128x128xf32, #tpu.memory_space<vmem>>
        %swap3A_728 = arith.index_cast %add3A_723 : i32 to index
        %swap3A_729 = arith.constant 0 : index
        %swap3A_730 = tpu.vector_load %swap3A_727[%swap3A_728, %swap3A_729] {strides = array<i32>} : memref<128x128xf32, #tpu.memory_space<vmem>>, vector<1x16xf32>,
        %swap3A_731 = vector.shape_cast %swap3A_730 : vector<1x16xf32> to vector<16xf32>
        %swap3A_732 = vector.shape_cast %get3A_472 : vector<16xf32> to vector<1x16xf32>
        tpu.vector_store %swap3A_727[%swap3A_728, %swap3A_729], %swap3A_732 {add = true, strides = array<i32>} : memref<128x128xf32, #tpu.memory_space<vmem>>, vector<1x16xf32>,
        %swap3A_733 = arith.constant 0 : i32
        %swap3A_734 = arith.constant 0 : i32
        %swap3A_735 = tpu.memref_slice %arg8[%scan3A_501, %swap3A_733, %swap3A_734] : memref<4x128x128xf32, #tpu.memory_space<vmem>> -> memref<1x128x128xf32, #tpu.memory_space<vmem>>
        %swap3A_736 = tpu.memref_squeeze %swap3A_735 : memref<1x128x128xf32, #tpu.memory_space<vmem>> -> memref<128x128xf32, #tpu.memory_space<vmem>>
        %swap3A_737 = arith.index_cast %add3A_723 : i32 to index
        %swap3A_738 = arith.constant 16 : index
        %swap3A_739 = tpu.vector_load %swap3A_736[%swap3A_737, %swap3A_738] {strides = array<i32>} : memref<128x128xf32, #tpu.memory_space<vmem>>, vector<1x16xf32>,
        %swap3A_740 = vector.shape_cast %swap3A_739 : vector<1x16xf32> to vector<16xf32>
        %swap3A_741 = vector.shape_cast %get3A_476 : vector<16xf32> to vector<1x16xf32>
        tpu.vector_store %swap3A_736[%swap3A_737, %swap3A_738], %swap3A_741 {add = true, strides = array<i32>} : memref<128x128xf32, #tpu.memory_space<vmem>>, vector<1x16xf32>,
        %swap3A_742 = arith.constant 0 : i32
        %swap3A_743 = arith.constant 0 : i32
        %swap3A_744 = tpu.memref_slice %arg8[%scan3A_501, %swap3A_742, %swap3A_743] : memref<4x128x128xf32, #tpu.memory_space<vmem>> -> memref<1x128x128xf32, #tpu.memory_space<vmem>>
        %swap3A_745 = tpu.memref_squeeze %swap3A_744 : memref<1x128x128xf32, #tpu.memory_space<vmem>> -> memref<128x128xf32, #tpu.memory_space<vmem>>
        %swap3A_746 = arith.index_cast %add3A_723 : i32 to index
        %swap3A_747 = arith.constant 32 : index
        %swap3A_748 = tpu.vector_load %swap3A_745[%swap3A_746, %swap3A_747] {strides = array<i32>} : memref<128x128xf32, #tpu.memory_space<vmem>>, vector<1x16xf32>,
        %swap3A_749 = vector.shape_cast %swap3A_748 : vector<1x16xf32> to vector<16xf32>
        %swap3A_750 = vector.shape_cast %get3A_480 : vector<16xf32> to vector<1x16xf32>
        tpu.vector_store %swap3A_745[%swap3A_746, %swap3A_747], %swap3A_750 {add = true, strides = array<i32>} : memref<128x128xf32, #tpu.memory_space<vmem>>, vector<1x16xf32>,
        %swap3A_751 = arith.constant 0 : i32
        %swap3A_752 = arith.constant 0 : i32
        %swap3A_753 = tpu.memref_slice %arg8[%scan3A_501, %swap3A_751, %swap3A_752] : memref<4x128x128xf32, #tpu.memory_space<vmem>> -> memref<1x128x128xf32, #tpu.memory_space<vmem>>
        %swap3A_754 = tpu.memref_squeeze %swap3A_753 : memref<1x128x128xf32, #tpu.memory_space<vmem>> -> memref<128x128xf32, #tpu.memory_space<vmem>>
        %swap3A_755 = arith.index_cast %add3A_723 : i32 to index
        %swap3A_756 = arith.constant 48 : index
        %swap3A_757 = tpu.vector_load %swap3A_754[%swap3A_755, %swap3A_756] {strides = array<i32>} : memref<128x128xf32, #tpu.memory_space<vmem>>, vector<1x16xf32>,
        %swap3A_758 = vector.shape_cast %swap3A_757 : vector<1x16xf32> to vector<16xf32>
        %swap3A_759 = vector.shape_cast %get3A_484 : vector<16xf32> to vector<1x16xf32>
        tpu.vector_store %swap3A_754[%swap3A_755, %swap3A_756], %swap3A_759 {add = true, strides = array<i32>} : memref<128x128xf32, #tpu.memory_space<vmem>>, vector<1x16xf32>,
        %swap3A_760 = arith.constant 0 : i32
        %swap3A_761 = arith.constant 0 : i32
        %swap3A_762 = tpu.memref_slice %arg8[%scan3A_501, %swap3A_760, %swap3A_761] : memref<4x128x128xf32, #tpu.memory_space<vmem>> -> memref<1x128x128xf32, #tpu.memory_space<vmem>>
        %swap3A_763 = tpu.memref_squeeze %swap3A_762 : memref<1x128x128xf32, #tpu.memory_space<vmem>> -> memref<128x128xf32, #tpu.memory_space<vmem>>
        %swap3A_764 = arith.index_cast %add3A_723 : i32 to index
        %swap3A_765 = arith.constant 64 : index
        %swap3A_766 = tpu.vector_load %swap3A_763[%swap3A_764, %swap3A_765] {strides = array<i32>} : memref<128x128xf32, #tpu.memory_space<vmem>>, vector<1x16xf32>,
        %swap3A_767 = vector.shape_cast %swap3A_766 : vector<1x16xf32> to vector<16xf32>
        %swap3A_768 = vector.shape_cast %get3A_488 : vector<16xf32> to vector<1x16xf32>
        tpu.vector_store %swap3A_763[%swap3A_764, %swap3A_765], %swap3A_768 {add = true, strides = array<i32>} : memref<128x128xf32, #tpu.memory_space<vmem>>, vector<1x16xf32>,
        %swap3A_769 = arith.constant 0 : i32
        %swap3A_770 = arith.constant 0 : i32
        %swap3A_771 = tpu.memref_slice %arg8[%scan3A_501, %swap3A_769, %swap3A_770] : memref<4x128x128xf32, #tpu.memory_space<vmem>> -> memref<1x128x128xf32, #tpu.memory_space<vmem>>
        %swap3A_772 = tpu.memref_squeeze %swap3A_771 : memref<1x128x128xf32, #tpu.memory_space<vmem>> -> memref<128x128xf32, #tpu.memory_space<vmem>>
        %swap3A_773 = arith.index_cast %add3A_723 : i32 to index
        %swap3A_774 = arith.constant 80 : index
        %swap3A_775 = tpu.vector_load %swap3A_772[%swap3A_773, %swap3A_774] {strides = array<i32>} : memref<128x128xf32, #tpu.memory_space<vmem>>, vector<1x16xf32>,
        %swap3A_776 = vector.shape_cast %swap3A_775 : vector<1x16xf32> to vector<16xf32>
        %swap3A_777 = vector.shape_cast %get3A_492 : vector<16xf32> to vector<1x16xf32>
        tpu.vector_store %swap3A_772[%swap3A_773, %swap3A_774], %swap3A_777 {add = true, strides = array<i32>} : memref<128x128xf32, #tpu.memory_space<vmem>>, vector<1x16xf32>,
        %swap3A_778 = arith.constant 0 : i32
        %swap3A_779 = arith.constant 0 : i32
        %swap3A_780 = tpu.memref_slice %arg8[%scan3A_501, %swap3A_778, %swap3A_779] : memref<4x128x128xf32, #tpu.memory_space<vmem>> -> memref<1x128x128xf32, #tpu.memory_space<vmem>>
        %swap3A_781 = tpu.memref_squeeze %swap3A_780 : memref<1x128x128xf32, #tpu.memory_space<vmem>> -> memref<128x128xf32, #tpu.memory_space<vmem>>
        %swap3A_782 = arith.index_cast %add3A_723 : i32 to index
        %swap3A_783 = arith.constant 96 : index
        %swap3A_784 = tpu.vector_load %swap3A_781[%swap3A_782, %swap3A_783] {strides = array<i32>} : memref<128x128xf32, #tpu.memory_space<vmem>>, vector<1x16xf32>,
        %swap3A_785 = vector.shape_cast %swap3A_784 : vector<1x16xf32> to vector<16xf32>
        %swap3A_786 = vector.shape_cast %get3A_496 : vector<16xf32> to vector<1x16xf32>
        tpu.vector_store %swap3A_781[%swap3A_782, %swap3A_783], %swap3A_786 {add = true, strides = array<i32>} : memref<128x128xf32, #tpu.memory_space<vmem>>, vector<1x16xf32>,
        %swap3A_787 = arith.constant 0 : i32
        %swap3A_788 = arith.constant 0 : i32
        %swap3A_789 = tpu.memref_slice %arg8[%scan3A_501, %swap3A_787, %swap3A_788] : memref<4x128x128xf32, #tpu.memory_space<vmem>> -> memref<1x128x128xf32, #tpu.memory_space<vmem>>
        %swap3A_790 = tpu.memref_squeeze %swap3A_789 : memref<1x128x128xf32, #tpu.memory_space<vmem>> -> memref<128x128xf32, #tpu.memory_space<vmem>>
        %swap3A_791 = arith.index_cast %add3A_723 : i32 to index
        %swap3A_792 = arith.constant 112 : index
        %swap3A_793 = tpu.vector_load %swap3A_790[%swap3A_791, %swap3A_792] {strides = array<i32>} : memref<128x128xf32, #tpu.memory_space<vmem>>, vector<1x16xf32>,
        %swap3A_794 = vector.shape_cast %swap3A_793 : vector<1x16xf32> to vector<16xf32>
        %swap3A_795 = vector.shape_cast %get3A_500 : vector<16xf32> to vector<1x16xf32>
        tpu.vector_store %swap3A_790[%swap3A_791, %swap3A_792], %swap3A_795 {add = true, strides = array<i32>} : memref<128x128xf32, #tpu.memory_space<vmem>>, vector<1x16xf32>,
        %scan3A_796 = arith.constant 1 : i32
        %scan3A_797 = arith.addi %scan3A_719, %scan3A_796 : i32
        %mul3A_798 = arith.constant 1 : i32
        %mul3A_799 = arith.muli %scan3A_797, %mul3A_798 : i32
        %add3A_800 = arith.constant 0 : i32
        %add3A_801 = arith.addi %add3A_800, %mul3A_799 : i32
        %swap3A_802 = arith.constant 0 : i32
        %swap3A_803 = arith.constant 0 : i32
        %swap3A_804 = tpu.memref_slice %arg8[%scan3A_501, %swap3A_802, %swap3A_803] : memref<4x128x128xf32, #tpu.memory_space<vmem>> -> memref<1x128x128xf32, #tpu.memory_space<vmem>>
        %swap3A_805 = tpu.memref_squeeze %swap3A_804 : memref<1x128x128xf32, #tpu.memory_space<vmem>> -> memref<128x128xf32, #tpu.memory_space<vmem>>
        %swap3A_806 = arith.index_cast %add3A_801 : i32 to index
        %swap3A_807 = arith.constant 0 : index
        %swap3A_808 = tpu.vector_load %swap3A_805[%swap3A_806, %swap3A_807] {strides = array<i32>} : memref<128x128xf32, #tpu.memory_space<vmem>>, vector<1x16xf32>,
        %swap3A_809 = vector.shape_cast %swap3A_808 : vector<1x16xf32> to vector<16xf32>
        %swap3A_810 = vector.shape_cast %get3A_472 : vector<16xf32> to vector<1x16xf32>
        tpu.vector_store %swap3A_805[%swap3A_806, %swap3A_807], %swap3A_810 {add = true, strides = array<i32>} : memref<128x128xf32, #tpu.memory_space<vmem>>, vector<1x16xf32>,
        %swap3A_811 = arith.constant 0 : i32
        %swap3A_812 = arith.constant 0 : i32
        %swap3A_813 = tpu.memref_slice %arg8[%scan3A_501, %swap3A_811, %swap3A_812] : memref<4x128x128xf32, #tpu.memory_space<vmem>> -> memref<1x128x128xf32, #tpu.memory_space<vmem>>
        %swap3A_814 = tpu.memref_squeeze %swap3A_813 : memref<1x128x128xf32, #tpu.memory_space<vmem>> -> memref<128x128xf32, #tpu.memory_space<vmem>>
        %swap3A_815 = arith.index_cast %add3A_801 : i32 to index
        %swap3A_816 = arith.constant 16 : index
        %swap3A_817 = tpu.vector_load %swap3A_814[%swap3A_815, %swap3A_816] {strides = array<i32>} : memref<128x128xf32, #tpu.memory_space<vmem>>, vector<1x16xf32>,
        %swap3A_818 = vector.shape_cast %swap3A_817 : vector<1x16xf32> to vector<16xf32>
        %swap3A_819 = vector.shape_cast %get3A_476 : vector<16xf32> to vector<1x16xf32>
        tpu.vector_store %swap3A_814[%swap3A_815, %swap3A_816], %swap3A_819 {add = true, strides = array<i32>} : memref<128x128xf32, #tpu.memory_space<vmem>>, vector<1x16xf32>,
        %swap3A_820 = arith.constant 0 : i32
        %swap3A_821 = arith.constant 0 : i32
        %swap3A_822 = tpu.memref_slice %arg8[%scan3A_501, %swap3A_820, %swap3A_821] : memref<4x128x128xf32, #tpu.memory_space<vmem>> -> memref<1x128x128xf32, #tpu.memory_space<vmem>>
        %swap3A_823 = tpu.memref_squeeze %swap3A_822 : memref<1x128x128xf32, #tpu.memory_space<vmem>> -> memref<128x128xf32, #tpu.memory_space<vmem>>
        %swap3A_824 = arith.index_cast %add3A_801 : i32 to index
        %swap3A_825 = arith.constant 32 : index
        %swap3A_826 = tpu.vector_load %swap3A_823[%swap3A_824, %swap3A_825] {strides = array<i32>} : memref<128x128xf32, #tpu.memory_space<vmem>>, vector<1x16xf32>,
        %swap3A_827 = vector.shape_cast %swap3A_826 : vector<1x16xf32> to vector<16xf32>
        %swap3A_828 = vector.shape_cast %get3A_480 : vector<16xf32> to vector<1x16xf32>
        tpu.vector_store %swap3A_823[%swap3A_824, %swap3A_825], %swap3A_828 {add = true, strides = array<i32>} : memref<128x128xf32, #tpu.memory_space<vmem>>, vector<1x16xf32>,
        %swap3A_829 = arith.constant 0 : i32
        %swap3A_830 = arith.constant 0 : i32
        %swap3A_831 = tpu.memref_slice %arg8[%scan3A_501, %swap3A_829, %swap3A_830] : memref<4x128x128xf32, #tpu.memory_space<vmem>> -> memref<1x128x128xf32, #tpu.memory_space<vmem>>
        %swap3A_832 = tpu.memref_squeeze %swap3A_831 : memref<1x128x128xf32, #tpu.memory_space<vmem>> -> memref<128x128xf32, #tpu.memory_space<vmem>>
        %swap3A_833 = arith.index_cast %add3A_801 : i32 to index
        %swap3A_834 = arith.constant 48 : index
        %swap3A_835 = tpu.vector_load %swap3A_832[%swap3A_833, %swap3A_834] {strides = array<i32>} : memref<128x128xf32, #tpu.memory_space<vmem>>, vector<1x16xf32>,
        %swap3A_836 = vector.shape_cast %swap3A_835 : vector<1x16xf32> to vector<16xf32>
        %swap3A_837 = vector.shape_cast %get3A_484 : vector<16xf32> to vector<1x16xf32>
        tpu.vector_store %swap3A_832[%swap3A_833, %swap3A_834], %swap3A_837 {add = true, strides = array<i32>} : memref<128x128xf32, #tpu.memory_space<vmem>>, vector<1x16xf32>,
        %swap3A_838 = arith.constant 0 : i32
        %swap3A_839 = arith.constant 0 : i32
        %swap3A_840 = tpu.memref_slice %arg8[%scan3A_501, %swap3A_838, %swap3A_839] : memref<4x128x128xf32, #tpu.memory_space<vmem>> -> memref<1x128x128xf32, #tpu.memory_space<vmem>>
        %swap3A_841 = tpu.memref_squeeze %swap3A_840 : memref<1x128x128xf32, #tpu.memory_space<vmem>> -> memref<128x128xf32, #tpu.memory_space<vmem>>
        %swap3A_842 = arith.index_cast %add3A_801 : i32 to index
        %swap3A_843 = arith.constant 64 : index
        %swap3A_844 = tpu.vector_load %swap3A_841[%swap3A_842, %swap3A_843] {strides = array<i32>} : memref<128x128xf32, #tpu.memory_space<vmem>>, vector<1x16xf32>,
        %swap3A_845 = vector.shape_cast %swap3A_844 : vector<1x16xf32> to vector<16xf32>
        %swap3A_846 = vector.shape_cast %get3A_488 : vector<16xf32> to vector<1x16xf32>
        tpu.vector_store %swap3A_841[%swap3A_842, %swap3A_843], %swap3A_846 {add = true, strides = array<i32>} : memref<128x128xf32, #tpu.memory_space<vmem>>, vector<1x16xf32>,
        %swap3A_847 = arith.constant 0 : i32
        %swap3A_848 = arith.constant 0 : i32
        %swap3A_849 = tpu.memref_slice %arg8[%scan3A_501, %swap3A_847, %swap3A_848] : memref<4x128x128xf32, #tpu.memory_space<vmem>> -> memref<1x128x128xf32, #tpu.memory_space<vmem>>
        %swap3A_850 = tpu.memref_squeeze %swap3A_849 : memref<1x128x128xf32, #tpu.memory_space<vmem>> -> memref<128x128xf32, #tpu.memory_space<vmem>>
        %swap3A_851 = arith.index_cast %add3A_801 : i32 to index
        %swap3A_852 = arith.constant 80 : index
        %swap3A_853 = tpu.vector_load %swap3A_850[%swap3A_851, %swap3A_852] {strides = array<i32>} : memref<128x128xf32, #tpu.memory_space<vmem>>, vector<1x16xf32>,
        %swap3A_854 = vector.shape_cast %swap3A_853 : vector<1x16xf32> to vector<16xf32>
        %swap3A_855 = vector.shape_cast %get3A_492 : vector<16xf32> to vector<1x16xf32>
        tpu.vector_store %swap3A_850[%swap3A_851, %swap3A_852], %swap3A_855 {add = true, strides = array<i32>} : memref<128x128xf32, #tpu.memory_space<vmem>>, vector<1x16xf32>,
        %swap3A_856 = arith.constant 0 : i32
        %swap3A_857 = arith.constant 0 : i32
        %swap3A_858 = tpu.memref_slice %arg8[%scan3A_501, %swap3A_856, %swap3A_857] : memref<4x128x128xf32, #tpu.memory_space<vmem>> -> memref<1x128x128xf32, #tpu.memory_space<vmem>>
        %swap3A_859 = tpu.memref_squeeze %swap3A_858 : memref<1x128x128xf32, #tpu.memory_space<vmem>> -> memref<128x128xf32, #tpu.memory_space<vmem>>
        %swap3A_860 = arith.index_cast %add3A_801 : i32 to index
        %swap3A_861 = arith.constant 96 : index
        %swap3A_862 = tpu.vector_load %swap3A_859[%swap3A_860, %swap3A_861] {strides = array<i32>} : memref<128x128xf32, #tpu.memory_space<vmem>>, vector<1x16xf32>,
        %swap3A_863 = vector.shape_cast %swap3A_862 : vector<1x16xf32> to vector<16xf32>
        %swap3A_864 = vector.shape_cast %get3A_496 : vector<16xf32> to vector<1x16xf32>
        tpu.vector_store %swap3A_859[%swap3A_860, %swap3A_861], %swap3A_864 {add = true, strides = array<i32>} : memref<128x128xf32, #tpu.memory_space<vmem>>, vector<1x16xf32>,
        %swap3A_865 = arith.constant 0 : i32
        %swap3A_866 = arith.constant 0 : i32
        %swap3A_867 = tpu.memref_slice %arg8[%scan3A_501, %swap3A_865, %swap3A_866] : memref<4x128x128xf32, #tpu.memory_space<vmem>> -> memref<1x128x128xf32, #tpu.memory_space<vmem>>
        %swap3A_868 = tpu.memref_squeeze %swap3A_867 : memref<1x128x128xf32, #tpu.memory_space<vmem>> -> memref<128x128xf32, #tpu.memory_space<vmem>>
        %swap3A_869 = arith.index_cast %add3A_801 : i32 to index
        %swap3A_870 = arith.constant 112 : index
        %swap3A_871 = tpu.vector_load %swap3A_868[%swap3A_869, %swap3A_870] {strides = array<i32>} : memref<128x128xf32, #tpu.memory_space<vmem>>, vector<1x16xf32>,
        %swap3A_872 = vector.shape_cast %swap3A_871 : vector<1x16xf32> to vector<16xf32>
        %swap3A_873 = vector.shape_cast %get3A_500 : vector<16xf32> to vector<1x16xf32>
        tpu.vector_store %swap3A_868[%swap3A_869, %swap3A_870], %swap3A_873 {add = true, strides = array<i32>} : memref<128x128xf32, #tpu.memory_space<vmem>>, vector<1x16xf32>,
        %scan3A_874 = arith.constant 2 : i32
        %scan3A_875 = arith.addi %scan3A_719, %scan3A_874 : i32
        %mul3A_876 = arith.constant 1 : i32
        %mul3A_877 = arith.muli %scan3A_875, %mul3A_876 : i32
        %add3A_878 = arith.constant 0 : i32
        %add3A_879 = arith.addi %add3A_878, %mul3A_877 : i32
        %swap3A_880 = arith.constant 0 : i32
        %swap3A_881 = arith.constant 0 : i32
        %swap3A_882 = tpu.memref_slice %arg8[%scan3A_501, %swap3A_880, %swap3A_881] : memref<4x128x128xf32, #tpu.memory_space<vmem>> -> memref<1x128x128xf32, #tpu.memory_space<vmem>>
        %swap3A_883 = tpu.memref_squeeze %swap3A_882 : memref<1x128x128xf32, #tpu.memory_space<vmem>> -> memref<128x128xf32, #tpu.memory_space<vmem>>
        %swap3A_884 = arith.index_cast %add3A_879 : i32 to index
        %swap3A_885 = arith.constant 0 : index
        %swap3A_886 = tpu.vector_load %swap3A_883[%swap3A_884, %swap3A_885] {strides = array<i32>} : memref<128x128xf32, #tpu.memory_space<vmem>>, vector<1x16xf32>,
        %swap3A_887 = vector.shape_cast %swap3A_886 : vector<1x16xf32> to vector<16xf32>
        %swap3A_888 = vector.shape_cast %get3A_472 : vector<16xf32> to vector<1x16xf32>
        tpu.vector_store %swap3A_883[%swap3A_884, %swap3A_885], %swap3A_888 {add = true, strides = array<i32>} : memref<128x128xf32, #tpu.memory_space<vmem>>, vector<1x16xf32>,
        %swap3A_889 = arith.constant 0 : i32
        %swap3A_890 = arith.constant 0 : i32
        %swap3A_891 = tpu.memref_slice %arg8[%scan3A_501, %swap3A_889, %swap3A_890] : memref<4x128x128xf32, #tpu.memory_space<vmem>> -> memref<1x128x128xf32, #tpu.memory_space<vmem>>
        %swap3A_892 = tpu.memref_squeeze %swap3A_891 : memref<1x128x128xf32, #tpu.memory_space<vmem>> -> memref<128x128xf32, #tpu.memory_space<vmem>>
        %swap3A_893 = arith.index_cast %add3A_879 : i32 to index
        %swap3A_894 = arith.constant 16 : index
        %swap3A_895 = tpu.vector_load %swap3A_892[%swap3A_893, %swap3A_894] {strides = array<i32>} : memref<128x128xf32, #tpu.memory_space<vmem>>, vector<1x16xf32>,
        %swap3A_896 = vector.shape_cast %swap3A_895 : vector<1x16xf32> to vector<16xf32>
        %swap3A_897 = vector.shape_cast %get3A_476 : vector<16xf32> to vector<1x16xf32>
        tpu.vector_store %swap3A_892[%swap3A_893, %swap3A_894], %swap3A_897 {add = true, strides = array<i32>} : memref<128x128xf32, #tpu.memory_space<vmem>>, vector<1x16xf32>,
        %swap3A_898 = arith.constant 0 : i32
        %swap3A_899 = arith.constant 0 : i32
        %swap3A_900 = tpu.memref_slice %arg8[%scan3A_501, %swap3A_898, %swap3A_899] : memref<4x128x128xf32, #tpu.memory_space<vmem>> -> memref<1x128x128xf32, #tpu.memory_space<vmem>>
        %swap3A_901 = tpu.memref_squeeze %swap3A_900 : memref<1x128x128xf32, #tpu.memory_space<vmem>> -> memref<128x128xf32, #tpu.memory_space<vmem>>
        %swap3A_902 = arith.index_cast %add3A_879 : i32 to index
        %swap3A_903 = arith.constant 32 : index
        %swap3A_904 = tpu.vector_load %swap3A_901[%swap3A_902, %swap3A_903] {strides = array<i32>} : memref<128x128xf32, #tpu.memory_space<vmem>>, vector<1x16xf32>,
        %swap3A_905 = vector.shape_cast %swap3A_904 : vector<1x16xf32> to vector<16xf32>
        %swap3A_906 = vector.shape_cast %get3A_480 : vector<16xf32> to vector<1x16xf32>
        tpu.vector_store %swap3A_901[%swap3A_902, %swap3A_903], %swap3A_906 {add = true, strides = array<i32>} : memref<128x128xf32, #tpu.memory_space<vmem>>, vector<1x16xf32>,
        %swap3A_907 = arith.constant 0 : i32
        %swap3A_908 = arith.constant 0 : i32
        %swap3A_909 = tpu.memref_slice %arg8[%scan3A_501, %swap3A_907, %swap3A_908] : memref<4x128x128xf32, #tpu.memory_space<vmem>> -> memref<1x128x128xf32, #tpu.memory_space<vmem>>
        %swap3A_910 = tpu.memref_squeeze %swap3A_909 : memref<1x128x128xf32, #tpu.memory_space<vmem>> -> memref<128x128xf32, #tpu.memory_space<vmem>>
        %swap3A_911 = arith.index_cast %add3A_879 : i32 to index
        %swap3A_912 = arith.constant 48 : index
        %swap3A_913 = tpu.vector_load %swap3A_910[%swap3A_911, %swap3A_912] {strides = array<i32>} : memref<128x128xf32, #tpu.memory_space<vmem>>, vector<1x16xf32>,
        %swap3A_914 = vector.shape_cast %swap3A_913 : vector<1x16xf32> to vector<16xf32>
        %swap3A_915 = vector.shape_cast %get3A_484 : vector<16xf32> to vector<1x16xf32>
        tpu.vector_store %swap3A_910[%swap3A_911, %swap3A_912], %swap3A_915 {add = true, strides = array<i32>} : memref<128x128xf32, #tpu.memory_space<vmem>>, vector<1x16xf32>,
        %swap3A_916 = arith.constant 0 : i32
        %swap3A_917 = arith.constant 0 : i32
        %swap3A_918 = tpu.memref_slice %arg8[%scan3A_501, %swap3A_916, %swap3A_917] : memref<4x128x128xf32, #tpu.memory_space<vmem>> -> memref<1x128x128xf32, #tpu.memory_space<vmem>>
        %swap3A_919 = tpu.memref_squeeze %swap3A_918 : memref<1x128x128xf32, #tpu.memory_space<vmem>> -> memref<128x128xf32, #tpu.memory_space<vmem>>
        %swap3A_920 = arith.index_cast %add3A_879 : i32 to index
        %swap3A_921 = arith.constant 64 : index
        %swap3A_922 = tpu.vector_load %swap3A_919[%swap3A_920, %swap3A_921] {strides = array<i32>} : memref<128x128xf32, #tpu.memory_space<vmem>>, vector<1x16xf32>,
        %swap3A_923 = vector.shape_cast %swap3A_922 : vector<1x16xf32> to vector<16xf32>
        %swap3A_924 = vector.shape_cast %get3A_488 : vector<16xf32> to vector<1x16xf32>
        tpu.vector_store %swap3A_919[%swap3A_920, %swap3A_921], %swap3A_924 {add = true, strides = array<i32>} : memref<128x128xf32, #tpu.memory_space<vmem>>, vector<1x16xf32>,
        %swap3A_925 = arith.constant 0 : i32
        %swap3A_926 = arith.constant 0 : i32
        %swap3A_927 = tpu.memref_slice %arg8[%scan3A_501, %swap3A_925, %swap3A_926] : memref<4x128x128xf32, #tpu.memory_space<vmem>> -> memref<1x128x128xf32, #tpu.memory_space<vmem>>
        %swap3A_928 = tpu.memref_squeeze %swap3A_927 : memref<1x128x128xf32, #tpu.memory_space<vmem>> -> memref<128x128xf32, #tpu.memory_space<vmem>>
        %swap3A_929 = arith.index_cast %add3A_879 : i32 to index
        %swap3A_930 = arith.constant 80 : index
        %swap3A_931 = tpu.vector_load %swap3A_928[%swap3A_929, %swap3A_930] {strides = array<i32>} : memref<128x128xf32, #tpu.memory_space<vmem>>, vector<1x16xf32>,
        %swap3A_932 = vector.shape_cast %swap3A_931 : vector<1x16xf32> to vector<16xf32>
        %swap3A_933 = vector.shape_cast %get3A_492 : vector<16xf32> to vector<1x16xf32>
        tpu.vector_store %swap3A_928[%swap3A_929, %swap3A_930], %swap3A_933 {add = true, strides = array<i32>} : memref<128x128xf32, #tpu.memory_space<vmem>>, vector<1x16xf32>,
        %swap3A_934 = arith.constant 0 : i32
        %swap3A_935 = arith.constant 0 : i32
        %swap3A_936 = tpu.memref_slice %arg8[%scan3A_501, %swap3A_934, %swap3A_935] : memref<4x128x128xf32, #tpu.memory_space<vmem>> -> memref<1x128x128xf32, #tpu.memory_space<vmem>>
        %swap3A_937 = tpu.memref_squeeze %swap3A_936 : memref<1x128x128xf32, #tpu.memory_space<vmem>> -> memref<128x128xf32, #tpu.memory_space<vmem>>
        %swap3A_938 = arith.index_cast %add3A_879 : i32 to index
        %swap3A_939 = arith.constant 96 : index
        %swap3A_940 = tpu.vector_load %swap3A_937[%swap3A_938, %swap3A_939] {strides = array<i32>} : memref<128x128xf32, #tpu.memory_space<vmem>>, vector<1x16xf32>,
        %swap3A_941 = vector.shape_cast %swap3A_940 : vector<1x16xf32> to vector<16xf32>
        %swap3A_942 = vector.shape_cast %get3A_496 : vector<16xf32> to vector<1x16xf32>
        tpu.vector_store %swap3A_937[%swap3A_938, %swap3A_939], %swap3A_942 {add = true, strides = array<i32>} : memref<128x128xf32, #tpu.memory_space<vmem>>, vector<1x16xf32>,
        %swap3A_943 = arith.constant 0 : i32
        %swap3A_944 = arith.constant 0 : i32
        %swap3A_945 = tpu.memref_slice %arg8[%scan3A_501, %swap3A_943, %swap3A_944] : memref<4x128x128xf32, #tpu.memory_space<vmem>> -> memref<1x128x128xf32, #tpu.memory_space<vmem>>
        %swap3A_946 = tpu.memref_squeeze %swap3A_945 : memref<1x128x128xf32, #tpu.memory_space<vmem>> -> memref<128x128xf32, #tpu.memory_space<vmem>>
        %swap3A_947 = arith.index_cast %add3A_879 : i32 to index
        %swap3A_948 = arith.constant 112 : index
        %swap3A_949 = tpu.vector_load %swap3A_946[%swap3A_947, %swap3A_948] {strides = array<i32>} : memref<128x128xf32, #tpu.memory_space<vmem>>, vector<1x16xf32>,
        %swap3A_950 = vector.shape_cast %swap3A_949 : vector<1x16xf32> to vector<16xf32>
        %swap3A_951 = vector.shape_cast %get3A_500 : vector<16xf32> to vector<1x16xf32>
        tpu.vector_store %swap3A_946[%swap3A_947, %swap3A_948], %swap3A_951 {add = true, strides = array<i32>} : memref<128x128xf32, #tpu.memory_space<vmem>>, vector<1x16xf32>,
        %scan3A_952 = arith.constant 3 : i32
        %scan3A_953 = arith.addi %scan3A_719, %scan3A_952 : i32
        %mul3A_954 = arith.constant 1 : i32
        %mul3A_955 = arith.muli %scan3A_953, %mul3A_954 : i32
        %add3A_956 = arith.constant 0 : i32
        %add3A_957 = arith.addi %add3A_956, %mul3A_955 : i32
        %swap3A_958 = arith.constant 0 : i32
        %swap3A_959 = arith.constant 0 : i32
        %swap3A_960 = tpu.memref_slice %arg8[%scan3A_501, %swap3A_958, %swap3A_959] : memref<4x128x128xf32, #tpu.memory_space<vmem>> -> memref<1x128x128xf32, #tpu.memory_space<vmem>>
        %swap3A_961 = tpu.memref_squeeze %swap3A_960 : memref<1x128x128xf32, #tpu.memory_space<vmem>> -> memref<128x128xf32, #tpu.memory_space<vmem>>
        %swap3A_962 = arith.index_cast %add3A_957 : i32 to index
        %swap3A_963 = arith.constant 0 : index
        %swap3A_964 = tpu.vector_load %swap3A_961[%swap3A_962, %swap3A_963] {strides = array<i32>} : memref<128x128xf32, #tpu.memory_space<vmem>>, vector<1x16xf32>,
        %swap3A_965 = vector.shape_cast %swap3A_964 : vector<1x16xf32> to vector<16xf32>
        %swap3A_966 = vector.shape_cast %get3A_472 : vector<16xf32> to vector<1x16xf32>
        tpu.vector_store %swap3A_961[%swap3A_962, %swap3A_963], %swap3A_966 {add = true, strides = array<i32>} : memref<128x128xf32, #tpu.memory_space<vmem>>, vector<1x16xf32>,
        %swap3A_967 = arith.constant 0 : i32
        %swap3A_968 = arith.constant 0 : i32
        %swap3A_969 = tpu.memref_slice %arg8[%scan3A_501, %swap3A_967, %swap3A_968] : memref<4x128x128xf32, #tpu.memory_space<vmem>> -> memref<1x128x128xf32, #tpu.memory_space<vmem>>
        %swap3A_970 = tpu.memref_squeeze %swap3A_969 : memref<1x128x128xf32, #tpu.memory_space<vmem>> -> memref<128x128xf32, #tpu.memory_space<vmem>>
        %swap3A_971 = arith.index_cast %add3A_957 : i32 to index
        %swap3A_972 = arith.constant 16 : index
        %swap3A_973 = tpu.vector_load %swap3A_970[%swap3A_971, %swap3A_972] {strides = array<i32>} : memref<128x128xf32, #tpu.memory_space<vmem>>, vector<1x16xf32>,
        %swap3A_974 = vector.shape_cast %swap3A_973 : vector<1x16xf32> to vector<16xf32>
        %swap3A_975 = vector.shape_cast %get3A_476 : vector<16xf32> to vector<1x16xf32>
        tpu.vector_store %swap3A_970[%swap3A_971, %swap3A_972], %swap3A_975 {add = true, strides = array<i32>} : memref<128x128xf32, #tpu.memory_space<vmem>>, vector<1x16xf32>,
        %swap3A_976 = arith.constant 0 : i32
        %swap3A_977 = arith.constant 0 : i32
        %swap3A_978 = tpu.memref_slice %arg8[%scan3A_501, %swap3A_976, %swap3A_977] : memref<4x128x128xf32, #tpu.memory_space<vmem>> -> memref<1x128x128xf32, #tpu.memory_space<vmem>>
        %swap3A_979 = tpu.memref_squeeze %swap3A_978 : memref<1x128x128xf32, #tpu.memory_space<vmem>> -> memref<128x128xf32, #tpu.memory_space<vmem>>
        %swap3A_980 = arith.index_cast %add3A_957 : i32 to index
        %swap3A_981 = arith.constant 32 : index
        %swap3A_982 = tpu.vector_load %swap3A_979[%swap3A_980, %swap3A_981] {strides = array<i32>} : memref<128x128xf32, #tpu.memory_space<vmem>>, vector<1x16xf32>,
        %swap3A_983 = vector.shape_cast %swap3A_982 : vector<1x16xf32> to vector<16xf32>
        %swap3A_984 = vector.shape_cast %get3A_480 : vector<16xf32> to vector<1x16xf32>
        tpu.vector_store %swap3A_979[%swap3A_980, %swap3A_981], %swap3A_984 {add = true, strides = array<i32>} : memref<128x128xf32, #tpu.memory_space<vmem>>, vector<1x16xf32>,
        %swap3A_985 = arith.constant 0 : i32
        %swap3A_986 = arith.constant 0 : i32
        %swap3A_987 = tpu.memref_slice %arg8[%scan3A_501, %swap3A_985, %swap3A_986] : memref<4x128x128xf32, #tpu.memory_space<vmem>> -> memref<1x128x128xf32, #tpu.memory_space<vmem>>
        %swap3A_988 = tpu.memref_squeeze %swap3A_987 : memref<1x128x128xf32, #tpu.memory_space<vmem>> -> memref<128x128xf32, #tpu.memory_space<vmem>>
        %swap3A_989 = arith.index_cast %add3A_957 : i32 to index
        %swap3A_990 = arith.constant 48 : index
        %swap3A_991 = tpu.vector_load %swap3A_988[%swap3A_989, %swap3A_990] {strides = array<i32>} : memref<128x128xf32, #tpu.memory_space<vmem>>, vector<1x16xf32>,
        %swap3A_992 = vector.shape_cast %swap3A_991 : vector<1x16xf32> to vector<16xf32>
        %swap3A_993 = vector.shape_cast %get3A_484 : vector<16xf32> to vector<1x16xf32>
        tpu.vector_store %swap3A_988[%swap3A_989, %swap3A_990], %swap3A_993 {add = true, strides = array<i32>} : memref<128x128xf32, #tpu.memory_space<vmem>>, vector<1x16xf32>,
        %swap3A_994 = arith.constant 0 : i32
        %swap3A_995 = arith.constant 0 : i32
        %swap3A_996 = tpu.memref_slice %arg8[%scan3A_501, %swap3A_994, %swap3A_995] : memref<4x128x128xf32, #tpu.memory_space<vmem>> -> memref<1x128x128xf32, #tpu.memory_space<vmem>>
        %swap3A_997 = tpu.memref_squeeze %swap3A_996 : memref<1x128x128xf32, #tpu.memory_space<vmem>> -> memref<128x128xf32, #tpu.memory_space<vmem>>
        %swap3A_998 = arith.index_cast %add3A_957 : i32 to index
        %swap3A_999 = arith.constant 64 : index
        %swap3A_1000 = tpu.vector_load %swap3A_997[%swap3A_998, %swap3A_999] {strides = array<i32>} : memref<128x128xf32, #tpu.memory_space<vmem>>, vector<1x16xf32>,
        %swap3A_1001 = vector.shape_cast %swap3A_1000 : vector<1x16xf32> to vector<16xf32>
        %swap3A_1002 = vector.shape_cast %get3A_488 : vector<16xf32> to vector<1x16xf32>
        tpu.vector_store %swap3A_997[%swap3A_998, %swap3A_999], %swap3A_1002 {add = true, strides = array<i32>} : memref<128x128xf32, #tpu.memory_space<vmem>>, vector<1x16xf32>,
        %swap3A_1003 = arith.constant 0 : i32
        %swap3A_1004 = arith.constant 0 : i32
        %swap3A_1005 = tpu.memref_slice %arg8[%scan3A_501, %swap3A_1003, %swap3A_1004] : memref<4x128x128xf32, #tpu.memory_space<vmem>> -> memref<1x128x128xf32, #tpu.memory_space<vmem>>
        %swap3A_1006 = tpu.memref_squeeze %swap3A_1005 : memref<1x128x128xf32, #tpu.memory_space<vmem>> -> memref<128x128xf32, #tpu.memory_space<vmem>>
        %swap3A_1007 = arith.index_cast %add3A_957 : i32 to index
        %swap3A_1008 = arith.constant 80 : index
        %swap3A_1009 = tpu.vector_load %swap3A_1006[%swap3A_1007, %swap3A_1008] {strides = array<i32>} : memref<128x128xf32, #tpu.memory_space<vmem>>, vector<1x16xf32>,
        %swap3A_1010 = vector.shape_cast %swap3A_1009 : vector<1x16xf32> to vector<16xf32>
        %swap3A_1011 = vector.shape_cast %get3A_492 : vector<16xf32> to vector<1x16xf32>
        tpu.vector_store %swap3A_1006[%swap3A_1007, %swap3A_1008], %swap3A_1011 {add = true, strides = array<i32>} : memref<128x128xf32, #tpu.memory_space<vmem>>, vector<1x16xf32>,
        %swap3A_1012 = arith.constant 0 : i32
        %swap3A_1013 = arith.constant 0 : i32
        %swap3A_1014 = tpu.memref_slice %arg8[%scan3A_501, %swap3A_1012, %swap3A_1013] : memref<4x128x128xf32, #tpu.memory_space<vmem>> -> memref<1x128x128xf32, #tpu.memory_space<vmem>>
        %swap3A_1015 = tpu.memref_squeeze %swap3A_1014 : memref<1x128x128xf32, #tpu.memory_space<vmem>> -> memref<128x128xf32, #tpu.memory_space<vmem>>
        %swap3A_1016 = arith.index_cast %add3A_957 : i32 to index
        %swap3A_1017 = arith.constant 96 : index
        %swap3A_1018 = tpu.vector_load %swap3A_1015[%swap3A_1016, %swap3A_1017] {strides = array<i32>} : memref<128x128xf32, #tpu.memory_space<vmem>>, vector<1x16xf32>,
        %swap3A_1019 = vector.shape_cast %swap3A_1018 : vector<1x16xf32> to vector<16xf32>
        %swap3A_1020 = vector.shape_cast %get3A_496 : vector<16xf32> to vector<1x16xf32>
        tpu.vector_store %swap3A_1015[%swap3A_1016, %swap3A_1017], %swap3A_1020 {add = true, strides = array<i32>} : memref<128x128xf32, #tpu.memory_space<vmem>>, vector<1x16xf32>,
        %swap3A_1021 = arith.constant 0 : i32
        %swap3A_1022 = arith.constant 0 : i32
        %swap3A_1023 = tpu.memref_slice %arg8[%scan3A_501, %swap3A_1021, %swap3A_1022] : memref<4x128x128xf32, #tpu.memory_space<vmem>> -> memref<1x128x128xf32, #tpu.memory_space<vmem>>
        %swap3A_1024 = tpu.memref_squeeze %swap3A_1023 : memref<1x128x128xf32, #tpu.memory_space<vmem>> -> memref<128x128xf32, #tpu.memory_space<vmem>>
        %swap3A_1025 = arith.index_cast %add3A_957 : i32 to index
        %swap3A_1026 = arith.constant 112 : index
        %swap3A_1027 = tpu.vector_load %swap3A_1024[%swap3A_1025, %swap3A_1026] {strides = array<i32>} : memref<128x128xf32, #tpu.memory_space<vmem>>, vector<1x16xf32>,
        %swap3A_1028 = vector.shape_cast %swap3A_1027 : vector<1x16xf32> to vector<16xf32>
        %swap3A_1029 = vector.shape_cast %get3A_500 : vector<16xf32> to vector<1x16xf32>
        tpu.vector_store %swap3A_1024[%swap3A_1025, %swap3A_1026], %swap3A_1029 {add = true, strides = array<i32>} : memref<128x128xf32, #tpu.memory_space<vmem>>, vector<1x16xf32>,
      }
      %scan3A_506 = arith.constant 128 : i32
      %add3A_507 = vector.broadcast %add3A_448 : i32 to vector<16xi32>
      %add3A_508 = arith.addi %add3A_17, %add3A_507 : vector<16xi32>
      %swap3A_509 = arith.constant 2 : i32
      %swap3A_510 = arith.index_cast %swap3A_509 : i32 to index
      %swap3A_511 = arith.constant 0 : index
      %swap3A_512 = tpu.vector_load %arg9[%swap3A_510, %swap3A_511] {strides = array<i32>} : memref<4x128xi32, #tpu.memory_space<vmem>>, vector<1x16xi32>,
      %swap3A_513 = vector.shape_cast %swap3A_512 : vector<1x16xi32> to vector<16xi32>
      %swap3A_514 = vector.shape_cast %add3A_508 : vector<16xi32> to vector<1x16xi32>
      tpu.vector_store %arg9[%swap3A_510, %swap3A_511], %swap3A_514 {strides = array<i32>} : memref<4x128xi32, #tpu.memory_space<vmem>>, vector<1x16xi32>,
      %add3A_515 = vector.broadcast %add3A_448 : i32 to vector<16xi32>
      %add3A_516 = arith.addi %add3A_27, %add3A_515 : vector<16xi32>
      %swap3A_517 = arith.constant 2 : i32
      %swap3A_518 = arith.index_cast %swap3A_517 : i32 to index
      %swap3A_519 = arith.constant 16 : index
      %swap3A_520 = tpu.vector_load %arg9[%swap3A_518, %swap3A_519] {strides = array<i32>} : memref<4x128xi32, #tpu.memory_space<vmem>>, vector<1x16xi32>,
      %swap3A_521 = vector.shape_cast %swap3A_520 : vector<1x16xi32> to vector<16xi32>
      %swap3A_522 = vector.shape_cast %add3A_516 : vector<16xi32> to vector<1x16xi32>
      tpu.vector_store %arg9[%swap3A_518, %swap3A_519], %swap3A_522 {strides = array<i32>} : memref<4x128xi32, #tpu.memory_space<vmem>>, vector<1x16xi32>,
      %add3A_523 = vector.broadcast %add3A_448 : i32 to vector<16xi32>
      %add3A_524 = arith.addi %add3A_37, %add3A_523 : vector<16xi32>
      %swap3A_525 = arith.constant 2 : i32
      %swap3A_526 = arith.index_cast %swap3A_525 : i32 to index
      %swap3A_527 = arith.constant 32 : index
      %swap3A_528 = tpu.vector_load %arg9[%swap3A_526, %swap3A_527] {strides = array<i32>} : memref<4x128xi32, #tpu.memory_space<vmem>>, vector<1x16xi32>,
      %swap3A_529 = vector.shape_cast %swap3A_528 : vector<1x16xi32> to vector<16xi32>
      %swap3A_530 = vector.shape_cast %add3A_524 : vector<16xi32> to vector<1x16xi32>
      tpu.vector_store %arg9[%swap3A_526, %swap3A_527], %swap3A_530 {strides = array<i32>} : memref<4x128xi32, #tpu.memory_space<vmem>>, vector<1x16xi32>,
      %add3A_531 = vector.broadcast %add3A_448 : i32 to vector<16xi32>
      %add3A_532 = arith.addi %add3A_47, %add3A_531 : vector<16xi32>
      %swap3A_533 = arith.constant 2 : i32
      %swap3A_534 = arith.index_cast %swap3A_533 : i32 to index
      %swap3A_535 = arith.constant 48 : index
      %swap3A_536 = tpu.vector_load %arg9[%swap3A_534, %swap3A_535] {strides = array<i32>} : memref<4x128xi32, #tpu.memory_space<vmem>>, vector<1x16xi32>,
      %swap3A_537 = vector.shape_cast %swap3A_536 : vector<1x16xi32> to vector<16xi32>
      %swap3A_538 = vector.shape_cast %add3A_532 : vector<16xi32> to vector<1x16xi32>
      tpu.vector_store %arg9[%swap3A_534, %swap3A_535], %swap3A_538 {strides = array<i32>} : memref<4x128xi32, #tpu.memory_space<vmem>>, vector<1x16xi32>,
      %add3A_539 = vector.broadcast %add3A_448 : i32 to vector<16xi32>
      %add3A_540 = arith.addi %add3A_57, %add3A_539 : vector<16xi32>
      %swap3A_541 = arith.constant 2 : i32
      %swap3A_542 = arith.index_cast %swap3A_541 : i32 to index
      %swap3A_543 = arith.constant 64 : index
      %swap3A_544 = tpu.vector_load %arg9[%swap3A_542, %swap3A_543] {strides = array<i32>} : memref<4x128xi32, #tpu.memory_space<vmem>>, vector<1x16xi32>,
      %swap3A_545 = vector.shape_cast %swap3A_544 : vector<1x16xi32> to vector<16xi32>
      %swap3A_546 = vector.shape_cast %add3A_540 : vector<16xi32> to vector<1x16xi32>
      tpu.vector_store %arg9[%swap3A_542, %swap3A_543], %swap3A_546 {strides = array<i32>} : memref<4x128xi32, #tpu.memory_space<vmem>>, vector<1x16xi32>,
      %add3A_547 = vector.broadcast %add3A_448 : i32 to vector<16xi32>
      %add3A_548 = arith.addi %add3A_67, %add3A_547 : vector<16xi32>
      %swap3A_549 = arith.constant 2 : i32
      %swap3A_550 = arith.index_cast %swap3A_549 : i32 to index
      %swap3A_551 = arith.constant 80 : index
      %swap3A_552 = tpu.vector_load %arg9[%swap3A_550, %swap3A_551] {strides = array<i32>} : memref<4x128xi32, #tpu.memory_space<vmem>>, vector<1x16xi32>,
      %swap3A_553 = vector.shape_cast %swap3A_552 : vector<1x16xi32> to vector<16xi32>
      %swap3A_554 = vector.shape_cast %add3A_548 : vector<16xi32> to vector<1x16xi32>
      tpu.vector_store %arg9[%swap3A_550, %swap3A_551], %swap3A_554 {strides = array<i32>} : memref<4x128xi32, #tpu.memory_space<vmem>>, vector<1x16xi32>,
      %add3A_555 = vector.broadcast %add3A_448 : i32 to vector<16xi32>
      %add3A_556 = arith.addi %add3A_77, %add3A_555 : vector<16xi32>
      %swap3A_557 = arith.constant 2 : i32
      %swap3A_558 = arith.index_cast %swap3A_557 : i32 to index
      %swap3A_559 = arith.constant 96 : index
      %swap3A_560 = tpu.vector_load %arg9[%swap3A_558, %swap3A_559] {strides = array<i32>} : memref<4x128xi32, #tpu.memory_space<vmem>>, vector<1x16xi32>,
      %swap3A_561 = vector.shape_cast %swap3A_560 : vector<1x16xi32> to vector<16xi32>
      %swap3A_562 = vector.shape_cast %add3A_556 : vector<16xi32> to vector<1x16xi32>
      tpu.vector_store %arg9[%swap3A_558, %swap3A_559], %swap3A_562 {strides = array<i32>} : memref<4x128xi32, #tpu.memory_space<vmem>>, vector<1x16xi32>,
      %add3A_563 = vector.broadcast %add3A_448 : i32 to vector<16xi32>
      %add3A_564 = arith.addi %add3A_87, %add3A_563 : vector<16xi32>
      %swap3A_565 = arith.constant 2 : i32
      %swap3A_566 = arith.index_cast %swap3A_565 : i32 to index
      %swap3A_567 = arith.constant 112 : index
      %swap3A_568 = tpu.vector_load %arg9[%swap3A_566, %swap3A_567] {strides = array<i32>} : memref<4x128xi32, #tpu.memory_space<vmem>>, vector<1x16xi32>,
      %swap3A_569 = vector.shape_cast %swap3A_568 : vector<1x16xi32> to vector<16xi32>
      %swap3A_570 = vector.shape_cast %add3A_564 : vector<16xi32> to vector<1x16xi32>
      tpu.vector_store %arg9[%swap3A_566, %swap3A_567], %swap3A_570 {strides = array<i32>} : memref<4x128xi32, #tpu.memory_space<vmem>>, vector<1x16xi32>,
      %dma_start3A_571 = arith.constant 2 : i32
      %dma_start3A_572 = arith.constant 2 : i32
      %dma_start3A_573 = arith.constant 0 : i32
      %dma_start3A_574 = arith.constant 0 : i32
      %dma_start3A_575 = tpu.memref_slice %arg8[%dma_start3A_571, %dma_start3A_573, %dma_start3A_574] : memref<4x128x128xf32, #tpu.memory_space<vmem>> -> memref<1x128x128xf32, #tpu.memory_space<vmem>>
      %dma_start3A_576 = tpu.memref_squeeze %dma_start3A_575 : memref<1x128x128xf32, #tpu.memory_space<vmem>> -> memref<128x128xf32, #tpu.memory_space<vmem>>
      %dma_start3A_577 = arith.constant 0 : i32
      %dma_start3A_578 = tpu.memref_slice %arg9[%dma_start3A_572, %dma_start3A_577] : memref<4x128xi32, #tpu.memory_space<vmem>> -> memref<1x128xi32, #tpu.memory_space<vmem>>
      %dma_start3A_579 = tpu.memref_squeeze %dma_start3A_578 : memref<1x128xi32, #tpu.memory_space<vmem>> -> memref<128xi32, #tpu.memory_space<vmem>>
      %dma_start3A_580 = arith.constant 0 : i32
      %dma_start3A_581 = arith.constant 0 : i32
      %dma_start3A_582 = tpu.memref_slice %arg5[%dma_start3A_580, %dma_start3A_581] : memref<819200x128xf32, #tpu.memory_space<hbm>> -> memref<819200x128xf32, #tpu.memory_space<hbm>>
      tpu.enqueue_indirect_dma source(%dma_start3A_576 : memref<128x128xf32, #tpu.memory_space<vmem>>) target(%dma_start3A_582 : memref<819200x128xf32, #tpu.memory_space<hbm>>) offsets(%dma_start3A_579 : memref<128xi32, #tpu.memory_space<vmem>>) semaphore(%arg16 : memref<!tpu.dma_semaphore, #tpu.memory_space<semaphore_mem>>)
      %add3A_583 = arith.constant 3 : i32
      %add3A_584 = arith.addi %add3A_180, %add3A_583 : i32
      %dma_wait3A_585 = arith.constant 3 : i32
      %dma_wait3A_586 = arith.constant 0 : i32
      %dma_wait3A_587 = arith.constant 0 : i32
      %dma_wait3A_588 = tpu.memref_slice %arg8[%dma_wait3A_585, %dma_wait3A_586, %dma_wait3A_587] : memref<4x128x128xf32, #tpu.memory_space<vmem>> -> memref<1x128x128xf32, #tpu.memory_space<vmem>>
      %dma_wait3A_589 = tpu.memref_squeeze %dma_wait3A_588 : memref<1x128x128xf32, #tpu.memory_space<vmem>> -> memref<128x128xf32, #tpu.memory_space<vmem>>
      %dma_wait3A_590 = arith.constant 0 : i32
      %dma_wait3A_591 = tpu.memref_slice %arg6[%add3A_584, %dma_wait3A_590] : memref<200x128xi32, #tpu.memory_space<vmem>> -> memref<1x128xi32, #tpu.memory_space<vmem>>
      %dma_wait3A_592 = tpu.memref_squeeze %dma_wait3A_591 : memref<1x128xi32, #tpu.memory_space<vmem>> -> memref<128xi32, #tpu.memory_space<vmem>>
      %dma_wait3A_593 = arith.constant 0 : i32
      %dma_wait3A_594 = arith.constant 0 : i32
      %dma_wait3A_595 = tpu.memref_slice %arg3[%dma_wait3A_593, %dma_wait3A_594] : memref<100000x128xf32, #tpu.memory_space<hbm>> -> memref<100000x128xf32, #tpu.memory_space<hbm>>
      tpu.wait_indirect_dma semaphore(%arg13 : memref<!tpu.dma_semaphore, #tpu.memory_space<semaphore_mem>>) src(%dma_wait3A_595 : memref<100000x128xf32, #tpu.memory_space<hbm>>) dst(%dma_wait3A_589 : memref<128x128xf32, #tpu.memory_space<vmem>>)
      %add3A_596 = arith.constant 4 : i32
      %add3A_597 = arith.addi %add3A_584, %add3A_596 : i32
      %sub3A_598 = arith.constant 1 : i32
      %sub3A_599 = arith.subi %add3A_597, %sub3A_598 : i32
      %lt3A_600 = arith.constant 200 : i32
      %lt3A_601 = arith.cmpi slt, %sub3A_599, %lt3A_600 : i32
      %convert_element_type3A_602 = arith.extui %lt3A_601 : i1 to i32
      %cond3A_603 = arith.constant 0 : i32
      %cond3A_604 = arith.cmpi ne, %convert_element_type3A_602, %cond3A_603 : i32
      scf.if %cond3A_604 {
        %gt3A = arith.constant 0 : i32
        %gt3A_719 = arith.cmpi sgt, %add3A_584, %gt3A : i32
        %convert_element_type3A_720 = arith.extui %gt3A_719 : i1 to i32
        %cond3A_721 = arith.constant 0 : i32
        %cond3A_722 = arith.cmpi ne, %convert_element_type3A_720, %cond3A_721 : i32
        scf.if %cond3A_722 {
          %dma_wait3A_734 = arith.constant 2 : i32
          %dma_wait3A_735 = arith.constant 2 : i32
          %dma_wait3A_736 = arith.constant 0 : i32
          %dma_wait3A_737 = arith.constant 0 : i32
          %dma_wait3A_738 = tpu.memref_slice %arg8[%dma_wait3A_734, %dma_wait3A_736, %dma_wait3A_737] : memref<4x128x128xf32, #tpu.memory_space<vmem>> -> memref<1x128x128xf32, #tpu.memory_space<vmem>>
          %dma_wait3A_739 = tpu.memref_squeeze %dma_wait3A_738 : memref<1x128x128xf32, #tpu.memory_space<vmem>> -> memref<128x128xf32, #tpu.memory_space<vmem>>
          %dma_wait3A_740 = arith.constant 0 : i32
          %dma_wait3A_741 = tpu.memref_slice %arg9[%dma_wait3A_735, %dma_wait3A_740] : memref<4x128xi32, #tpu.memory_space<vmem>> -> memref<1x128xi32, #tpu.memory_space<vmem>>
          %dma_wait3A_742 = tpu.memref_squeeze %dma_wait3A_741 : memref<1x128xi32, #tpu.memory_space<vmem>> -> memref<128xi32, #tpu.memory_space<vmem>>
          %dma_wait3A_743 = arith.constant 0 : i32
          %dma_wait3A_744 = arith.constant 0 : i32
          %dma_wait3A_745 = tpu.memref_slice %arg5[%dma_wait3A_743, %dma_wait3A_744] : memref<819200x128xf32, #tpu.memory_space<hbm>> -> memref<819200x128xf32, #tpu.memory_space<hbm>>
          tpu.wait_indirect_dma semaphore(%arg16 : memref<!tpu.dma_semaphore, #tpu.memory_space<semaphore_mem>>) src(%dma_wait3A_739 : memref<128x128xf32, #tpu.memory_space<vmem>>) dst(%dma_wait3A_745 : memref<819200x128xf32, #tpu.memory_space<hbm>>)
        } else {
        }
        %dma_start3A_723 = arith.constant 2 : i32
        %dma_start3A_724 = arith.constant 0 : i32
        %dma_start3A_725 = arith.constant 0 : i32
        %dma_start3A_726 = tpu.memref_slice %arg8[%dma_start3A_723, %dma_start3A_724, %dma_start3A_725] : memref<4x128x128xf32, #tpu.memory_space<vmem>> -> memref<1x128x128xf32, #tpu.memory_space<vmem>>
        %dma_start3A_727 = tpu.memref_squeeze %dma_start3A_726 : memref<1x128x128xf32, #tpu.memory_space<vmem>> -> memref<128x128xf32, #tpu.memory_space<vmem>>
        %dma_start3A_728 = arith.constant 0 : i32
        %dma_start3A_729 = tpu.memref_slice %arg6[%sub3A_599, %dma_start3A_728] : memref<200x128xi32, #tpu.memory_space<vmem>> -> memref<1x128xi32, #tpu.memory_space<vmem>>
        %dma_start3A_730 = tpu.memref_squeeze %dma_start3A_729 : memref<1x128xi32, #tpu.memory_space<vmem>> -> memref<128xi32, #tpu.memory_space<vmem>>
        %dma_start3A_731 = arith.constant 0 : i32
        %dma_start3A_732 = arith.constant 0 : i32
        %dma_start3A_733 = tpu.memref_slice %arg3[%dma_start3A_731, %dma_start3A_732] : memref<100000x128xf32, #tpu.memory_space<hbm>> -> memref<100000x128xf32, #tpu.memory_space<hbm>>
        tpu.enqueue_indirect_dma source(%dma_start3A_733 : memref<100000x128xf32, #tpu.memory_space<hbm>>) target(%dma_start3A_727 : memref<128x128xf32, #tpu.memory_space<vmem>>) offsets(%dma_start3A_730 : memref<128xi32, #tpu.memory_space<vmem>>) semaphore(%arg12 : memref<!tpu.dma_semaphore, #tpu.memory_space<semaphore_mem>>)
      } else {
      }
      %get3A_605 = arith.index_cast %add3A_584 : i32 to index
      %get3A_606 = arith.constant 0 : index
      %get3A_607 = tpu.vector_load %arg7[%get3A_605, %get3A_606] {strides = array<i32>} : memref<200x128xf32, #tpu.memory_space<vmem>>, vector<1x16xf32>,
      %get3A_608 = vector.shape_cast %get3A_607 : vector<1x16xf32> to vector<16xf32>
      %get3A_609 = arith.index_cast %add3A_584 : i32 to index
      %get3A_610 = arith.constant 16 : index
      %get3A_611 = tpu.vector_load %arg7[%get3A_609, %get3A_610] {strides = array<i32>} : memref<200x128xf32, #tpu.memory_space<vmem>>, vector<1x16xf32>,
      %get3A_612 = vector.shape_cast %get3A_611 : vector<1x16xf32> to vector<16xf32>
      %get3A_613 = arith.index_cast %add3A_584 : i32 to index
      %get3A_614 = arith.constant 32 : index
      %get3A_615 = tpu.vector_load %arg7[%get3A_613, %get3A_614] {strides = array<i32>} : memref<200x128xf32, #tpu.memory_space<vmem>>, vector<1x16xf32>,
      %get3A_616 = vector.shape_cast %get3A_615 : vector<1x16xf32> to vector<16xf32>
      %get3A_617 = arith.index_cast %add3A_584 : i32 to index
      %get3A_618 = arith.constant 48 : index
      %get3A_619 = tpu.vector_load %arg7[%get3A_617, %get3A_618] {strides = array<i32>} : memref<200x128xf32, #tpu.memory_space<vmem>>, vector<1x16xf32>,
      %get3A_620 = vector.shape_cast %get3A_619 : vector<1x16xf32> to vector<16xf32>
      %get3A_621 = arith.index_cast %add3A_584 : i32 to index
      %get3A_622 = arith.constant 64 : index
      %get3A_623 = tpu.vector_load %arg7[%get3A_621, %get3A_622] {strides = array<i32>} : memref<200x128xf32, #tpu.memory_space<vmem>>, vector<1x16xf32>,
      %get3A_624 = vector.shape_cast %get3A_623 : vector<1x16xf32> to vector<16xf32>
      %get3A_625 = arith.index_cast %add3A_584 : i32 to index
      %get3A_626 = arith.constant 80 : index
      %get3A_627 = tpu.vector_load %arg7[%get3A_625, %get3A_626] {strides = array<i32>} : memref<200x128xf32, #tpu.memory_space<vmem>>, vector<1x16xf32>,
      %get3A_628 = vector.shape_cast %get3A_627 : vector<1x16xf32> to vector<16xf32>
      %get3A_629 = arith.index_cast %add3A_584 : i32 to index
      %get3A_630 = arith.constant 96 : index
      %get3A_631 = tpu.vector_load %arg7[%get3A_629, %get3A_630] {strides = array<i32>} : memref<200x128xf32, #tpu.memory_space<vmem>>, vector<1x16xf32>,
      %get3A_632 = vector.shape_cast %get3A_631 : vector<1x16xf32> to vector<16xf32>
      %get3A_633 = arith.index_cast %add3A_584 : i32 to index
      %get3A_634 = arith.constant 112 : index
      %get3A_635 = tpu.vector_load %arg7[%get3A_633, %get3A_634] {strides = array<i32>} : memref<200x128xf32, #tpu.memory_space<vmem>>, vector<1x16xf32>,
      %get3A_636 = vector.shape_cast %get3A_635 : vector<1x16xf32> to vector<16xf32>
      %scan3A_637 = arith.constant 3 : i32
      %scan3A_638 = arith.constant 0 : i32
      %scan3A_639 = arith.constant 128 : i32
      %scan3A_640 = arith.addi %scan3A_638, %scan3A_639 : i32
      %scan3A_641 = arith.constant 4 : i32
      scf.for %scan3A_719 = %scan3A_638 to %scan3A_640 step %scan3A_641  : i32 {
        %mul3A_720 = arith.constant 1 : i32
        %mul3A_721 = arith.muli %scan3A_719, %mul3A_720 : i32
        %add3A_722 = arith.constant 0 : i32
        %add3A_723 = arith.addi %add3A_722, %mul3A_721 : i32
        %swap3A_724 = arith.constant 0 : i32
        %swap3A_725 = arith.constant 0 : i32
        %swap3A_726 = tpu.memref_slice %arg8[%scan3A_637, %swap3A_724, %swap3A_725] : memref<4x128x128xf32, #tpu.memory_space<vmem>> -> memref<1x128x128xf32, #tpu.memory_space<vmem>>
        %swap3A_727 = tpu.memref_squeeze %swap3A_726 : memref<1x128x128xf32, #tpu.memory_space<vmem>> -> memref<128x128xf32, #tpu.memory_space<vmem>>
        %swap3A_728 = arith.index_cast %add3A_723 : i32 to index
        %swap3A_729 = arith.constant 0 : index
        %swap3A_730 = tpu.vector_load %swap3A_727[%swap3A_728, %swap3A_729] {strides = array<i32>} : memref<128x128xf32, #tpu.memory_space<vmem>>, vector<1x16xf32>,
        %swap3A_731 = vector.shape_cast %swap3A_730 : vector<1x16xf32> to vector<16xf32>
        %swap3A_732 = vector.shape_cast %get3A_608 : vector<16xf32> to vector<1x16xf32>
        tpu.vector_store %swap3A_727[%swap3A_728, %swap3A_729], %swap3A_732 {add = true, strides = array<i32>} : memref<128x128xf32, #tpu.memory_space<vmem>>, vector<1x16xf32>,
        %swap3A_733 = arith.constant 0 : i32
        %swap3A_734 = arith.constant 0 : i32
        %swap3A_735 = tpu.memref_slice %arg8[%scan3A_637, %swap3A_733, %swap3A_734] : memref<4x128x128xf32, #tpu.memory_space<vmem>> -> memref<1x128x128xf32, #tpu.memory_space<vmem>>
        %swap3A_736 = tpu.memref_squeeze %swap3A_735 : memref<1x128x128xf32, #tpu.memory_space<vmem>> -> memref<128x128xf32, #tpu.memory_space<vmem>>
        %swap3A_737 = arith.index_cast %add3A_723 : i32 to index
        %swap3A_738 = arith.constant 16 : index
        %swap3A_739 = tpu.vector_load %swap3A_736[%swap3A_737, %swap3A_738] {strides = array<i32>} : memref<128x128xf32, #tpu.memory_space<vmem>>, vector<1x16xf32>,
        %swap3A_740 = vector.shape_cast %swap3A_739 : vector<1x16xf32> to vector<16xf32>
        %swap3A_741 = vector.shape_cast %get3A_612 : vector<16xf32> to vector<1x16xf32>
        tpu.vector_store %swap3A_736[%swap3A_737, %swap3A_738], %swap3A_741 {add = true, strides = array<i32>} : memref<128x128xf32, #tpu.memory_space<vmem>>, vector<1x16xf32>,
        %swap3A_742 = arith.constant 0 : i32
        %swap3A_743 = arith.constant 0 : i32
        %swap3A_744 = tpu.memref_slice %arg8[%scan3A_637, %swap3A_742, %swap3A_743] : memref<4x128x128xf32, #tpu.memory_space<vmem>> -> memref<1x128x128xf32, #tpu.memory_space<vmem>>
        %swap3A_745 = tpu.memref_squeeze %swap3A_744 : memref<1x128x128xf32, #tpu.memory_space<vmem>> -> memref<128x128xf32, #tpu.memory_space<vmem>>
        %swap3A_746 = arith.index_cast %add3A_723 : i32 to index
        %swap3A_747 = arith.constant 32 : index
        %swap3A_748 = tpu.vector_load %swap3A_745[%swap3A_746, %swap3A_747] {strides = array<i32>} : memref<128x128xf32, #tpu.memory_space<vmem>>, vector<1x16xf32>,
        %swap3A_749 = vector.shape_cast %swap3A_748 : vector<1x16xf32> to vector<16xf32>
        %swap3A_750 = vector.shape_cast %get3A_616 : vector<16xf32> to vector<1x16xf32>
        tpu.vector_store %swap3A_745[%swap3A_746, %swap3A_747], %swap3A_750 {add = true, strides = array<i32>} : memref<128x128xf32, #tpu.memory_space<vmem>>, vector<1x16xf32>,
        %swap3A_751 = arith.constant 0 : i32
        %swap3A_752 = arith.constant 0 : i32
        %swap3A_753 = tpu.memref_slice %arg8[%scan3A_637, %swap3A_751, %swap3A_752] : memref<4x128x128xf32, #tpu.memory_space<vmem>> -> memref<1x128x128xf32, #tpu.memory_space<vmem>>
        %swap3A_754 = tpu.memref_squeeze %swap3A_753 : memref<1x128x128xf32, #tpu.memory_space<vmem>> -> memref<128x128xf32, #tpu.memory_space<vmem>>
        %swap3A_755 = arith.index_cast %add3A_723 : i32 to index
        %swap3A_756 = arith.constant 48 : index
        %swap3A_757 = tpu.vector_load %swap3A_754[%swap3A_755, %swap3A_756] {strides = array<i32>} : memref<128x128xf32, #tpu.memory_space<vmem>>, vector<1x16xf32>,
        %swap3A_758 = vector.shape_cast %swap3A_757 : vector<1x16xf32> to vector<16xf32>
        %swap3A_759 = vector.shape_cast %get3A_620 : vector<16xf32> to vector<1x16xf32>
        tpu.vector_store %swap3A_754[%swap3A_755, %swap3A_756], %swap3A_759 {add = true, strides = array<i32>} : memref<128x128xf32, #tpu.memory_space<vmem>>, vector<1x16xf32>,
        %swap3A_760 = arith.constant 0 : i32
        %swap3A_761 = arith.constant 0 : i32
        %swap3A_762 = tpu.memref_slice %arg8[%scan3A_637, %swap3A_760, %swap3A_761] : memref<4x128x128xf32, #tpu.memory_space<vmem>> -> memref<1x128x128xf32, #tpu.memory_space<vmem>>
        %swap3A_763 = tpu.memref_squeeze %swap3A_762 : memref<1x128x128xf32, #tpu.memory_space<vmem>> -> memref<128x128xf32, #tpu.memory_space<vmem>>
        %swap3A_764 = arith.index_cast %add3A_723 : i32 to index
        %swap3A_765 = arith.constant 64 : index
        %swap3A_766 = tpu.vector_load %swap3A_763[%swap3A_764, %swap3A_765] {strides = array<i32>} : memref<128x128xf32, #tpu.memory_space<vmem>>, vector<1x16xf32>,
        %swap3A_767 = vector.shape_cast %swap3A_766 : vector<1x16xf32> to vector<16xf32>
        %swap3A_768 = vector.shape_cast %get3A_624 : vector<16xf32> to vector<1x16xf32>
        tpu.vector_store %swap3A_763[%swap3A_764, %swap3A_765], %swap3A_768 {add = true, strides = array<i32>} : memref<128x128xf32, #tpu.memory_space<vmem>>, vector<1x16xf32>,
        %swap3A_769 = arith.constant 0 : i32
        %swap3A_770 = arith.constant 0 : i32
        %swap3A_771 = tpu.memref_slice %arg8[%scan3A_637, %swap3A_769, %swap3A_770] : memref<4x128x128xf32, #tpu.memory_space<vmem>> -> memref<1x128x128xf32, #tpu.memory_space<vmem>>
        %swap3A_772 = tpu.memref_squeeze %swap3A_771 : memref<1x128x128xf32, #tpu.memory_space<vmem>> -> memref<128x128xf32, #tpu.memory_space<vmem>>
        %swap3A_773 = arith.index_cast %add3A_723 : i32 to index
        %swap3A_774 = arith.constant 80 : index
        %swap3A_775 = tpu.vector_load %swap3A_772[%swap3A_773, %swap3A_774] {strides = array<i32>} : memref<128x128xf32, #tpu.memory_space<vmem>>, vector<1x16xf32>,
        %swap3A_776 = vector.shape_cast %swap3A_775 : vector<1x16xf32> to vector<16xf32>
        %swap3A_777 = vector.shape_cast %get3A_628 : vector<16xf32> to vector<1x16xf32>
        tpu.vector_store %swap3A_772[%swap3A_773, %swap3A_774], %swap3A_777 {add = true, strides = array<i32>} : memref<128x128xf32, #tpu.memory_space<vmem>>, vector<1x16xf32>,
        %swap3A_778 = arith.constant 0 : i32
        %swap3A_779 = arith.constant 0 : i32
        %swap3A_780 = tpu.memref_slice %arg8[%scan3A_637, %swap3A_778, %swap3A_779] : memref<4x128x128xf32, #tpu.memory_space<vmem>> -> memref<1x128x128xf32, #tpu.memory_space<vmem>>
        %swap3A_781 = tpu.memref_squeeze %swap3A_780 : memref<1x128x128xf32, #tpu.memory_space<vmem>> -> memref<128x128xf32, #tpu.memory_space<vmem>>
        %swap3A_782 = arith.index_cast %add3A_723 : i32 to index
        %swap3A_783 = arith.constant 96 : index
        %swap3A_784 = tpu.vector_load %swap3A_781[%swap3A_782, %swap3A_783] {strides = array<i32>} : memref<128x128xf32, #tpu.memory_space<vmem>>, vector<1x16xf32>,
        %swap3A_785 = vector.shape_cast %swap3A_784 : vector<1x16xf32> to vector<16xf32>
        %swap3A_786 = vector.shape_cast %get3A_632 : vector<16xf32> to vector<1x16xf32>
        tpu.vector_store %swap3A_781[%swap3A_782, %swap3A_783], %swap3A_786 {add = true, strides = array<i32>} : memref<128x128xf32, #tpu.memory_space<vmem>>, vector<1x16xf32>,
        %swap3A_787 = arith.constant 0 : i32
        %swap3A_788 = arith.constant 0 : i32
        %swap3A_789 = tpu.memref_slice %arg8[%scan3A_637, %swap3A_787, %swap3A_788] : memref<4x128x128xf32, #tpu.memory_space<vmem>> -> memref<1x128x128xf32, #tpu.memory_space<vmem>>
        %swap3A_790 = tpu.memref_squeeze %swap3A_789 : memref<1x128x128xf32, #tpu.memory_space<vmem>> -> memref<128x128xf32, #tpu.memory_space<vmem>>
        %swap3A_791 = arith.index_cast %add3A_723 : i32 to index
        %swap3A_792 = arith.constant 112 : index
        %swap3A_793 = tpu.vector_load %swap3A_790[%swap3A_791, %swap3A_792] {strides = array<i32>} : memref<128x128xf32, #tpu.memory_space<vmem>>, vector<1x16xf32>,
        %swap3A_794 = vector.shape_cast %swap3A_793 : vector<1x16xf32> to vector<16xf32>
        %swap3A_795 = vector.shape_cast %get3A_636 : vector<16xf32> to vector<1x16xf32>
        tpu.vector_store %swap3A_790[%swap3A_791, %swap3A_792], %swap3A_795 {add = true, strides = array<i32>} : memref<128x128xf32, #tpu.memory_space<vmem>>, vector<1x16xf32>,
        %scan3A_796 = arith.constant 1 : i32
        %scan3A_797 = arith.addi %scan3A_719, %scan3A_796 : i32
        %mul3A_798 = arith.constant 1 : i32
        %mul3A_799 = arith.muli %scan3A_797, %mul3A_798 : i32
        %add3A_800 = arith.constant 0 : i32
        %add3A_801 = arith.addi %add3A_800, %mul3A_799 : i32
        %swap3A_802 = arith.constant 0 : i32
        %swap3A_803 = arith.constant 0 : i32
        %swap3A_804 = tpu.memref_slice %arg8[%scan3A_637, %swap3A_802, %swap3A_803] : memref<4x128x128xf32, #tpu.memory_space<vmem>> -> memref<1x128x128xf32, #tpu.memory_space<vmem>>
        %swap3A_805 = tpu.memref_squeeze %swap3A_804 : memref<1x128x128xf32, #tpu.memory_space<vmem>> -> memref<128x128xf32, #tpu.memory_space<vmem>>
        %swap3A_806 = arith.index_cast %add3A_801 : i32 to index
        %swap3A_807 = arith.constant 0 : index
        %swap3A_808 = tpu.vector_load %swap3A_805[%swap3A_806, %swap3A_807] {strides = array<i32>} : memref<128x128xf32, #tpu.memory_space<vmem>>, vector<1x16xf32>,
        %swap3A_809 = vector.shape_cast %swap3A_808 : vector<1x16xf32> to vector<16xf32>
        %swap3A_810 = vector.shape_cast %get3A_608 : vector<16xf32> to vector<1x16xf32>
        tpu.vector_store %swap3A_805[%swap3A_806, %swap3A_807], %swap3A_810 {add = true, strides = array<i32>} : memref<128x128xf32, #tpu.memory_space<vmem>>, vector<1x16xf32>,
        %swap3A_811 = arith.constant 0 : i32
        %swap3A_812 = arith.constant 0 : i32
        %swap3A_813 = tpu.memref_slice %arg8[%scan3A_637, %swap3A_811, %swap3A_812] : memref<4x128x128xf32, #tpu.memory_space<vmem>> -> memref<1x128x128xf32, #tpu.memory_space<vmem>>
        %swap3A_814 = tpu.memref_squeeze %swap3A_813 : memref<1x128x128xf32, #tpu.memory_space<vmem>> -> memref<128x128xf32, #tpu.memory_space<vmem>>
        %swap3A_815 = arith.index_cast %add3A_801 : i32 to index
        %swap3A_816 = arith.constant 16 : index
        %swap3A_817 = tpu.vector_load %swap3A_814[%swap3A_815, %swap3A_816] {strides = array<i32>} : memref<128x128xf32, #tpu.memory_space<vmem>>, vector<1x16xf32>,
        %swap3A_818 = vector.shape_cast %swap3A_817 : vector<1x16xf32> to vector<16xf32>
        %swap3A_819 = vector.shape_cast %get3A_612 : vector<16xf32> to vector<1x16xf32>
        tpu.vector_store %swap3A_814[%swap3A_815, %swap3A_816], %swap3A_819 {add = true, strides = array<i32>} : memref<128x128xf32, #tpu.memory_space<vmem>>, vector<1x16xf32>,
        %swap3A_820 = arith.constant 0 : i32
        %swap3A_821 = arith.constant 0 : i32
        %swap3A_822 = tpu.memref_slice %arg8[%scan3A_637, %swap3A_820, %swap3A_821] : memref<4x128x128xf32, #tpu.memory_space<vmem>> -> memref<1x128x128xf32, #tpu.memory_space<vmem>>
        %swap3A_823 = tpu.memref_squeeze %swap3A_822 : memref<1x128x128xf32, #tpu.memory_space<vmem>> -> memref<128x128xf32, #tpu.memory_space<vmem>>
        %swap3A_824 = arith.index_cast %add3A_801 : i32 to index
        %swap3A_825 = arith.constant 32 : index
        %swap3A_826 = tpu.vector_load %swap3A_823[%swap3A_824, %swap3A_825] {strides = array<i32>} : memref<128x128xf32, #tpu.memory_space<vmem>>, vector<1x16xf32>,
        %swap3A_827 = vector.shape_cast %swap3A_826 : vector<1x16xf32> to vector<16xf32>
        %swap3A_828 = vector.shape_cast %get3A_616 : vector<16xf32> to vector<1x16xf32>
        tpu.vector_store %swap3A_823[%swap3A_824, %swap3A_825], %swap3A_828 {add = true, strides = array<i32>} : memref<128x128xf32, #tpu.memory_space<vmem>>, vector<1x16xf32>,
        %swap3A_829 = arith.constant 0 : i32
        %swap3A_830 = arith.constant 0 : i32
        %swap3A_831 = tpu.memref_slice %arg8[%scan3A_637, %swap3A_829, %swap3A_830] : memref<4x128x128xf32, #tpu.memory_space<vmem>> -> memref<1x128x128xf32, #tpu.memory_space<vmem>>
        %swap3A_832 = tpu.memref_squeeze %swap3A_831 : memref<1x128x128xf32, #tpu.memory_space<vmem>> -> memref<128x128xf32, #tpu.memory_space<vmem>>
        %swap3A_833 = arith.index_cast %add3A_801 : i32 to index
        %swap3A_834 = arith.constant 48 : index
        %swap3A_835 = tpu.vector_load %swap3A_832[%swap3A_833, %swap3A_834] {strides = array<i32>} : memref<128x128xf32, #tpu.memory_space<vmem>>, vector<1x16xf32>,
        %swap3A_836 = vector.shape_cast %swap3A_835 : vector<1x16xf32> to vector<16xf32>
        %swap3A_837 = vector.shape_cast %get3A_620 : vector<16xf32> to vector<1x16xf32>
        tpu.vector_store %swap3A_832[%swap3A_833, %swap3A_834], %swap3A_837 {add = true, strides = array<i32>} : memref<128x128xf32, #tpu.memory_space<vmem>>, vector<1x16xf32>,
        %swap3A_838 = arith.constant 0 : i32
        %swap3A_839 = arith.constant 0 : i32
        %swap3A_840 = tpu.memref_slice %arg8[%scan3A_637, %swap3A_838, %swap3A_839] : memref<4x128x128xf32, #tpu.memory_space<vmem>> -> memref<1x128x128xf32, #tpu.memory_space<vmem>>
        %swap3A_841 = tpu.memref_squeeze %swap3A_840 : memref<1x128x128xf32, #tpu.memory_space<vmem>> -> memref<128x128xf32, #tpu.memory_space<vmem>>
        %swap3A_842 = arith.index_cast %add3A_801 : i32 to index
        %swap3A_843 = arith.constant 64 : index
        %swap3A_844 = tpu.vector_load %swap3A_841[%swap3A_842, %swap3A_843] {strides = array<i32>} : memref<128x128xf32, #tpu.memory_space<vmem>>, vector<1x16xf32>,
        %swap3A_845 = vector.shape_cast %swap3A_844 : vector<1x16xf32> to vector<16xf32>
        %swap3A_846 = vector.shape_cast %get3A_624 : vector<16xf32> to vector<1x16xf32>
        tpu.vector_store %swap3A_841[%swap3A_842, %swap3A_843], %swap3A_846 {add = true, strides = array<i32>} : memref<128x128xf32, #tpu.memory_space<vmem>>, vector<1x16xf32>,
        %swap3A_847 = arith.constant 0 : i32
        %swap3A_848 = arith.constant 0 : i32
        %swap3A_849 = tpu.memref_slice %arg8[%scan3A_637, %swap3A_847, %swap3A_848] : memref<4x128x128xf32, #tpu.memory_space<vmem>> -> memref<1x128x128xf32, #tpu.memory_space<vmem>>
        %swap3A_850 = tpu.memref_squeeze %swap3A_849 : memref<1x128x128xf32, #tpu.memory_space<vmem>> -> memref<128x128xf32, #tpu.memory_space<vmem>>
        %swap3A_851 = arith.index_cast %add3A_801 : i32 to index
        %swap3A_852 = arith.constant 80 : index
        %swap3A_853 = tpu.vector_load %swap3A_850[%swap3A_851, %swap3A_852] {strides = array<i32>} : memref<128x128xf32, #tpu.memory_space<vmem>>, vector<1x16xf32>,
        %swap3A_854 = vector.shape_cast %swap3A_853 : vector<1x16xf32> to vector<16xf32>
        %swap3A_855 = vector.shape_cast %get3A_628 : vector<16xf32> to vector<1x16xf32>
        tpu.vector_store %swap3A_850[%swap3A_851, %swap3A_852], %swap3A_855 {add = true, strides = array<i32>} : memref<128x128xf32, #tpu.memory_space<vmem>>, vector<1x16xf32>,
        %swap3A_856 = arith.constant 0 : i32
        %swap3A_857 = arith.constant 0 : i32
        %swap3A_858 = tpu.memref_slice %arg8[%scan3A_637, %swap3A_856, %swap3A_857] : memref<4x128x128xf32, #tpu.memory_space<vmem>> -> memref<1x128x128xf32, #tpu.memory_space<vmem>>
        %swap3A_859 = tpu.memref_squeeze %swap3A_858 : memref<1x128x128xf32, #tpu.memory_space<vmem>> -> memref<128x128xf32, #tpu.memory_space<vmem>>
        %swap3A_860 = arith.index_cast %add3A_801 : i32 to index
        %swap3A_861 = arith.constant 96 : index
        %swap3A_862 = tpu.vector_load %swap3A_859[%swap3A_860, %swap3A_861] {strides = array<i32>} : memref<128x128xf32, #tpu.memory_space<vmem>>, vector<1x16xf32>,
        %swap3A_863 = vector.shape_cast %swap3A_862 : vector<1x16xf32> to vector<16xf32>
        %swap3A_864 = vector.shape_cast %get3A_632 : vector<16xf32> to vector<1x16xf32>
        tpu.vector_store %swap3A_859[%swap3A_860, %swap3A_861], %swap3A_864 {add = true, strides = array<i32>} : memref<128x128xf32, #tpu.memory_space<vmem>>, vector<1x16xf32>,
        %swap3A_865 = arith.constant 0 : i32
        %swap3A_866 = arith.constant 0 : i32
        %swap3A_867 = tpu.memref_slice %arg8[%scan3A_637, %swap3A_865, %swap3A_866] : memref<4x128x128xf32, #tpu.memory_space<vmem>> -> memref<1x128x128xf32, #tpu.memory_space<vmem>>
        %swap3A_868 = tpu.memref_squeeze %swap3A_867 : memref<1x128x128xf32, #tpu.memory_space<vmem>> -> memref<128x128xf32, #tpu.memory_space<vmem>>
        %swap3A_869 = arith.index_cast %add3A_801 : i32 to index
        %swap3A_870 = arith.constant 112 : index
        %swap3A_871 = tpu.vector_load %swap3A_868[%swap3A_869, %swap3A_870] {strides = array<i32>} : memref<128x128xf32, #tpu.memory_space<vmem>>, vector<1x16xf32>,
        %swap3A_872 = vector.shape_cast %swap3A_871 : vector<1x16xf32> to vector<16xf32>
        %swap3A_873 = vector.shape_cast %get3A_636 : vector<16xf32> to vector<1x16xf32>
        tpu.vector_store %swap3A_868[%swap3A_869, %swap3A_870], %swap3A_873 {add = true, strides = array<i32>} : memref<128x128xf32, #tpu.memory_space<vmem>>, vector<1x16xf32>,
        %scan3A_874 = arith.constant 2 : i32
        %scan3A_875 = arith.addi %scan3A_719, %scan3A_874 : i32
        %mul3A_876 = arith.constant 1 : i32
        %mul3A_877 = arith.muli %scan3A_875, %mul3A_876 : i32
        %add3A_878 = arith.constant 0 : i32
        %add3A_879 = arith.addi %add3A_878, %mul3A_877 : i32
        %swap3A_880 = arith.constant 0 : i32
        %swap3A_881 = arith.constant 0 : i32
        %swap3A_882 = tpu.memref_slice %arg8[%scan3A_637, %swap3A_880, %swap3A_881] : memref<4x128x128xf32, #tpu.memory_space<vmem>> -> memref<1x128x128xf32, #tpu.memory_space<vmem>>
        %swap3A_883 = tpu.memref_squeeze %swap3A_882 : memref<1x128x128xf32, #tpu.memory_space<vmem>> -> memref<128x128xf32, #tpu.memory_space<vmem>>
        %swap3A_884 = arith.index_cast %add3A_879 : i32 to index
        %swap3A_885 = arith.constant 0 : index
        %swap3A_886 = tpu.vector_load %swap3A_883[%swap3A_884, %swap3A_885] {strides = array<i32>} : memref<128x128xf32, #tpu.memory_space<vmem>>, vector<1x16xf32>,
        %swap3A_887 = vector.shape_cast %swap3A_886 : vector<1x16xf32> to vector<16xf32>
        %swap3A_888 = vector.shape_cast %get3A_608 : vector<16xf32> to vector<1x16xf32>
        tpu.vector_store %swap3A_883[%swap3A_884, %swap3A_885], %swap3A_888 {add = true, strides = array<i32>} : memref<128x128xf32, #tpu.memory_space<vmem>>, vector<1x16xf32>,
        %swap3A_889 = arith.constant 0 : i32
        %swap3A_890 = arith.constant 0 : i32
        %swap3A_891 = tpu.memref_slice %arg8[%scan3A_637, %swap3A_889, %swap3A_890] : memref<4x128x128xf32, #tpu.memory_space<vmem>> -> memref<1x128x128xf32, #tpu.memory_space<vmem>>
        %swap3A_892 = tpu.memref_squeeze %swap3A_891 : memref<1x128x128xf32, #tpu.memory_space<vmem>> -> memref<128x128xf32, #tpu.memory_space<vmem>>
        %swap3A_893 = arith.index_cast %add3A_879 : i32 to index
        %swap3A_894 = arith.constant 16 : index
        %swap3A_895 = tpu.vector_load %swap3A_892[%swap3A_893, %swap3A_894] {strides = array<i32>} : memref<128x128xf32, #tpu.memory_space<vmem>>, vector<1x16xf32>,
        %swap3A_896 = vector.shape_cast %swap3A_895 : vector<1x16xf32> to vector<16xf32>
        %swap3A_897 = vector.shape_cast %get3A_612 : vector<16xf32> to vector<1x16xf32>
        tpu.vector_store %swap3A_892[%swap3A_893, %swap3A_894], %swap3A_897 {add = true, strides = array<i32>} : memref<128x128xf32, #tpu.memory_space<vmem>>, vector<1x16xf32>,
        %swap3A_898 = arith.constant 0 : i32
        %swap3A_899 = arith.constant 0 : i32
        %swap3A_900 = tpu.memref_slice %arg8[%scan3A_637, %swap3A_898, %swap3A_899] : memref<4x128x128xf32, #tpu.memory_space<vmem>> -> memref<1x128x128xf32, #tpu.memory_space<vmem>>
        %swap3A_901 = tpu.memref_squeeze %swap3A_900 : memref<1x128x128xf32, #tpu.memory_space<vmem>> -> memref<128x128xf32, #tpu.memory_space<vmem>>
        %swap3A_902 = arith.index_cast %add3A_879 : i32 to index
        %swap3A_903 = arith.constant 32 : index
        %swap3A_904 = tpu.vector_load %swap3A_901[%swap3A_902, %swap3A_903] {strides = array<i32>} : memref<128x128xf32, #tpu.memory_space<vmem>>, vector<1x16xf32>,
        %swap3A_905 = vector.shape_cast %swap3A_904 : vector<1x16xf32> to vector<16xf32>
        %swap3A_906 = vector.shape_cast %get3A_616 : vector<16xf32> to vector<1x16xf32>
        tpu.vector_store %swap3A_901[%swap3A_902, %swap3A_903], %swap3A_906 {add = true, strides = array<i32>} : memref<128x128xf32, #tpu.memory_space<vmem>>, vector<1x16xf32>,
        %swap3A_907 = arith.constant 0 : i32
        %swap3A_908 = arith.constant 0 : i32
        %swap3A_909 = tpu.memref_slice %arg8[%scan3A_637, %swap3A_907, %swap3A_908] : memref<4x128x128xf32, #tpu.memory_space<vmem>> -> memref<1x128x128xf32, #tpu.memory_space<vmem>>
        %swap3A_910 = tpu.memref_squeeze %swap3A_909 : memref<1x128x128xf32, #tpu.memory_space<vmem>> -> memref<128x128xf32, #tpu.memory_space<vmem>>
        %swap3A_911 = arith.index_cast %add3A_879 : i32 to index
        %swap3A_912 = arith.constant 48 : index
        %swap3A_913 = tpu.vector_load %swap3A_910[%swap3A_911, %swap3A_912] {strides = array<i32>} : memref<128x128xf32, #tpu.memory_space<vmem>>, vector<1x16xf32>,
        %swap3A_914 = vector.shape_cast %swap3A_913 : vector<1x16xf32> to vector<16xf32>
        %swap3A_915 = vector.shape_cast %get3A_620 : vector<16xf32> to vector<1x16xf32>
        tpu.vector_store %swap3A_910[%swap3A_911, %swap3A_912], %swap3A_915 {add = true, strides = array<i32>} : memref<128x128xf32, #tpu.memory_space<vmem>>, vector<1x16xf32>,
        %swap3A_916 = arith.constant 0 : i32
        %swap3A_917 = arith.constant 0 : i32
        %swap3A_918 = tpu.memref_slice %arg8[%scan3A_637, %swap3A_916, %swap3A_917] : memref<4x128x128xf32, #tpu.memory_space<vmem>> -> memref<1x128x128xf32, #tpu.memory_space<vmem>>
        %swap3A_919 = tpu.memref_squeeze %swap3A_918 : memref<1x128x128xf32, #tpu.memory_space<vmem>> -> memref<128x128xf32, #tpu.memory_space<vmem>>
        %swap3A_920 = arith.index_cast %add3A_879 : i32 to index
        %swap3A_921 = arith.constant 64 : index
        %swap3A_922 = tpu.vector_load %swap3A_919[%swap3A_920, %swap3A_921] {strides = array<i32>} : memref<128x128xf32, #tpu.memory_space<vmem>>, vector<1x16xf32>,
        %swap3A_923 = vector.shape_cast %swap3A_922 : vector<1x16xf32> to vector<16xf32>
        %swap3A_924 = vector.shape_cast %get3A_624 : vector<16xf32> to vector<1x16xf32>
        tpu.vector_store %swap3A_919[%swap3A_920, %swap3A_921], %swap3A_924 {add = true, strides = array<i32>} : memref<128x128xf32, #tpu.memory_space<vmem>>, vector<1x16xf32>,
        %swap3A_925 = arith.constant 0 : i32
        %swap3A_926 = arith.constant 0 : i32
        %swap3A_927 = tpu.memref_slice %arg8[%scan3A_637, %swap3A_925, %swap3A_926] : memref<4x128x128xf32, #tpu.memory_space<vmem>> -> memref<1x128x128xf32, #tpu.memory_space<vmem>>
        %swap3A_928 = tpu.memref_squeeze %swap3A_927 : memref<1x128x128xf32, #tpu.memory_space<vmem>> -> memref<128x128xf32, #tpu.memory_space<vmem>>
        %swap3A_929 = arith.index_cast %add3A_879 : i32 to index
        %swap3A_930 = arith.constant 80 : index
        %swap3A_931 = tpu.vector_load %swap3A_928[%swap3A_929, %swap3A_930] {strides = array<i32>} : memref<128x128xf32, #tpu.memory_space<vmem>>, vector<1x16xf32>,
        %swap3A_932 = vector.shape_cast %swap3A_931 : vector<1x16xf32> to vector<16xf32>
        %swap3A_933 = vector.shape_cast %get3A_628 : vector<16xf32> to vector<1x16xf32>
        tpu.vector_store %swap3A_928[%swap3A_929, %swap3A_930], %swap3A_933 {add = true, strides = array<i32>} : memref<128x128xf32, #tpu.memory_space<vmem>>, vector<1x16xf32>,
        %swap3A_934 = arith.constant 0 : i32
        %swap3A_935 = arith.constant 0 : i32
        %swap3A_936 = tpu.memref_slice %arg8[%scan3A_637, %swap3A_934, %swap3A_935] : memref<4x128x128xf32, #tpu.memory_space<vmem>> -> memref<1x128x128xf32, #tpu.memory_space<vmem>>
        %swap3A_937 = tpu.memref_squeeze %swap3A_936 : memref<1x128x128xf32, #tpu.memory_space<vmem>> -> memref<128x128xf32, #tpu.memory_space<vmem>>
        %swap3A_938 = arith.index_cast %add3A_879 : i32 to index
        %swap3A_939 = arith.constant 96 : index
        %swap3A_940 = tpu.vector_load %swap3A_937[%swap3A_938, %swap3A_939] {strides = array<i32>} : memref<128x128xf32, #tpu.memory_space<vmem>>, vector<1x16xf32>,
        %swap3A_941 = vector.shape_cast %swap3A_940 : vector<1x16xf32> to vector<16xf32>
        %swap3A_942 = vector.shape_cast %get3A_632 : vector<16xf32> to vector<1x16xf32>
        tpu.vector_store %swap3A_937[%swap3A_938, %swap3A_939], %swap3A_942 {add = true, strides = array<i32>} : memref<128x128xf32, #tpu.memory_space<vmem>>, vector<1x16xf32>,
        %swap3A_943 = arith.constant 0 : i32
        %swap3A_944 = arith.constant 0 : i32
        %swap3A_945 = tpu.memref_slice %arg8[%scan3A_637, %swap3A_943, %swap3A_944] : memref<4x128x128xf32, #tpu.memory_space<vmem>> -> memref<1x128x128xf32, #tpu.memory_space<vmem>>
        %swap3A_946 = tpu.memref_squeeze %swap3A_945 : memref<1x128x128xf32, #tpu.memory_space<vmem>> -> memref<128x128xf32, #tpu.memory_space<vmem>>
        %swap3A_947 = arith.index_cast %add3A_879 : i32 to index
        %swap3A_948 = arith.constant 112 : index
        %swap3A_949 = tpu.vector_load %swap3A_946[%swap3A_947, %swap3A_948] {strides = array<i32>} : memref<128x128xf32, #tpu.memory_space<vmem>>, vector<1x16xf32>,
        %swap3A_950 = vector.shape_cast %swap3A_949 : vector<1x16xf32> to vector<16xf32>
        %swap3A_951 = vector.shape_cast %get3A_636 : vector<16xf32> to vector<1x16xf32>
        tpu.vector_store %swap3A_946[%swap3A_947, %swap3A_948], %swap3A_951 {add = true, strides = array<i32>} : memref<128x128xf32, #tpu.memory_space<vmem>>, vector<1x16xf32>,
        %scan3A_952 = arith.constant 3 : i32
        %scan3A_953 = arith.addi %scan3A_719, %scan3A_952 : i32
        %mul3A_954 = arith.constant 1 : i32
        %mul3A_955 = arith.muli %scan3A_953, %mul3A_954 : i32
        %add3A_956 = arith.constant 0 : i32
        %add3A_957 = arith.addi %add3A_956, %mul3A_955 : i32
        %swap3A_958 = arith.constant 0 : i32
        %swap3A_959 = arith.constant 0 : i32
        %swap3A_960 = tpu.memref_slice %arg8[%scan3A_637, %swap3A_958, %swap3A_959] : memref<4x128x128xf32, #tpu.memory_space<vmem>> -> memref<1x128x128xf32, #tpu.memory_space<vmem>>
        %swap3A_961 = tpu.memref_squeeze %swap3A_960 : memref<1x128x128xf32, #tpu.memory_space<vmem>> -> memref<128x128xf32, #tpu.memory_space<vmem>>
        %swap3A_962 = arith.index_cast %add3A_957 : i32 to index
        %swap3A_963 = arith.constant 0 : index
        %swap3A_964 = tpu.vector_load %swap3A_961[%swap3A_962, %swap3A_963] {strides = array<i32>} : memref<128x128xf32, #tpu.memory_space<vmem>>, vector<1x16xf32>,
        %swap3A_965 = vector.shape_cast %swap3A_964 : vector<1x16xf32> to vector<16xf32>
        %swap3A_966 = vector.shape_cast %get3A_608 : vector<16xf32> to vector<1x16xf32>
        tpu.vector_store %swap3A_961[%swap3A_962, %swap3A_963], %swap3A_966 {add = true, strides = array<i32>} : memref<128x128xf32, #tpu.memory_space<vmem>>, vector<1x16xf32>,
        %swap3A_967 = arith.constant 0 : i32
        %swap3A_968 = arith.constant 0 : i32
        %swap3A_969 = tpu.memref_slice %arg8[%scan3A_637, %swap3A_967, %swap3A_968] : memref<4x128x128xf32, #tpu.memory_space<vmem>> -> memref<1x128x128xf32, #tpu.memory_space<vmem>>
        %swap3A_970 = tpu.memref_squeeze %swap3A_969 : memref<1x128x128xf32, #tpu.memory_space<vmem>> -> memref<128x128xf32, #tpu.memory_space<vmem>>
        %swap3A_971 = arith.index_cast %add3A_957 : i32 to index
        %swap3A_972 = arith.constant 16 : index
        %swap3A_973 = tpu.vector_load %swap3A_970[%swap3A_971, %swap3A_972] {strides = array<i32>} : memref<128x128xf32, #tpu.memory_space<vmem>>, vector<1x16xf32>,
        %swap3A_974 = vector.shape_cast %swap3A_973 : vector<1x16xf32> to vector<16xf32>
        %swap3A_975 = vector.shape_cast %get3A_612 : vector<16xf32> to vector<1x16xf32>
        tpu.vector_store %swap3A_970[%swap3A_971, %swap3A_972], %swap3A_975 {add = true, strides = array<i32>} : memref<128x128xf32, #tpu.memory_space<vmem>>, vector<1x16xf32>,
        %swap3A_976 = arith.constant 0 : i32
        %swap3A_977 = arith.constant 0 : i32
        %swap3A_978 = tpu.memref_slice %arg8[%scan3A_637, %swap3A_976, %swap3A_977] : memref<4x128x128xf32, #tpu.memory_space<vmem>> -> memref<1x128x128xf32, #tpu.memory_space<vmem>>
        %swap3A_979 = tpu.memref_squeeze %swap3A_978 : memref<1x128x128xf32, #tpu.memory_space<vmem>> -> memref<128x128xf32, #tpu.memory_space<vmem>>
        %swap3A_980 = arith.index_cast %add3A_957 : i32 to index
        %swap3A_981 = arith.constant 32 : index
        %swap3A_982 = tpu.vector_load %swap3A_979[%swap3A_980, %swap3A_981] {strides = array<i32>} : memref<128x128xf32, #tpu.memory_space<vmem>>, vector<1x16xf32>,
        %swap3A_983 = vector.shape_cast %swap3A_982 : vector<1x16xf32> to vector<16xf32>
        %swap3A_984 = vector.shape_cast %get3A_616 : vector<16xf32> to vector<1x16xf32>
        tpu.vector_store %swap3A_979[%swap3A_980, %swap3A_981], %swap3A_984 {add = true, strides = array<i32>} : memref<128x128xf32, #tpu.memory_space<vmem>>, vector<1x16xf32>,
        %swap3A_985 = arith.constant 0 : i32
        %swap3A_986 = arith.constant 0 : i32
        %swap3A_987 = tpu.memref_slice %arg8[%scan3A_637, %swap3A_985, %swap3A_986] : memref<4x128x128xf32, #tpu.memory_space<vmem>> -> memref<1x128x128xf32, #tpu.memory_space<vmem>>
        %swap3A_988 = tpu.memref_squeeze %swap3A_987 : memref<1x128x128xf32, #tpu.memory_space<vmem>> -> memref<128x128xf32, #tpu.memory_space<vmem>>
        %swap3A_989 = arith.index_cast %add3A_957 : i32 to index
        %swap3A_990 = arith.constant 48 : index
        %swap3A_991 = tpu.vector_load %swap3A_988[%swap3A_989, %swap3A_990] {strides = array<i32>} : memref<128x128xf32, #tpu.memory_space<vmem>>, vector<1x16xf32>,
        %swap3A_992 = vector.shape_cast %swap3A_991 : vector<1x16xf32> to vector<16xf32>
        %swap3A_993 = vector.shape_cast %get3A_620 : vector<16xf32> to vector<1x16xf32>
        tpu.vector_store %swap3A_988[%swap3A_989, %swap3A_990], %swap3A_993 {add = true, strides = array<i32>} : memref<128x128xf32, #tpu.memory_space<vmem>>, vector<1x16xf32>,
        %swap3A_994 = arith.constant 0 : i32
        %swap3A_995 = arith.constant 0 : i32
        %swap3A_996 = tpu.memref_slice %arg8[%scan3A_637, %swap3A_994, %swap3A_995] : memref<4x128x128xf32, #tpu.memory_space<vmem>> -> memref<1x128x128xf32, #tpu.memory_space<vmem>>
        %swap3A_997 = tpu.memref_squeeze %swap3A_996 : memref<1x128x128xf32, #tpu.memory_space<vmem>> -> memref<128x128xf32, #tpu.memory_space<vmem>>
        %swap3A_998 = arith.index_cast %add3A_957 : i32 to index
        %swap3A_999 = arith.constant 64 : index
        %swap3A_1000 = tpu.vector_load %swap3A_997[%swap3A_998, %swap3A_999] {strides = array<i32>} : memref<128x128xf32, #tpu.memory_space<vmem>>, vector<1x16xf32>,
        %swap3A_1001 = vector.shape_cast %swap3A_1000 : vector<1x16xf32> to vector<16xf32>
        %swap3A_1002 = vector.shape_cast %get3A_624 : vector<16xf32> to vector<1x16xf32>
        tpu.vector_store %swap3A_997[%swap3A_998, %swap3A_999], %swap3A_1002 {add = true, strides = array<i32>} : memref<128x128xf32, #tpu.memory_space<vmem>>, vector<1x16xf32>,
        %swap3A_1003 = arith.constant 0 : i32
        %swap3A_1004 = arith.constant 0 : i32
        %swap3A_1005 = tpu.memref_slice %arg8[%scan3A_637, %swap3A_1003, %swap3A_1004] : memref<4x128x128xf32, #tpu.memory_space<vmem>> -> memref<1x128x128xf32, #tpu.memory_space<vmem>>
        %swap3A_1006 = tpu.memref_squeeze %swap3A_1005 : memref<1x128x128xf32, #tpu.memory_space<vmem>> -> memref<128x128xf32, #tpu.memory_space<vmem>>
        %swap3A_1007 = arith.index_cast %add3A_957 : i32 to index
        %swap3A_1008 = arith.constant 80 : index
        %swap3A_1009 = tpu.vector_load %swap3A_1006[%swap3A_1007, %swap3A_1008] {strides = array<i32>} : memref<128x128xf32, #tpu.memory_space<vmem>>, vector<1x16xf32>,
        %swap3A_1010 = vector.shape_cast %swap3A_1009 : vector<1x16xf32> to vector<16xf32>
        %swap3A_1011 = vector.shape_cast %get3A_628 : vector<16xf32> to vector<1x16xf32>
        tpu.vector_store %swap3A_1006[%swap3A_1007, %swap3A_1008], %swap3A_1011 {add = true, strides = array<i32>} : memref<128x128xf32, #tpu.memory_space<vmem>>, vector<1x16xf32>,
        %swap3A_1012 = arith.constant 0 : i32
        %swap3A_1013 = arith.constant 0 : i32
        %swap3A_1014 = tpu.memref_slice %arg8[%scan3A_637, %swap3A_1012, %swap3A_1013] : memref<4x128x128xf32, #tpu.memory_space<vmem>> -> memref<1x128x128xf32, #tpu.memory_space<vmem>>
        %swap3A_1015 = tpu.memref_squeeze %swap3A_1014 : memref<1x128x128xf32, #tpu.memory_space<vmem>> -> memref<128x128xf32, #tpu.memory_space<vmem>>
        %swap3A_1016 = arith.index_cast %add3A_957 : i32 to index
        %swap3A_1017 = arith.constant 96 : index
        %swap3A_1018 = tpu.vector_load %swap3A_1015[%swap3A_1016, %swap3A_1017] {strides = array<i32>} : memref<128x128xf32, #tpu.memory_space<vmem>>, vector<1x16xf32>,
        %swap3A_1019 = vector.shape_cast %swap3A_1018 : vector<1x16xf32> to vector<16xf32>
        %swap3A_1020 = vector.shape_cast %get3A_632 : vector<16xf32> to vector<1x16xf32>
        tpu.vector_store %swap3A_1015[%swap3A_1016, %swap3A_1017], %swap3A_1020 {add = true, strides = array<i32>} : memref<128x128xf32, #tpu.memory_space<vmem>>, vector<1x16xf32>,
        %swap3A_1021 = arith.constant 0 : i32
        %swap3A_1022 = arith.constant 0 : i32
        %swap3A_1023 = tpu.memref_slice %arg8[%scan3A_637, %swap3A_1021, %swap3A_1022] : memref<4x128x128xf32, #tpu.memory_space<vmem>> -> memref<1x128x128xf32, #tpu.memory_space<vmem>>
        %swap3A_1024 = tpu.memref_squeeze %swap3A_1023 : memref<1x128x128xf32, #tpu.memory_space<vmem>> -> memref<128x128xf32, #tpu.memory_space<vmem>>
        %swap3A_1025 = arith.index_cast %add3A_957 : i32 to index
        %swap3A_1026 = arith.constant 112 : index
        %swap3A_1027 = tpu.vector_load %swap3A_1024[%swap3A_1025, %swap3A_1026] {strides = array<i32>} : memref<128x128xf32, #tpu.memory_space<vmem>>, vector<1x16xf32>,
        %swap3A_1028 = vector.shape_cast %swap3A_1027 : vector<1x16xf32> to vector<16xf32>
        %swap3A_1029 = vector.shape_cast %get3A_636 : vector<16xf32> to vector<1x16xf32>
        tpu.vector_store %swap3A_1024[%swap3A_1025, %swap3A_1026], %swap3A_1029 {add = true, strides = array<i32>} : memref<128x128xf32, #tpu.memory_space<vmem>>, vector<1x16xf32>,
      }
      %scan3A_642 = arith.constant 128 : i32
      %add3A_643 = vector.broadcast %add3A_584 : i32 to vector<16xi32>
      %add3A_644 = arith.addi %add3A_17, %add3A_643 : vector<16xi32>
      %swap3A_645 = arith.constant 3 : i32
      %swap3A_646 = arith.index_cast %swap3A_645 : i32 to index
      %swap3A_647 = arith.constant 0 : index
      %swap3A_648 = tpu.vector_load %arg9[%swap3A_646, %swap3A_647] {strides = array<i32>} : memref<4x128xi32, #tpu.memory_space<vmem>>, vector<1x16xi32>,
      %swap3A_649 = vector.shape_cast %swap3A_648 : vector<1x16xi32> to vector<16xi32>
      %swap3A_650 = vector.shape_cast %add3A_644 : vector<16xi32> to vector<1x16xi32>
      tpu.vector_store %arg9[%swap3A_646, %swap3A_647], %swap3A_650 {strides = array<i32>} : memref<4x128xi32, #tpu.memory_space<vmem>>, vector<1x16xi32>,
      %add3A_651 = vector.broadcast %add3A_584 : i32 to vector<16xi32>
      %add3A_652 = arith.addi %add3A_27, %add3A_651 : vector<16xi32>
      %swap3A_653 = arith.constant 3 : i32
      %swap3A_654 = arith.index_cast %swap3A_653 : i32 to index
      %swap3A_655 = arith.constant 16 : index
      %swap3A_656 = tpu.vector_load %arg9[%swap3A_654, %swap3A_655] {strides = array<i32>} : memref<4x128xi32, #tpu.memory_space<vmem>>, vector<1x16xi32>,
      %swap3A_657 = vector.shape_cast %swap3A_656 : vector<1x16xi32> to vector<16xi32>
      %swap3A_658 = vector.shape_cast %add3A_652 : vector<16xi32> to vector<1x16xi32>
      tpu.vector_store %arg9[%swap3A_654, %swap3A_655], %swap3A_658 {strides = array<i32>} : memref<4x128xi32, #tpu.memory_space<vmem>>, vector<1x16xi32>,
      %add3A_659 = vector.broadcast %add3A_584 : i32 to vector<16xi32>
      %add3A_660 = arith.addi %add3A_37, %add3A_659 : vector<16xi32>
      %swap3A_661 = arith.constant 3 : i32
      %swap3A_662 = arith.index_cast %swap3A_661 : i32 to index
      %swap3A_663 = arith.constant 32 : index
      %swap3A_664 = tpu.vector_load %arg9[%swap3A_662, %swap3A_663] {strides = array<i32>} : memref<4x128xi32, #tpu.memory_space<vmem>>, vector<1x16xi32>,
      %swap3A_665 = vector.shape_cast %swap3A_664 : vector<1x16xi32> to vector<16xi32>
      %swap3A_666 = vector.shape_cast %add3A_660 : vector<16xi32> to vector<1x16xi32>
      tpu.vector_store %arg9[%swap3A_662, %swap3A_663], %swap3A_666 {strides = array<i32>} : memref<4x128xi32, #tpu.memory_space<vmem>>, vector<1x16xi32>,
      %add3A_667 = vector.broadcast %add3A_584 : i32 to vector<16xi32>
      %add3A_668 = arith.addi %add3A_47, %add3A_667 : vector<16xi32>
      %swap3A_669 = arith.constant 3 : i32
      %swap3A_670 = arith.index_cast %swap3A_669 : i32 to index
      %swap3A_671 = arith.constant 48 : index
      %swap3A_672 = tpu.vector_load %arg9[%swap3A_670, %swap3A_671] {strides = array<i32>} : memref<4x128xi32, #tpu.memory_space<vmem>>, vector<1x16xi32>,
      %swap3A_673 = vector.shape_cast %swap3A_672 : vector<1x16xi32> to vector<16xi32>
      %swap3A_674 = vector.shape_cast %add3A_668 : vector<16xi32> to vector<1x16xi32>
      tpu.vector_store %arg9[%swap3A_670, %swap3A_671], %swap3A_674 {strides = array<i32>} : memref<4x128xi32, #tpu.memory_space<vmem>>, vector<1x16xi32>,
      %add3A_675 = vector.broadcast %add3A_584 : i32 to vector<16xi32>
      %add3A_676 = arith.addi %add3A_57, %add3A_675 : vector<16xi32>
      %swap3A_677 = arith.constant 3 : i32
      %swap3A_678 = arith.index_cast %swap3A_677 : i32 to index
      %swap3A_679 = arith.constant 64 : index
      %swap3A_680 = tpu.vector_load %arg9[%swap3A_678, %swap3A_679] {strides = array<i32>} : memref<4x128xi32, #tpu.memory_space<vmem>>, vector<1x16xi32>,
      %swap3A_681 = vector.shape_cast %swap3A_680 : vector<1x16xi32> to vector<16xi32>
      %swap3A_682 = vector.shape_cast %add3A_676 : vector<16xi32> to vector<1x16xi32>
      tpu.vector_store %arg9[%swap3A_678, %swap3A_679], %swap3A_682 {strides = array<i32>} : memref<4x128xi32, #tpu.memory_space<vmem>>, vector<1x16xi32>,
      %add3A_683 = vector.broadcast %add3A_584 : i32 to vector<16xi32>
      %add3A_684 = arith.addi %add3A_67, %add3A_683 : vector<16xi32>
      %swap3A_685 = arith.constant 3 : i32
      %swap3A_686 = arith.index_cast %swap3A_685 : i32 to index
      %swap3A_687 = arith.constant 80 : index
      %swap3A_688 = tpu.vector_load %arg9[%swap3A_686, %swap3A_687] {strides = array<i32>} : memref<4x128xi32, #tpu.memory_space<vmem>>, vector<1x16xi32>,
      %swap3A_689 = vector.shape_cast %swap3A_688 : vector<1x16xi32> to vector<16xi32>
      %swap3A_690 = vector.shape_cast %add3A_684 : vector<16xi32> to vector<1x16xi32>
      tpu.vector_store %arg9[%swap3A_686, %swap3A_687], %swap3A_690 {strides = array<i32>} : memref<4x128xi32, #tpu.memory_space<vmem>>, vector<1x16xi32>,
      %add3A_691 = vector.broadcast %add3A_584 : i32 to vector<16xi32>
      %add3A_692 = arith.addi %add3A_77, %add3A_691 : vector<16xi32>
      %swap3A_693 = arith.constant 3 : i32
      %swap3A_694 = arith.index_cast %swap3A_693 : i32 to index
      %swap3A_695 = arith.constant 96 : index
      %swap3A_696 = tpu.vector_load %arg9[%swap3A_694, %swap3A_695] {strides = array<i32>} : memref<4x128xi32, #tpu.memory_space<vmem>>, vector<1x16xi32>,
      %swap3A_697 = vector.shape_cast %swap3A_696 : vector<1x16xi32> to vector<16xi32>
      %swap3A_698 = vector.shape_cast %add3A_692 : vector<16xi32> to vector<1x16xi32>
      tpu.vector_store %arg9[%swap3A_694, %swap3A_695], %swap3A_698 {strides = array<i32>} : memref<4x128xi32, #tpu.memory_space<vmem>>, vector<1x16xi32>,
      %add3A_699 = vector.broadcast %add3A_584 : i32 to vector<16xi32>
      %add3A_700 = arith.addi %add3A_87, %add3A_699 : vector<16xi32>
      %swap3A_701 = arith.constant 3 : i32
      %swap3A_702 = arith.index_cast %swap3A_701 : i32 to index
      %swap3A_703 = arith.constant 112 : index
      %swap3A_704 = tpu.vector_load %arg9[%swap3A_702, %swap3A_703] {strides = array<i32>} : memref<4x128xi32, #tpu.memory_space<vmem>>, vector<1x16xi32>,
      %swap3A_705 = vector.shape_cast %swap3A_704 : vector<1x16xi32> to vector<16xi32>
      %swap3A_706 = vector.shape_cast %add3A_700 : vector<16xi32> to vector<1x16xi32>
      tpu.vector_store %arg9[%swap3A_702, %swap3A_703], %swap3A_706 {strides = array<i32>} : memref<4x128xi32, #tpu.memory_space<vmem>>, vector<1x16xi32>,
      %dma_start3A_707 = arith.constant 3 : i32
      %dma_start3A_708 = arith.constant 3 : i32
      %dma_start3A_709 = arith.constant 0 : i32
      %dma_start3A_710 = arith.constant 0 : i32
      %dma_start3A_711 = tpu.memref_slice %arg8[%dma_start3A_707, %dma_start3A_709, %dma_start3A_710] : memref<4x128x128xf32, #tpu.memory_space<vmem>> -> memref<1x128x128xf32, #tpu.memory_space<vmem>>
      %dma_start3A_712 = tpu.memref_squeeze %dma_start3A_711 : memref<1x128x128xf32, #tpu.memory_space<vmem>> -> memref<128x128xf32, #tpu.memory_space<vmem>>
      %dma_start3A_713 = arith.constant 0 : i32
      %dma_start3A_714 = tpu.memref_slice %arg9[%dma_start3A_708, %dma_start3A_713] : memref<4x128xi32, #tpu.memory_space<vmem>> -> memref<1x128xi32, #tpu.memory_space<vmem>>
      %dma_start3A_715 = tpu.memref_squeeze %dma_start3A_714 : memref<1x128xi32, #tpu.memory_space<vmem>> -> memref<128xi32, #tpu.memory_space<vmem>>
      %dma_start3A_716 = arith.constant 0 : i32
      %dma_start3A_717 = arith.constant 0 : i32
      %dma_start3A_718 = tpu.memref_slice %arg5[%dma_start3A_716, %dma_start3A_717] : memref<819200x128xf32, #tpu.memory_space<hbm>> -> memref<819200x128xf32, #tpu.memory_space<hbm>>
      tpu.enqueue_indirect_dma source(%dma_start3A_712 : memref<128x128xf32, #tpu.memory_space<vmem>>) target(%dma_start3A_718 : memref<819200x128xf32, #tpu.memory_space<hbm>>) offsets(%dma_start3A_715 : memref<128xi32, #tpu.memory_space<vmem>>) semaphore(%arg17 : memref<!tpu.dma_semaphore, #tpu.memory_space<semaphore_mem>>)
    }
    %scan3A_127 = arith.constant 50 : i32
    %dma_wait3A_128 = arith.constant 0 : i32
    %dma_wait3A_129 = arith.constant 0 : i32
    %dma_wait3A_130 = arith.constant 0 : i32
    %dma_wait3A_131 = arith.constant 0 : i32
    %dma_wait3A_132 = tpu.memref_slice %arg8[%dma_wait3A_128, %dma_wait3A_130, %dma_wait3A_131] : memref<4x128x128xf32, #tpu.memory_space<vmem>> -> memref<1x128x128xf32, #tpu.memory_space<vmem>>
    %dma_wait3A_133 = tpu.memref_squeeze %dma_wait3A_132 : memref<1x128x128xf32, #tpu.memory_space<vmem>> -> memref<128x128xf32, #tpu.memory_space<vmem>>
    %dma_wait3A_134 = arith.constant 0 : i32
    %dma_wait3A_135 = tpu.memref_slice %arg9[%dma_wait3A_129, %dma_wait3A_134] : memref<4x128xi32, #tpu.memory_space<vmem>> -> memref<1x128xi32, #tpu.memory_space<vmem>>
    %dma_wait3A_136 = tpu.memref_squeeze %dma_wait3A_135 : memref<1x128xi32, #tpu.memory_space<vmem>> -> memref<128xi32, #tpu.memory_space<vmem>>
    %dma_wait3A_137 = arith.constant 0 : i32
    %dma_wait3A_138 = arith.constant 0 : i32
    %dma_wait3A_139 = tpu.memref_slice %arg5[%dma_wait3A_137, %dma_wait3A_138] : memref<819200x128xf32, #tpu.memory_space<hbm>> -> memref<819200x128xf32, #tpu.memory_space<hbm>>
    tpu.wait_indirect_dma semaphore(%arg14 : memref<!tpu.dma_semaphore, #tpu.memory_space<semaphore_mem>>) src(%dma_wait3A_133 : memref<128x128xf32, #tpu.memory_space<vmem>>) dst(%dma_wait3A_139 : memref<819200x128xf32, #tpu.memory_space<hbm>>)
    %dma_wait3A_140 = arith.constant 1 : i32
    %dma_wait3A_141 = arith.constant 1 : i32
    %dma_wait3A_142 = arith.constant 0 : i32
    %dma_wait3A_143 = arith.constant 0 : i32
    %dma_wait3A_144 = tpu.memref_slice %arg8[%dma_wait3A_140, %dma_wait3A_142, %dma_wait3A_143] : memref<4x128x128xf32, #tpu.memory_space<vmem>> -> memref<1x128x128xf32, #tpu.memory_space<vmem>>
    %dma_wait3A_145 = tpu.memref_squeeze %dma_wait3A_144 : memref<1x128x128xf32, #tpu.memory_space<vmem>> -> memref<128x128xf32, #tpu.memory_space<vmem>>
    %dma_wait3A_146 = arith.constant 0 : i32
    %dma_wait3A_147 = tpu.memref_slice %arg9[%dma_wait3A_141, %dma_wait3A_146] : memref<4x128xi32, #tpu.memory_space<vmem>> -> memref<1x128xi32, #tpu.memory_space<vmem>>
    %dma_wait3A_148 = tpu.memref_squeeze %dma_wait3A_147 : memref<1x128xi32, #tpu.memory_space<vmem>> -> memref<128xi32, #tpu.memory_space<vmem>>
    %dma_wait3A_149 = arith.constant 0 : i32
    %dma_wait3A_150 = arith.constant 0 : i32
    %dma_wait3A_151 = tpu.memref_slice %arg5[%dma_wait3A_149, %dma_wait3A_150] : memref<819200x128xf32, #tpu.memory_space<hbm>> -> memref<819200x128xf32, #tpu.memory_space<hbm>>
    tpu.wait_indirect_dma semaphore(%arg15 : memref<!tpu.dma_semaphore, #tpu.memory_space<semaphore_mem>>) src(%dma_wait3A_145 : memref<128x128xf32, #tpu.memory_space<vmem>>) dst(%dma_wait3A_151 : memref<819200x128xf32, #tpu.memory_space<hbm>>)
    %dma_wait3A_152 = arith.constant 2 : i32
    %dma_wait3A_153 = arith.constant 2 : i32
    %dma_wait3A_154 = arith.constant 0 : i32
    %dma_wait3A_155 = arith.constant 0 : i32
    %dma_wait3A_156 = tpu.memref_slice %arg8[%dma_wait3A_152, %dma_wait3A_154, %dma_wait3A_155] : memref<4x128x128xf32, #tpu.memory_space<vmem>> -> memref<1x128x128xf32, #tpu.memory_space<vmem>>
    %dma_wait3A_157 = tpu.memref_squeeze %dma_wait3A_156 : memref<1x128x128xf32, #tpu.memory_space<vmem>> -> memref<128x128xf32, #tpu.memory_space<vmem>>
    %dma_wait3A_158 = arith.constant 0 : i32
    %dma_wait3A_159 = tpu.memref_slice %arg9[%dma_wait3A_153, %dma_wait3A_158] : memref<4x128xi32, #tpu.memory_space<vmem>> -> memref<1x128xi32, #tpu.memory_space<vmem>>
    %dma_wait3A_160 = tpu.memref_squeeze %dma_wait3A_159 : memref<1x128xi32, #tpu.memory_space<vmem>> -> memref<128xi32, #tpu.memory_space<vmem>>
    %dma_wait3A_161 = arith.constant 0 : i32
    %dma_wait3A_162 = arith.constant 0 : i32
    %dma_wait3A_163 = tpu.memref_slice %arg5[%dma_wait3A_161, %dma_wait3A_162] : memref<819200x128xf32, #tpu.memory_space<hbm>> -> memref<819200x128xf32, #tpu.memory_space<hbm>>
    tpu.wait_indirect_dma semaphore(%arg16 : memref<!tpu.dma_semaphore, #tpu.memory_space<semaphore_mem>>) src(%dma_wait3A_157 : memref<128x128xf32, #tpu.memory_space<vmem>>) dst(%dma_wait3A_163 : memref<819200x128xf32, #tpu.memory_space<hbm>>)
    %dma_wait3A_164 = arith.constant 3 : i32
    %dma_wait3A_165 = arith.constant 3 : i32
    %dma_wait3A_166 = arith.constant 0 : i32
    %dma_wait3A_167 = arith.constant 0 : i32
    %dma_wait3A_168 = tpu.memref_slice %arg8[%dma_wait3A_164, %dma_wait3A_166, %dma_wait3A_167] : memref<4x128x128xf32, #tpu.memory_space<vmem>> -> memref<1x128x128xf32, #tpu.memory_space<vmem>>
    %dma_wait3A_169 = tpu.memref_squeeze %dma_wait3A_168 : memref<1x128x128xf32, #tpu.memory_space<vmem>> -> memref<128x128xf32, #tpu.memory_space<vmem>>
    %dma_wait3A_170 = arith.constant 0 : i32
    %dma_wait3A_171 = tpu.memref_slice %arg9[%dma_wait3A_165, %dma_wait3A_170] : memref<4x128xi32, #tpu.memory_space<vmem>> -> memref<1x128xi32, #tpu.memory_space<vmem>>
    %dma_wait3A_172 = tpu.memref_squeeze %dma_wait3A_171 : memref<1x128xi32, #tpu.memory_space<vmem>> -> memref<128xi32, #tpu.memory_space<vmem>>
    %dma_wait3A_173 = arith.constant 0 : i32
    %dma_wait3A_174 = arith.constant 0 : i32
    %dma_wait3A_175 = tpu.memref_slice %arg5[%dma_wait3A_173, %dma_wait3A_174] : memref<819200x128xf32, #tpu.memory_space<hbm>> -> memref<819200x128xf32, #tpu.memory_space<hbm>>
    tpu.wait_indirect_dma semaphore(%arg17 : memref<!tpu.dma_semaphore, #tpu.memory_space<semaphore_mem>>) src(%dma_wait3A_169 : memref<128x128xf32, #tpu.memory_space<vmem>>) dst(%dma_wait3A_175 : memref<819200x128xf32, #tpu.memory_space<hbm>>)
    return
  }
}

</mosaic_0001>

<sc_bundles>
// kernel: kernel.3.cloned.1.call-start
scs
__scs_entry_jumppad:
0x0: {  	(pc) =	sbr.rel $0x88, $3  }
0x1: {  	(tag) =	ssettag $0x0;
	lr =	simm.s32 $0x1  }
0x2: {  	[smem:$0x3F9F] =	sst lr;
	_ =	strace $0xD0000000  }
0x3: {  	_ = 	snop  }
0x4: {  	_ = 	snop  }
0x5: {  	_ = 	snop  }
0x6: {  	_ = 	snop  }
0x7: {  	_ = 	snop  }
__scs_overlays_trampoline_lowered:
0x8: {  	[smem:$0x3FAE] =	sst s0  }
0x9: {  	[smem:$0x3FAF] =	sst s1  }
0xa: {  	[smem:$0x3FB0] =	sst s2  }
0xb: {  	[smem:$0x3FB1] =	sst s3  }
0xc: {  	[smem:$0x3FB2] =	sst s4  }
0xd: {  	[smem:$0x3FB3] =	sst s5  }
0xe: {  	[smem:$0x3FB4] =	sst s6  }
0xf: {  	[smem:$0x3FB5] =	sst s7  }
0x10: {  	[smem:$0x3FB6] =	sst s8  }
0x11: {  	[smem:$0x3FB7] =	sst s9;
	s0 =	simm.s32 @!p0 $0x0  }
0x12: {  	s1 =	sld [smem:$0x3F9D];
	s0 =	simm.s32 @p0 $0x1  }
0x13: {  	[smem:$0x3FB8] =	sst s0;
	s0 =	simm.s32 @!p1 $0x0  }
0x14: {  	s2 =	sld [smem:$0x3F9C];
	s0 =	simm.s32 @p1 $0x1  }
0x15: {  	[smem:$0x3FB9] =	sst s0;
	s0 =	simm.s32 @!p2 $0x0  }
0x16: {  	s3 =	sld [smem:$0x3FDB];
	s0 =	simm.s32 @p2 $0x1  }
0x17: {  	s4 =	simm.s32 $0x1BF5;
	[smem:$0x3FBB] =	sst s0  }
0x18: {  	s0 =	sld [smem:$0x3F9E];
	_ =	swait.ge [sflag:s4], $0x0  }
0x19: {  	s7 =	sld [smem:$0x3F9F]  }
0x1a: {  	s8 =	sadd.s32 $0xFFFFE003, lr  }
0x1b: {  	s9 =	sadd.s32 $0xFFFFFEF7, lr;
	s5 =	simm.s32 $0xFFFFFFFF;
	p2 =	slt.u32 s8, $0xFFFFF086  }
0x1c: {  	p1 =	slt.u32 s9, $0xF7A;
	s5 =	simm.s32 @!p2 $0x0  }
0x1d: {  	s5 =	simm.s32 @p1 $0x1;
	p0 =	seq.s32 s7, s2  }
0x1e: {  	s7 =	smul.u32 @!p0 $0xF7A, s2;
	p2 =	seq.s32 @!p0 s5, $0x0  }
0x1f: {  	s9 =	smul.u32 $0xF7A, s1;
	s8 =	simm.s32 @!p0 $0x1BF5;
	p2 =	por !p2, p0  }
0x20: {  	[sflag:s8] =	ssyncset.s32 @!p0 $0xFFFFF086;
	s6 =	sadd.s32 @!p0 s3, s7;
	s7 =	simm.s32 @!p0 $0x108  }
0x21: {  	s3 =	sadd.s32 s3, s9;
	s6 =	sadd.s32 @!p0 $0x88, s6;
	s7 =	simm.s32 @p2 $0x1082  }
0x22: {  	[simem:s7], [sflag:s8] =	dma.local @!p0 [hbm:s6], $0xF7A  }
0x23: {  	s9 =	sor.u32 $0xD0000000, s2;
	s6 =	simm.s32 $0x108;
	_ =	swait.ge @!p0 [sflag:s8], $0x0  }
0x24: {  	s3 =	sadd.s32 $0x88, s3;
	s6 =	simm.s32 @!p1 $0x1082;
	[sflag:s4] =	ssyncset.s32 $0xFFFFF086  }
0x25: {  	[simem:s6], [sflag:s4] =	dma.local [hbm:s3], $0xF7A  }
0x26: {  	[smem:$0x3F9F] =	sst s1;
	(tag) =	ssettag s2;
	_ =	strace s9  }
0x27: {  	s1 =	sld [smem:$0x3FAF]  }
0x28: {  	s2 =	sld [smem:$0x3FB0]  }
0x29: {  	s4 =	sld [smem:$0x3FB2]  }
0x2a: {  	p0 =	seq.s32 s5, $0x0;
	s5 =	sld [smem:$0x3FB3]  }
0x2b: {  	s6 =	sld [smem:$0x3FB4]  }
0x2c: {  	s7 =	sld [smem:$0x3FB5]  }
0x2d: {  	s3 =	simm.s32 $0x108;
	s8 =	sld [smem:$0x3FB6]  }
0x2e: {  	s3 =	simm.s32 @!p0 $0x1082;
	s9 =	sld [smem:$0x3FB7]  }
0x2f: {  	lr =	sadd.s32 s0, s3;
	s0 =	sld [smem:$0x3FAE]  }
0x30: {  	s3 =	sld [smem:$0x3FB1]  }
0x31: {  	[smem:$0x3FBA] =	sst s10  }
0x32: {  	s10 =	sld [smem:$0x3FB8];
	_ =	sdelay $0x3  }
0x33: {  	p0 =	seq.s32 s10, $0x1;
	s10 =	sld [smem:$0x3FBA];
	_ =	sdelay $0x3  }
0x34: {  	[smem:$0x3FBA] =	sst s10  }
0x35: {  	s10 =	sld [smem:$0x3FB9];
	_ =	sdelay $0x3  }
0x36: {  	p1 =	seq.s32 s10, $0x1;
	s10 =	sld [smem:$0x3FBA];
	_ =	sdelay $0x3  }
0x37: {  	[smem:$0x3FBA] =	sst s10  }
0x38: {  	s10 =	sld [smem:$0x3FBB]  }
0x39: {  	_ = 	snop;
	(pc) =	sbr.ind lr, $3  }
0x3a: {  	_ = 	snop  }
0x3b: {  	_ = 	snop  }
0x3c: {  	p2 =	seq.s32 s10, $0x1;
	s10 =	sld [smem:$0x3FBA]  }
0x3d: {  	_ =	shalt  }
0x3e: {  	_ =	shalt  }
0x3f: {  	_ =	shalt  }
0x40: {  	_ =	shalt  }
0x41: {  	_ =	shalt  }
0x42: {  	_ =	shalt  }
0x43: {  	_ =	shalt  }
0x44: {  	_ =	shalt  }
0x45: {  	_ =	shalt  }
0x46: {  	_ =	shalt  }
0x47: {  	_ =	shalt  }
0x48: {  	_ =	shalt  }
0x49: {  	_ =	shalt  }
0x4a: {  	_ =	shalt  }
0x4b: {  	_ =	shalt  }
0x4c: {  	_ =	shalt  }
0x4d: {  	_ =	shalt  }
0x4e: {  	_ =	shalt  }
0x4f: {  	_ =	shalt  }
0x50: {  	_ =	shalt  }
0x51: {  	_ =	shalt  }
0x52: {  	_ =	shalt  }
0x53: {  	_ =	shalt  }
0x54: {  	_ =	shalt  }
0x55: {  	_ =	shalt  }
0x56: {  	_ =	shalt  }
0x57: {  	_ =	shalt  }
0x58: {  	_ =	shalt  }
0x59: {  	_ =	shalt  }
0x5a: {  	_ =	shalt  }
0x5b: {  	_ =	shalt  }
0x5c: {  	_ =	shalt  }
0x5d: {  	_ =	shalt  }
0x5e: {  	_ =	shalt  }
0x5f: {  	_ =	shalt  }
0x60: {  	_ =	shalt  }
0x61: {  	_ =	shalt  }
0x62: {  	_ =	shalt  }
0x63: {  	_ =	shalt  }
0x64: {  	_ =	shalt  }
0x65: {  	_ =	shalt  }
0x66: {  	_ =	shalt  }
0x67: {  	_ =	shalt  }
0x68: {  	_ =	shalt  }
0x69: {  	_ =	shalt  }
0x6a: {  	_ =	shalt  }
0x6b: {  	_ =	shalt  }
0x6c: {  	_ =	shalt  }
0x6d: {  	_ =	shalt  }
0x6e: {  	_ =	shalt  }
0x6f: {  	_ =	shalt  }
0x70: {  	_ =	shalt  }
0x71: {  	_ =	shalt  }
0x72: {  	_ =	shalt  }
0x73: {  	_ =	shalt  }
0x74: {  	_ =	shalt  }
0x75: {  	_ =	shalt  }
0x76: {  	_ =	shalt  }
0x77: {  	_ =	shalt  }
0x78: {  	_ =	shalt  }
0x79: {  	_ =	shalt  }
0x7a: {  	_ =	shalt  }
0x7b: {  	_ =	shalt  }
0x7c: {  	_ =	shalt  }
0x7d: {  	_ =	shalt  }
0x7e: {  	_ =	shalt  }
0x7f: {  	_ =	shalt  }
0x80: {  	_ =	shalt  }
0x81: {  	_ =	shalt  }
0x82: {  	_ =	shalt  }
0x83: {  	_ =	shalt  }
0x84: {  	_ =	shalt  }
0x85: {  	_ =	shalt  }
0x86: {  	_ =	shalt  }
0x87: {  	_ =	shalt  }
.Lfunc_end0:
.L_simem_size_0:
called_computation_lowered:
.L_overlay_start_0:
0x88: {  	s2 =	sld [smem:$0x3FD9]  }
0x89: {  	s3 =	sld [smem:$0x3FFE];
	_ =	sdelay $0x1  }
0x8a: {  	s1 =	srdreg.scid  }
0x8b: {  	s0 =	sand.u32 $0x1, s1  }
0x8c: {  	s17 =	sshll.u32 s0, $0xA;
	s2 =	sadd.s32 s3, s2  }
0x8d: {  	s2 =	sadd.s32 s2, s17  }
0x8e: {  	[smem:$0x3FC6] =	sst s2  }
0x8f: {  	_ = 	snop  }
0x90: {  	s2 =	sld [smem:$0x3FC9]  }
0x91: {  	s18 =	sld [smem:$0x3FC8]  }
0x92: {  	s4 =	sld [smem:$0x3FD0];
	(tm) =	ssettm $0x1  }
0x93: {  	s5 =	sld [smem:$0x3FFB];
	_ =	sdelay $0x3  }
0x94: {  	_ =	strace s5  }
0x95: {  	s5 =	sld [smem:$0x3FFC];
	_ =	sdelay $0x3  }
0x96: {  	_ =	strace s5  }
0x97: {  	s5 =	sld [smem:$0x3FFD];
	_ =	sdelay $0x3  }
0x98: {  	_ =	strace s5  }
0x99: {  	_ =	strace $0x8FFFFFFF  }
0x9a: {  	s19 =	sld [smem:$0x3FDB];
	_ =	sdelay $0x1  }
0x9b: {  	s6 =	simm.s32 $_scs_section_size  }
0x9c: {  	s7 =	simm.s32 $_size__tile_overlayer_lowered;
	s8 =	simm.s32 $_tile_overlayer_lowered  }
0x9d: {  	s22 =	simm.s32 $0x1BFF;
	s21 =	sshll.u32 s8, $0x1;
	s5 =	sadd.s32 s6, s19  }
0x9e: {  	s9 =	simm.s32 $0x0;
	s20 =	sshll.u32 s7, $0x1;
	s7 =	sadd.s32 s21, s5  }
0x9f: {  	[timem:s9], [sflag:s22] =	dma.local [hbm:s7], s20  }
0xa0: {  	_ =	swait.ge [sflag:s22], s20  }
0xa1: {  	s6 =	ssub.s32 $0x0, s20;
	[sflag:s22] =	ssyncset.done $0x0  }
0xa2: {  	[sflag:s22] =	ssyncadd.s32 s6;
	_ =	sdelay $0x1  }
0xa3: {  	s23 =	simm.s32 $0x1B8B  }
0xa4: {  	_ =	swait.ge [sflag:s23], $0x1  }
0xa5: {  	[sflag:s23] =	ssyncset.done $0x0  }
0xa6: {  	s25 =	simm.s32 $0x1B8E;
	s24 =	sld [smem:$0x3FFE];
	[sflag:s23] =	ssyncadd.s32 $0xFFFFFFFF  }
0xa7: {  	s26 =	simm.s32 $execute0_lowered;
	[smem:$0x3FD2] =	sst s25  }
0xa8: {  	s7 =	sshll.u32 s26, $0x1;
	_ =	strace $0x80000046;
	[dreg:$0x1] =	wrdreg $0xFFFFFFFF  }
0xa9: {  	s28 =	simm.s32 $_size_execute0_lowered;
	s5 =	sadd.s32 s5, s7;
	[dreg:$0x0] =	wrdreg $0x0  }
0xaa: {  	s7 =	sshll.u32 s28, $0x1;
	[dreg:$0x2] =	wrdreg s5  }
0xab: {  	[dreg:$0x3] =	wrdreg s7  }
0xac: {  	[dreg:$0x4] =	wrdreg $0xC0  }
0xad: {  	_ =	task [dreg:s9], $0x5FFFF  }
0xae: {  	[dreg:$0x1] =	wrdreg $0xFFFFFFFF  }
0xaf: {  	[dreg:$0x0] =	wrdreg $0x60  }
0xb0: {  	[dreg:$0x2] =	wrdreg s2  }
0xb1: {  	[dreg:$0x3] =	wrdreg s18  }
0xb2: {  	[dreg:$0x4] =	wrdreg s24  }
0xb3: {  	[dreg:$0x5] =	wrdreg s4  }
0xb4: {  	[dreg:$0x6] =	wrdreg $0x9  }
0xb5: {  	_ =	task.clear_ibuf [dreg:s9], $0x7FFFF;
	_ =	strace $0x90000046  }
0xb6: {  	s29 =	simm.s32 $0x9;
	_ =	strace $0x80000048  }
0xb7: {  	_ =	swait.ge [sflag:s29], $0x1  }
0xb8: {  	[sflag:s29] =	ssyncadd.s32 $0xFFFFFFFF  }
0xb9: {  	_ =	strace $0x90000048  }
0xba: {  	_ =	sfence  }
0xbb: {  	s30 =	sld [smem:$0x0];
	_ =	sdelay $0x2  }
0xbc: {  	s31 =	sshll.u32 s1, $0xD;
	s1 =	sshrl.u32 s1, $0x2  }
0xbd: {  	s3 =	sand.u32 $0x4000, s31;
	s1 =	sadd.s32 s1, s30  }
0xbe: {  	s0 =	sor.u32 s3, s0;
	s1 =	sshll.u32 s1, $0x11  }
0xbf: {  	s0 =	sor.u32 s1, s0  }
0xc0: {  	s0 =	sadd.s32 $0x8F2B, s0  }
0xc1: {  	[sflag:s0] =	ssyncadd.remote.s32 $0x1  }
0xc2: {  	_ =	sfence.sel $0xFFFF  }
0xc3: {  	[dreg:$0x0] =	wrdreg $0xFFFFFFFF;
	(pc) =	sbr.abs _section_cstart, $3  }
0xc4: {  	[dreg:$0x1] =	wrdreg $0xFFFFFFFF  }
0xc5: {  	_ =	task.clear_ibuf [dreg:s9], $0x2FFFF;
	_ =	strace $0x9FFFFFFF  }
0xc6: {  	(tm) =	ssettm $0x7FFFFFFF  }
0xc7: {  	_ =	shalt  }
tec
execute0_lowered:
.L_overlay_start_1:
0x0: {  	(tag) =	ssettag $0x1  }
0x1: {  	s0 =	rddreg [dreg:$0x0]  }
0x2: {  	s2 =	rddreg [dreg:$0x1]  }
0x3: {  	s4 =	rddreg [dreg:$0x3]  }
0x4: {  	s1 =	srdreg.scid;
	s3 =	stileid.u32  }
0x5: {  	s5 =	simm.s32 $0x0;
	s11 =	simm.s32 $0x9;
	s12 =	simm.s32 $0x80  }
0x6: {  	s13 =	simm.s32 $0xC800;
	s14 =	simm.s32 $0x10800;
	s16 =	simm.s32 $0x14800  }
0x7: {  	s17 =	simm.s32 $0xA;
	s18 =	simm.s32 $0x1;
	s19 =	simm.s32 $0x18800  }
0x8: {  	s20 =	simm.s32 $0x1C800;
	s21 =	simm.s32 $0x2;
	s22 =	simm.s32 $0x1C880  }
0x9: {  	s23 =	simm.s32 $0x3;
	s24 =	simm.s32 $0x1C900;
	s25 =	simm.s32 $0x4  }
0xa: {  	s28 =	simm.s32 $0x5;
	s29 =	simm.s32 $0x6;
	s30 =	simm.s32 $0x7  }
0xb: {  	s31 =	simm.s32 $0x8;
	s1 =	sand.u32 $0x1, s1;
	s3 =	sshll.u32 s3, $0x1  }
0xc: {  	[smem:$0x7FF] =	sst s5;
	s6 =	ssub.s32 $0x2, s1;
	s1 =	sor.u32 s1, s3  }
0xd: {  	v0 =	vlaneseq.u32;
	s26 =	sshrl.u32 s6, $0x1;
	s7 =	smul.u32 $0x6400, s1;
	s1 =	sshll.u32 s1, $0x7  }
0xe: {  	v7 =	vmul.u32 $0xC8, v0;
	_ =	strace $0x80000047;
	s3 =	ssub.s32 s6, s26;
	s0 =	sadd.s32 s0, s1  }
0xf: {  	[dreg:$0x5] =	wrdreg s0;
	s5 =	sadd.s32 $0xC80, s7;
	s6 =	sadd.s32 $0x1900, s7  }
0x10: {  	s26 =	sadd.s32 $0x2580, s7;
	s8 =	sadd.s32 $0x3200, s7;
	s9 =	sadd.s32 $0x3E80, s7;
	v0 =	vadd.s32 s7, v7;
	v1 =	vadd.s32 s5, v7  }
0x11: {  	s10 =	sadd.s32 $0x4B00, s7;
	s15 =	sadd.s32 $0x5780, s7;
	s3 =	smax.u32 s3, $0x1;
	v2 =	vadd.s32 s6, v7;
	v3 =	vadd.s32 s26, v7;
	v4 =	vadd.s32 s8, v7  }
0x12: {  	s0 =	simm.s32 $0x0;
	[dreg:$0x6] =	wrdreg s3;
	s26 =	simm.s32 $0x1C980;
	v5 =	vadd.s32 s9, v7;
	v6 =	vadd.s32 s10, v7;
	v7 =	vadd.s32 s15, v7  }
.LBB2_1:
0x13: {  	s3 =	simm.s32 $0x0  }
0x14: {  	s1 =	rddreg [dreg:$0x5];
	s5 =	simm.s32 $0x400;
	s6 =	simm.s32 $0x8000  }
0x15: {  	[tilespmem:s3], [sflag:$0x9] =	stream.strided.gather [hbm4b:s1+s5], $0x6400, s6, s5, $0x38;
	[tilespmem:$0x1CA00] =	vst v63  }
0x16: {  	s9 =	rddreg [dreg:$0x2];
	s10 =	simm.s32 $0x6400  }
0x17: {  	[tilespmem:s10], [sflag:$0xA] =	stream.linear.gather [hbm4b:s9+s3], $0x6400, $0x38;
	[tilespmem:$0x1CA00] =	vst v63  }
0x18: {  	_ =	swait.ge [sflag:s11], $0x6400  }
0x19: {  	[sflag:s11] =	ssyncset.done $0x0  }
0x1a: {  	[sflag:s11] =	ssyncadd.s32 $0xFFFF9C00  }
0x1b: {  	[tilespmem:s13], [sflag:$0x1] =	stream.indirect.gather [hbm4b:s2+s12], $0x80, s3, s12, $0xb8;
	[tilespmem:$0x1CA00] =	vst v63  }
0x1c: {  	_ = 	snop  }
0x1d: {  	[tilespmem:s14], [sflag:$0x2] =	stream.indirect.gather [hbm4b:s2+s12], $0x80, s12, s12, $0xb8;
	[tilespmem:$0x1CA00] =	vst v63  }
0x1e: {  	s15 =	simm.s32 $0x100  }
0x1f: {  	[tilespmem:s16], [sflag:$0x3] =	stream.indirect.gather [hbm4b:s2+s12], $0x80, s15, s12, $0xb8;
	[tilespmem:$0x1CA00] =	vst v63  }
0x20: {  	_ =	swait.ge [sflag:s17], $0x6400  }
0x21: {  	[sflag:s17] =	ssyncset.done $0x0  }
0x22: {  	s1 =	simm.s32 $0x0;
	[sflag:s17] =	ssyncadd.s32 $0xFFFF9C00  }
.LBB2_2:
0x23: {  	_ =	swait.ge [sflag:s18], $0x4000  }
0x24: {  	p0 =	seq.s32 s1, $0x0;
	[sflag:s18] =	ssyncset.done $0x0  }
0x25: {  	s6 =	simm.s32 @!p0 $0x8;
	[sflag:s18] =	ssyncadd.s32 $0xFFFFC000  }
0x26: {  	s3 =	sshllo.u32 s1, $0x2;
	_ =	swait.ge @!p0 [sflag:s6], $0x4000  }
0x27: {  	s9 =	sshll.u32 s1, $0xB;
	s7 =	sshll.u32 s3, $0x9;
	[sflag:s6] =	ssyncset.done @!p0 $0x0  }
0x28: {  	s15 =	sshrl.u32 s9, $0x2;
	s8 =	sshrl.u32 s7, $0x2;
	[sflag:s6] =	ssyncadd.s32 @!p0 $0xFFFFC000  }
0x29: {  	[tilespmem:s19], [sflag:$0x4] =	stream.indirect.gather [hbm4b:s2+s12], $0x80, s8, s12, $0xb8;
	[tilespmem:$0x1CA00] =	vst v63  }
0x2a: {  	v9 =	vld [tilespmem:s15+$0x6400]  }
0x2b: {  	v8 =	vld [tilespmem:s15+$0x6410]  }
0x2c: {  	v10 =	vld [tilespmem:s15+$0x6420]  }
0x2d: {  	v11 =	vld [tilespmem:s15+$0x6430]  }
0x2e: {  	v12 =	vld [tilespmem:s15+$0x6470]  }
0x2f: {  	v13 =	vld [tilespmem:s15+$0x6460]  }
0x30: {  	v14 =	vld [tilespmem:s15+$0x6450]  }
0x31: {  	v15 =	vld [tilespmem:s15+$0x6440];
	s15 =	simm.s32 $0xC800  }
0x32: {  	[tilespmem:s15+$0x0] =	vst.add.f32.msk $0xffff, v9  }
0x33: {  	[tilespmem:s15+$0x1F0] =	vst.add.f32.msk $0xffff, v12  }
0x34: {  	[tilespmem:s15+$0x1E0] =	vst.add.f32.msk $0xffff, v13  }
0x35: {  	[tilespmem:s15+$0x1D0] =	vst.add.f32.msk $0xffff, v14  }
0x36: {  	[tilespmem:s15+$0x1C0] =	vst.add.f32.msk $0xffff, v15  }
0x37: {  	[tilespmem:s15+$0x1B0] =	vst.add.f32.msk $0xffff, v11  }
0x38: {  	[tilespmem:s15+$0x1A0] =	vst.add.f32.msk $0xffff, v10  }
0x39: {  	[tilespmem:s15+$0x190] =	vst.add.f32.msk $0xffff, v8  }
0x3a: {  	[tilespmem:s15+$0x180] =	vst.add.f32.msk $0xffff, v9  }
0x3b: {  	[tilespmem:s15+$0x170] =	vst.add.f32.msk $0xffff, v12  }
0x3c: {  	[tilespmem:s15+$0x160] =	vst.add.f32.msk $0xffff, v13  }
0x3d: {  	[tilespmem:s15+$0x150] =	vst.add.f32.msk $0xffff, v14  }
0x3e: {  	[tilespmem:s15+$0x140] =	vst.add.f32.msk $0xffff, v15  }
0x3f: {  	[tilespmem:s15+$0x130] =	vst.add.f32.msk $0xffff, v11  }
0x40: {  	[tilespmem:s15+$0x120] =	vst.add.f32.msk $0xffff, v10  }
0x41: {  	[tilespmem:s15+$0x110] =	vst.add.f32.msk $0xffff, v8  }
0x42: {  	[tilespmem:s15+$0x100] =	vst.add.f32.msk $0xffff, v9  }
0x43: {  	[tilespmem:s15+$0xF0] =	vst.add.f32.msk $0xffff, v12  }
0x44: {  	[tilespmem:s15+$0xE0] =	vst.add.f32.msk $0xffff, v13  }
0x45: {  	[tilespmem:s15+$0xD0] =	vst.add.f32.msk $0xffff, v14  }
0x46: {  	[tilespmem:s15+$0xC0] =	vst.add.f32.msk $0xffff, v15  }
0x47: {  	[tilespmem:s15+$0xB0] =	vst.add.f32.msk $0xffff, v11  }
0x48: {  	[tilespmem:s15+$0xA0] =	vst.add.f32.msk $0xffff, v10  }
0x49: {  	[tilespmem:s15+$0x90] =	vst.add.f32.msk $0xffff, v8  }
0x4a: {  	[tilespmem:s15+$0x80] =	vst.add.f32.msk $0xffff, v9  }
0x4b: {  	[tilespmem:s15+$0x70] =	vst.add.f32.msk $0xffff, v12  }
0x4c: {  	[tilespmem:s15+$0x60] =	vst.add.f32.msk $0xffff, v13  }
0x4d: {  	[tilespmem:s15+$0x50] =	vst.add.f32.msk $0xffff, v14  }
0x4e: {  	[tilespmem:s15+$0x40] =	vst.add.f32.msk $0xffff, v15  }
0x4f: {  	[tilespmem:s15+$0x30] =	vst.add.f32.msk $0xffff, v11  }
0x50: {  	s10 =	sshll.u32 s1, $0x2;
	s6 =	simm.s32 $0x0;
	[tilespmem:s15+$0x20] =	vst.add.f32.msk $0xffff, v10  }
.LBB2_3:
0x51: {  	s6 =	sadd.s32 $0x4, s6;
	[tilespmem:s15+$0x10] =	vst.add.f32.msk $0xffff, v8;
	s15 =	sadd.s32 $0x200, s15  }
0x52: {  	[tilespmem:s15+$0x0] =	vst.add.f32.msk $0xffff, v9;
	p0 =	slt.u32 s6, $0x7C  }
0x53: {  	[tilespmem:s15+$0x1F0] =	vst.add.f32.msk $0xffff, v12  }
0x54: {  	[tilespmem:s15+$0x1E0] =	vst.add.f32.msk $0xffff, v13  }
0x55: {  	[tilespmem:s15+$0x1D0] =	vst.add.f32.msk $0xffff, v14  }
0x56: {  	[tilespmem:s15+$0x1C0] =	vst.add.f32.msk $0xffff, v15  }
0x57: {  	[tilespmem:s15+$0x1B0] =	vst.add.f32.msk $0xffff, v11  }
0x58: {  	[tilespmem:s15+$0x1A0] =	vst.add.f32.msk $0xffff, v10  }
0x59: {  	[tilespmem:s15+$0x190] =	vst.add.f32.msk $0xffff, v8  }
0x5a: {  	[tilespmem:s15+$0x180] =	vst.add.f32.msk $0xffff, v9  }
0x5b: {  	[tilespmem:s15+$0x170] =	vst.add.f32.msk $0xffff, v12  }
0x5c: {  	[tilespmem:s15+$0x160] =	vst.add.f32.msk $0xffff, v13  }
0x5d: {  	[tilespmem:s15+$0x150] =	vst.add.f32.msk $0xffff, v14  }
0x5e: {  	[tilespmem:s15+$0x140] =	vst.add.f32.msk $0xffff, v15  }
0x5f: {  	[tilespmem:s15+$0x130] =	vst.add.f32.msk $0xffff, v11  }
0x60: {  	[tilespmem:s15+$0x120] =	vst.add.f32.msk $0xffff, v10  }
0x61: {  	[tilespmem:s15+$0x110] =	vst.add.f32.msk $0xffff, v8  }
0x62: {  	[tilespmem:s15+$0x100] =	vst.add.f32.msk $0xffff, v9  }
0x63: {  	[tilespmem:s15+$0xF0] =	vst.add.f32.msk $0xffff, v12  }
0x64: {  	[tilespmem:s15+$0xE0] =	vst.add.f32.msk $0xffff, v13  }
0x65: {  	[tilespmem:s15+$0xD0] =	vst.add.f32.msk $0xffff, v14  }
0x66: {  	[tilespmem:s15+$0xC0] =	vst.add.f32.msk $0xffff, v15  }
0x67: {  	[tilespmem:s15+$0xB0] =	vst.add.f32.msk $0xffff, v11  }
0x68: {  	[tilespmem:s15+$0xA0] =	vst.add.f32.msk $0xffff, v10  }
0x69: {  	[tilespmem:s15+$0x90] =	vst.add.f32.msk $0xffff, v8  }
0x6a: {  	[tilespmem:s15+$0x80] =	vst.add.f32.msk $0xffff, v9  }
0x6b: {  	[tilespmem:s15+$0x70] =	vst.add.f32.msk $0xffff, v12  }
.Ltmp0:
0x6c: {  	[tilespmem:s15+$0x60] =	vst.add.f32.msk $0xffff, v13;
	(pc) =	sbr.rel @p0 .LBB2_3-.Ltmp0, $4  }
0x6d: {  	[tilespmem:s15+$0x50] =	vst.add.f32.msk $0xffff, v14  }
0x6e: {  	[tilespmem:s15+$0x40] =	vst.add.f32.msk $0xffff, v15  }
0x6f: {  	[tilespmem:s15+$0x30] =	vst.add.f32.msk $0xffff, v11  }
0x70: {  	[tilespmem:s15+$0x20] =	vst.add.f32.msk $0xffff, v10  }
0x71: {  	[tilespmem:s15+$0x10] =	vst.add.f32.msk $0xffff, v8;
	v8 =	vadd.s32 s10, v0  }
0x72: {  	[tilespmem:$0x1C800] =	vst v8;
	v8 =	vadd.s32 s10, v1  }
0x73: {  	[tilespmem:$0x1C810] =	vst v8;
	v8 =	vadd.s32 s10, v2  }
0x74: {  	[tilespmem:$0x1C820] =	vst v8;
	v8 =	vadd.s32 s10, v3  }
0x75: {  	[tilespmem:$0x1C830] =	vst v8;
	v8 =	vadd.s32 s10, v4  }
0x76: {  	[tilespmem:$0x1C840] =	vst v8;
	v8 =	vadd.s32 s10, v5  }
0x77: {  	[tilespmem:$0x1C850] =	vst v8;
	v8 =	vadd.s32 s10, v6  }
0x78: {  	[tilespmem:$0x1C860] =	vst v8;
	v8 =	vadd.s32 s10, v7  }
0x79: {  	[tilespmem:$0x1C870] =	vst v8  }
0x7a: {  	[hbm4b:s4+s12] =	stream.indirect.scatter [tilespmem:s13], [sflag:$0x5], $0x80, s20, s12, $0xb8;
	[tilespmem:$0x1CA00] =	vst v63  }
0x7b: {  	_ =	swait.ge [sflag:s21], $0x4000  }
0x7c: {  	p0 =	seq.s32 s1, $0x31;
	[sflag:s21] =	ssyncset.done $0x0  }
0x7d: {  	s6 =	simm.s32 @!p0 $0x5;
	[sflag:s21] =	ssyncadd.s32 $0xFFFFC000  }
0x7e: {  	s15 =	sor.u32 $0x1, s10;
	_ =	swait.ge @!p0 [sflag:s6], $0x4000  }
0x7f: {  	s9 =	sshrl.u32 @!p0 s9, $0x2;
	s7 =	simm.s32 @!p0 $0x80;
	[sflag:s6] =	ssyncset.done @!p0 $0x0  }
0x80: {  	s5 =	simm.s32 @!p0 $0xC800;
	[sflag:s6] =	ssyncadd.s32 @!p0 $0xFFFFC000;
	s6 =	sadd.s32 @!p0 $0x200, s9  }
0x81: {  	[tilespmem:s5], [sflag:$0x1] =	stream.indirect.gather @!p0 [hbm4b:s2+s7], $0x80, s6, s7, $0xb8;
	[tilespmem:$0x1CA00] =	vst v63  }
0x82: {  	s7 =	sshll.u32 s15, $0x7  }
0x83: {  	s5 =	sand.u32 $0x3FFFFF80, s7  }
0x84: {  	v9 =	vld [tilespmem:s5+$0x6400]  }
0x85: {  	v8 =	vld [tilespmem:s5+$0x6410]  }
0x86: {  	v10 =	vld [tilespmem:s5+$0x6420]  }
0x87: {  	v11 =	vld [tilespmem:s5+$0x6430]  }
0x88: {  	v12 =	vld [tilespmem:s5+$0x6470]  }
0x89: {  	v13 =	vld [tilespmem:s5+$0x6460]  }
0x8a: {  	v14 =	vld [tilespmem:s5+$0x6450]  }
0x8b: {  	s6 =	simm.s32 $0x10800;
	v15 =	vld [tilespmem:s5+$0x6440]  }
0x8c: {  	[tilespmem:s6+$0x0] =	vst.add.f32.msk $0xffff, v9  }
0x8d: {  	[tilespmem:s6+$0x1F0] =	vst.add.f32.msk $0xffff, v12  }
0x8e: {  	[tilespmem:s6+$0x1E0] =	vst.add.f32.msk $0xffff, v13  }
0x8f: {  	[tilespmem:s6+$0x1D0] =	vst.add.f32.msk $0xffff, v14  }
0x90: {  	[tilespmem:s6+$0x1C0] =	vst.add.f32.msk $0xffff, v15  }
0x91: {  	[tilespmem:s6+$0x1B0] =	vst.add.f32.msk $0xffff, v11  }
0x92: {  	[tilespmem:s6+$0x1A0] =	vst.add.f32.msk $0xffff, v10  }
0x93: {  	[tilespmem:s6+$0x190] =	vst.add.f32.msk $0xffff, v8  }
0x94: {  	[tilespmem:s6+$0x180] =	vst.add.f32.msk $0xffff, v9  }
0x95: {  	[tilespmem:s6+$0x170] =	vst.add.f32.msk $0xffff, v12  }
0x96: {  	[tilespmem:s6+$0x160] =	vst.add.f32.msk $0xffff, v13  }
0x97: {  	[tilespmem:s6+$0x150] =	vst.add.f32.msk $0xffff, v14  }
0x98: {  	[tilespmem:s6+$0x140] =	vst.add.f32.msk $0xffff, v15  }
0x99: {  	[tilespmem:s6+$0x130] =	vst.add.f32.msk $0xffff, v11  }
0x9a: {  	[tilespmem:s6+$0x120] =	vst.add.f32.msk $0xffff, v10  }
0x9b: {  	[tilespmem:s6+$0x110] =	vst.add.f32.msk $0xffff, v8  }
0x9c: {  	[tilespmem:s6+$0x100] =	vst.add.f32.msk $0xffff, v9  }
0x9d: {  	[tilespmem:s6+$0xF0] =	vst.add.f32.msk $0xffff, v12  }
0x9e: {  	[tilespmem:s6+$0xE0] =	vst.add.f32.msk $0xffff, v13  }
0x9f: {  	[tilespmem:s6+$0xD0] =	vst.add.f32.msk $0xffff, v14  }
0xa0: {  	[tilespmem:s6+$0xC0] =	vst.add.f32.msk $0xffff, v15  }
0xa1: {  	[tilespmem:s6+$0xB0] =	vst.add.f32.msk $0xffff, v11  }
0xa2: {  	[tilespmem:s6+$0xA0] =	vst.add.f32.msk $0xffff, v10  }
0xa3: {  	[tilespmem:s6+$0x90] =	vst.add.f32.msk $0xffff, v8  }
0xa4: {  	[tilespmem:s6+$0x80] =	vst.add.f32.msk $0xffff, v9  }
0xa5: {  	[tilespmem:s6+$0x70] =	vst.add.f32.msk $0xffff, v12  }
0xa6: {  	[tilespmem:s6+$0x60] =	vst.add.f32.msk $0xffff, v13  }
0xa7: {  	[tilespmem:s6+$0x50] =	vst.add.f32.msk $0xffff, v14  }
0xa8: {  	[tilespmem:s6+$0x40] =	vst.add.f32.msk $0xffff, v15  }
0xa9: {  	[tilespmem:s6+$0x30] =	vst.add.f32.msk $0xffff, v11  }
0xaa: {  	s7 =	simm.s32 $0x0;
	[tilespmem:s6+$0x20] =	vst.add.f32.msk $0xffff, v10  }
.LBB2_5:
0xab: {  	s7 =	sadd.s32 $0x4, s7;
	[tilespmem:s6+$0x10] =	vst.add.f32.msk $0xffff, v8;
	s6 =	sadd.s32 $0x200, s6  }
0xac: {  	[tilespmem:s6+$0x0] =	vst.add.f32.msk $0xffff, v9;
	p1 =	slt.u32 s7, $0x7C  }
0xad: {  	[tilespmem:s6+$0x1F0] =	vst.add.f32.msk $0xffff, v12  }
0xae: {  	[tilespmem:s6+$0x1E0] =	vst.add.f32.msk $0xffff, v13  }
0xaf: {  	[tilespmem:s6+$0x1D0] =	vst.add.f32.msk $0xffff, v14  }
0xb0: {  	[tilespmem:s6+$0x1C0] =	vst.add.f32.msk $0xffff, v15  }
0xb1: {  	[tilespmem:s6+$0x1B0] =	vst.add.f32.msk $0xffff, v11  }
0xb2: {  	[tilespmem:s6+$0x1A0] =	vst.add.f32.msk $0xffff, v10  }
0xb3: {  	[tilespmem:s6+$0x190] =	vst.add.f32.msk $0xffff, v8  }
0xb4: {  	[tilespmem:s6+$0x180] =	vst.add.f32.msk $0xffff, v9  }
0xb5: {  	[tilespmem:s6+$0x170] =	vst.add.f32.msk $0xffff, v12  }
0xb6: {  	[tilespmem:s6+$0x160] =	vst.add.f32.msk $0xffff, v13  }
0xb7: {  	[tilespmem:s6+$0x150] =	vst.add.f32.msk $0xffff, v14  }
0xb8: {  	[tilespmem:s6+$0x140] =	vst.add.f32.msk $0xffff, v15  }
0xb9: {  	[tilespmem:s6+$0x130] =	vst.add.f32.msk $0xffff, v11  }
0xba: {  	[tilespmem:s6+$0x120] =	vst.add.f32.msk $0xffff, v10  }
0xbb: {  	[tilespmem:s6+$0x110] =	vst.add.f32.msk $0xffff, v8  }
0xbc: {  	[tilespmem:s6+$0x100] =	vst.add.f32.msk $0xffff, v9  }
0xbd: {  	[tilespmem:s6+$0xF0] =	vst.add.f32.msk $0xffff, v12  }
0xbe: {  	[tilespmem:s6+$0xE0] =	vst.add.f32.msk $0xffff, v13  }
0xbf: {  	[tilespmem:s6+$0xD0] =	vst.add.f32.msk $0xffff, v14  }
0xc0: {  	[tilespmem:s6+$0xC0] =	vst.add.f32.msk $0xffff, v15  }
0xc1: {  	[tilespmem:s6+$0xB0] =	vst.add.f32.msk $0xffff, v11  }
0xc2: {  	[tilespmem:s6+$0xA0] =	vst.add.f32.msk $0xffff, v10  }
0xc3: {  	[tilespmem:s6+$0x90] =	vst.add.f32.msk $0xffff, v8  }
0xc4: {  	[tilespmem:s6+$0x80] =	vst.add.f32.msk $0xffff, v9  }
0xc5: {  	[tilespmem:s6+$0x70] =	vst.add.f32.msk $0xffff, v12  }
.Ltmp1:
0xc6: {  	[tilespmem:s6+$0x60] =	vst.add.f32.msk $0xffff, v13;
	(pc) =	sbr.rel @p1 .LBB2_5-.Ltmp1, $4  }
0xc7: {  	[tilespmem:s6+$0x50] =	vst.add.f32.msk $0xffff, v14  }
0xc8: {  	[tilespmem:s6+$0x40] =	vst.add.f32.msk $0xffff, v15  }
0xc9: {  	[tilespmem:s6+$0x30] =	vst.add.f32.msk $0xffff, v11  }
0xca: {  	[tilespmem:s6+$0x20] =	vst.add.f32.msk $0xffff, v10  }
0xcb: {  	[tilespmem:s6+$0x10] =	vst.add.f32.msk $0xffff, v8;
	v8 =	vadd.s32 s15, v0  }
0xcc: {  	[tilespmem:$0x1C880] =	vst v8;
	v8 =	vadd.s32 s15, v1  }
0xcd: {  	[tilespmem:$0x1C890] =	vst v8;
	v8 =	vadd.s32 s15, v2  }
0xce: {  	[tilespmem:$0x1C8A0] =	vst v8;
	v8 =	vadd.s32 s15, v3  }
0xcf: {  	[tilespmem:$0x1C8B0] =	vst v8;
	v8 =	vadd.s32 s15, v4  }
0xd0: {  	[tilespmem:$0x1C8C0] =	vst v8;
	v8 =	vadd.s32 s15, v5  }
0xd1: {  	[tilespmem:$0x1C8D0] =	vst v8;
	v8 =	vadd.s32 s15, v6  }
0xd2: {  	[tilespmem:$0x1C8E0] =	vst v8;
	v8 =	vadd.s32 s15, v7  }
0xd3: {  	[tilespmem:$0x1C8F0] =	vst v8  }
0xd4: {  	[hbm4b:s4+s12] =	stream.indirect.scatter [tilespmem:s14], [sflag:$0x6], $0x80, s22, s12, $0xb8;
	[tilespmem:$0x1CA00] =	vst v63  }
0xd5: {  	_ =	swait.ge [sflag:s23], $0x4000  }
0xd6: {  	[sflag:s23] =	ssyncset.done $0x0  }
0xd7: {  	s5 =	simm.s32 @!p0 $0x6;
	[sflag:s23] =	ssyncadd.s32 $0xFFFFC000  }
0xd8: {  	s10 =	sor.u32 $0x2, s10;
	_ =	swait.ge @!p0 [sflag:s5], $0x4000  }
0xd9: {  	s6 =	simm.s32 @!p0 $0x80;
	s7 =	simm.s32 @!p0 $0x10800;
	[sflag:s5] =	ssyncset.done @!p0 $0x0  }
0xda: {  	s15 =	sshll.u32 s10, $0x7;
	[sflag:s5] =	ssyncadd.s32 @!p0 $0xFFFFC000;
	s5 =	sadd.s32 @!p0 $0x280, s9  }
0xdb: {  	[tilespmem:s7], [sflag:$0x2] =	stream.indirect.gather @!p0 [hbm4b:s2+s6], $0x80, s5, s6, $0xb8;
	[tilespmem:$0x1CA00] =	vst v63  }
0xdc: {  	s5 =	sand.u32 $0x3FFFFF80, s15  }
0xdd: {  	v9 =	vld [tilespmem:s5+$0x6400]  }
0xde: {  	v8 =	vld [tilespmem:s5+$0x6410]  }
0xdf: {  	v10 =	vld [tilespmem:s5+$0x6420]  }
0xe0: {  	v11 =	vld [tilespmem:s5+$0x6430]  }
0xe1: {  	v12 =	vld [tilespmem:s5+$0x6470]  }
0xe2: {  	v13 =	vld [tilespmem:s5+$0x6460]  }
0xe3: {  	v14 =	vld [tilespmem:s5+$0x6450]  }
0xe4: {  	s6 =	simm.s32 $0x14800;
	v15 =	vld [tilespmem:s5+$0x6440]  }
0xe5: {  	[tilespmem:s6+$0x0] =	vst.add.f32.msk $0xffff, v9  }
0xe6: {  	[tilespmem:s6+$0x1F0] =	vst.add.f32.msk $0xffff, v12  }
0xe7: {  	[tilespmem:s6+$0x1E0] =	vst.add.f32.msk $0xffff, v13  }
0xe8: {  	[tilespmem:s6+$0x1D0] =	vst.add.f32.msk $0xffff, v14  }
0xe9: {  	[tilespmem:s6+$0x1C0] =	vst.add.f32.msk $0xffff, v15  }
0xea: {  	[tilespmem:s6+$0x1B0] =	vst.add.f32.msk $0xffff, v11  }
0xeb: {  	[tilespmem:s6+$0x1A0] =	vst.add.f32.msk $0xffff, v10  }
0xec: {  	[tilespmem:s6+$0x190] =	vst.add.f32.msk $0xffff, v8  }
0xed: {  	[tilespmem:s6+$0x180] =	vst.add.f32.msk $0xffff, v9  }
0xee: {  	[tilespmem:s6+$0x170] =	vst.add.f32.msk $0xffff, v12  }
0xef: {  	[tilespmem:s6+$0x160] =	vst.add.f32.msk $0xffff, v13  }
0xf0: {  	[tilespmem:s6+$0x150] =	vst.add.f32.msk $0xffff, v14  }
0xf1: {  	[tilespmem:s6+$0x140] =	vst.add.f32.msk $0xffff, v15  }
0xf2: {  	[tilespmem:s6+$0x130] =	vst.add.f32.msk $0xffff, v11  }
0xf3: {  	[tilespmem:s6+$0x120] =	vst.add.f32.msk $0xffff, v10  }
0xf4: {  	[tilespmem:s6+$0x110] =	vst.add.f32.msk $0xffff, v8  }
0xf5: {  	[tilespmem:s6+$0x100] =	vst.add.f32.msk $0xffff, v9  }
0xf6: {  	[tilespmem:s6+$0xF0] =	vst.add.f32.msk $0xffff, v12  }
0xf7: {  	[tilespmem:s6+$0xE0] =	vst.add.f32.msk $0xffff, v13  }
0xf8: {  	[tilespmem:s6+$0xD0] =	vst.add.f32.msk $0xffff, v14  }
0xf9: {  	[tilespmem:s6+$0xC0] =	vst.add.f32.msk $0xffff, v15  }
0xfa: {  	[tilespmem:s6+$0xB0] =	vst.add.f32.msk $0xffff, v11  }
0xfb: {  	[tilespmem:s6+$0xA0] =	vst.add.f32.msk $0xffff, v10  }
0xfc: {  	[tilespmem:s6+$0x90] =	vst.add.f32.msk $0xffff, v8  }
0xfd: {  	[tilespmem:s6+$0x80] =	vst.add.f32.msk $0xffff, v9  }
0xfe: {  	[tilespmem:s6+$0x70] =	vst.add.f32.msk $0xffff, v12  }
0xff: {  	[tilespmem:s6+$0x60] =	vst.add.f32.msk $0xffff, v13  }
0x100: {  	[tilespmem:s6+$0x50] =	vst.add.f32.msk $0xffff, v14  }
0x101: {  	[tilespmem:s6+$0x40] =	vst.add.f32.msk $0xffff, v15  }
0x102: {  	[tilespmem:s6+$0x30] =	vst.add.f32.msk $0xffff, v11  }
0x103: {  	s7 =	simm.s32 $0x0;
	[tilespmem:s6+$0x20] =	vst.add.f32.msk $0xffff, v10  }
.LBB2_7:
0x104: {  	s7 =	sadd.s32 $0x4, s7;
	[tilespmem:s6+$0x10] =	vst.add.f32.msk $0xffff, v8;
	s6 =	sadd.s32 $0x200, s6  }
0x105: {  	[tilespmem:s6+$0x0] =	vst.add.f32.msk $0xffff, v9;
	p1 =	slt.u32 s7, $0x7C  }
0x106: {  	[tilespmem:s6+$0x1F0] =	vst.add.f32.msk $0xffff, v12  }
0x107: {  	[tilespmem:s6+$0x1E0] =	vst.add.f32.msk $0xffff, v13  }
0x108: {  	[tilespmem:s6+$0x1D0] =	vst.add.f32.msk $0xffff, v14  }
0x109: {  	[tilespmem:s6+$0x1C0] =	vst.add.f32.msk $0xffff, v15  }
0x10a: {  	[tilespmem:s6+$0x1B0] =	vst.add.f32.msk $0xffff, v11  }
0x10b: {  	[tilespmem:s6+$0x1A0] =	vst.add.f32.msk $0xffff, v10  }
0x10c: {  	[tilespmem:s6+$0x190] =	vst.add.f32.msk $0xffff, v8  }
0x10d: {  	[tilespmem:s6+$0x180] =	vst.add.f32.msk $0xffff, v9  }
0x10e: {  	[tilespmem:s6+$0x170] =	vst.add.f32.msk $0xffff, v12  }
0x10f: {  	[tilespmem:s6+$0x160] =	vst.add.f32.msk $0xffff, v13  }
0x110: {  	[tilespmem:s6+$0x150] =	vst.add.f32.msk $0xffff, v14  }
0x111: {  	[tilespmem:s6+$0x140] =	vst.add.f32.msk $0xffff, v15  }
0x112: {  	[tilespmem:s6+$0x130] =	vst.add.f32.msk $0xffff, v11  }
0x113: {  	[tilespmem:s6+$0x120] =	vst.add.f32.msk $0xffff, v10  }
0x114: {  	[tilespmem:s6+$0x110] =	vst.add.f32.msk $0xffff, v8  }
0x115: {  	[tilespmem:s6+$0x100] =	vst.add.f32.msk $0xffff, v9  }
0x116: {  	[tilespmem:s6+$0xF0] =	vst.add.f32.msk $0xffff, v12  }
0x117: {  	[tilespmem:s6+$0xE0] =	vst.add.f32.msk $0xffff, v13  }
0x118: {  	[tilespmem:s6+$0xD0] =	vst.add.f32.msk $0xffff, v14  }
0x119: {  	[tilespmem:s6+$0xC0] =	vst.add.f32.msk $0xffff, v15  }
0x11a: {  	[tilespmem:s6+$0xB0] =	vst.add.f32.msk $0xffff, v11  }
0x11b: {  	[tilespmem:s6+$0xA0] =	vst.add.f32.msk $0xffff, v10  }
0x11c: {  	[tilespmem:s6+$0x90] =	vst.add.f32.msk $0xffff, v8  }
0x11d: {  	[tilespmem:s6+$0x80] =	vst.add.f32.msk $0xffff, v9  }
0x11e: {  	[tilespmem:s6+$0x70] =	vst.add.f32.msk $0xffff, v12  }
.Ltmp2:
0x11f: {  	[tilespmem:s6+$0x60] =	vst.add.f32.msk $0xffff, v13;
	(pc) =	sbr.rel @p1 .LBB2_7-.Ltmp2, $4  }
0x120: {  	[tilespmem:s6+$0x50] =	vst.add.f32.msk $0xffff, v14  }
0x121: {  	[tilespmem:s6+$0x40] =	vst.add.f32.msk $0xffff, v15  }
0x122: {  	[tilespmem:s6+$0x30] =	vst.add.f32.msk $0xffff, v11  }
0x123: {  	[tilespmem:s6+$0x20] =	vst.add.f32.msk $0xffff, v10  }
0x124: {  	[tilespmem:s6+$0x10] =	vst.add.f32.msk $0xffff, v8;
	v8 =	vadd.s32 s10, v0  }
0x125: {  	[tilespmem:$0x1C900] =	vst v8;
	v8 =	vadd.s32 s10, v1  }
0x126: {  	[tilespmem:$0x1C910] =	vst v8;
	v8 =	vadd.s32 s10, v2  }
0x127: {  	[tilespmem:$0x1C920] =	vst v8;
	v8 =	vadd.s32 s10, v3  }
0x128: {  	[tilespmem:$0x1C930] =	vst v8;
	v8 =	vadd.s32 s10, v4  }
0x129: {  	[tilespmem:$0x1C940] =	vst v8;
	v8 =	vadd.s32 s10, v5  }
0x12a: {  	[tilespmem:$0x1C950] =	vst v8;
	v8 =	vadd.s32 s10, v6  }
0x12b: {  	[tilespmem:$0x1C960] =	vst v8;
	v8 =	vadd.s32 s10, v7  }
0x12c: {  	[tilespmem:$0x1C970] =	vst v8  }
0x12d: {  	[hbm4b:s4+s12] =	stream.indirect.scatter [tilespmem:s16], [sflag:$0x7], $0x80, s24, s12, $0xb8;
	[tilespmem:$0x1CA00] =	vst v63  }
0x12e: {  	_ =	swait.ge [sflag:s25], $0x4000  }
0x12f: {  	[sflag:s25] =	ssyncset.done $0x0  }
0x130: {  	s5 =	simm.s32 @!p0 $0x7;
	[sflag:s25] =	ssyncadd.s32 $0xFFFFC000  }
0x131: {  	_ =	swait.ge @!p0 [sflag:s5], $0x4000  }
0x132: {  	s6 =	simm.s32 @!p0 $0x80;
	[sflag:s5] =	ssyncset.done @!p0 $0x0  }
0x133: {  	s7 =	simm.s32 @!p0 $0x14800;
	[sflag:s5] =	ssyncadd.s32 @!p0 $0xFFFFC000;
	s5 =	sadd.s32 @!p0 $0x300, s9  }
0x134: {  	[tilespmem:s7], [sflag:$0x3] =	stream.indirect.gather @!p0 [hbm4b:s2+s6], $0x80, s5, s6, $0xb8;
	[tilespmem:$0x1CA00] =	vst v63  }
0x135: {  	v9 =	vld [tilespmem:s8+$0x6400]  }
0x136: {  	v8 =	vld [tilespmem:s8+$0x6410]  }
0x137: {  	v10 =	vld [tilespmem:s8+$0x6420]  }
0x138: {  	v11 =	vld [tilespmem:s8+$0x6430]  }
0x139: {  	v12 =	vld [tilespmem:s8+$0x6470]  }
0x13a: {  	v13 =	vld [tilespmem:s8+$0x6460]  }
0x13b: {  	v14 =	vld [tilespmem:s8+$0x6450]  }
0x13c: {  	s6 =	simm.s32 $0x18800;
	v15 =	vld [tilespmem:s8+$0x6440]  }
0x13d: {  	[tilespmem:s6+$0x0] =	vst.add.f32.msk $0xffff, v9  }
0x13e: {  	[tilespmem:s6+$0x1F0] =	vst.add.f32.msk $0xffff, v12  }
0x13f: {  	[tilespmem:s6+$0x1E0] =	vst.add.f32.msk $0xffff, v13  }
0x140: {  	[tilespmem:s6+$0x1D0] =	vst.add.f32.msk $0xffff, v14  }
0x141: {  	[tilespmem:s6+$0x1C0] =	vst.add.f32.msk $0xffff, v15  }
0x142: {  	[tilespmem:s6+$0x1B0] =	vst.add.f32.msk $0xffff, v11  }
0x143: {  	[tilespmem:s6+$0x1A0] =	vst.add.f32.msk $0xffff, v10  }
0x144: {  	[tilespmem:s6+$0x190] =	vst.add.f32.msk $0xffff, v8  }
0x145: {  	[tilespmem:s6+$0x180] =	vst.add.f32.msk $0xffff, v9  }
0x146: {  	[tilespmem:s6+$0x170] =	vst.add.f32.msk $0xffff, v12  }
0x147: {  	[tilespmem:s6+$0x160] =	vst.add.f32.msk $0xffff, v13  }
0x148: {  	[tilespmem:s6+$0x150] =	vst.add.f32.msk $0xffff, v14  }
0x149: {  	[tilespmem:s6+$0x140] =	vst.add.f32.msk $0xffff, v15  }
0x14a: {  	[tilespmem:s6+$0x130] =	vst.add.f32.msk $0xffff, v11  }
0x14b: {  	[tilespmem:s6+$0x120] =	vst.add.f32.msk $0xffff, v10  }
0x14c: {  	[tilespmem:s6+$0x110] =	vst.add.f32.msk $0xffff, v8  }
0x14d: {  	[tilespmem:s6+$0x100] =	vst.add.f32.msk $0xffff, v9  }
0x14e: {  	[tilespmem:s6+$0xF0] =	vst.add.f32.msk $0xffff, v12  }
0x14f: {  	[tilespmem:s6+$0xE0] =	vst.add.f32.msk $0xffff, v13  }
0x150: {  	[tilespmem:s6+$0xD0] =	vst.add.f32.msk $0xffff, v14  }
0x151: {  	[tilespmem:s6+$0xC0] =	vst.add.f32.msk $0xffff, v15  }
0x152: {  	[tilespmem:s6+$0xB0] =	vst.add.f32.msk $0xffff, v11  }
0x153: {  	[tilespmem:s6+$0xA0] =	vst.add.f32.msk $0xffff, v10  }
0x154: {  	[tilespmem:s6+$0x90] =	vst.add.f32.msk $0xffff, v8  }
0x155: {  	[tilespmem:s6+$0x80] =	vst.add.f32.msk $0xffff, v9  }
0x156: {  	[tilespmem:s6+$0x70] =	vst.add.f32.msk $0xffff, v12  }
0x157: {  	[tilespmem:s6+$0x60] =	vst.add.f32.msk $0xffff, v13  }
0x158: {  	[tilespmem:s6+$0x50] =	vst.add.f32.msk $0xffff, v14  }
0x159: {  	[tilespmem:s6+$0x40] =	vst.add.f32.msk $0xffff, v15  }
0x15a: {  	[tilespmem:s6+$0x30] =	vst.add.f32.msk $0xffff, v11  }
0x15b: {  	s7 =	simm.s32 $0x0;
	[tilespmem:s6+$0x20] =	vst.add.f32.msk $0xffff, v10  }
.LBB2_9:
0x15c: {  	s7 =	sadd.s32 $0x4, s7;
	[tilespmem:s6+$0x10] =	vst.add.f32.msk $0xffff, v8;
	s6 =	sadd.s32 $0x200, s6  }
0x15d: {  	[tilespmem:s6+$0x0] =	vst.add.f32.msk $0xffff, v9;
	p0 =	slt.u32 s7, $0x7C  }
0x15e: {  	[tilespmem:s6+$0x1F0] =	vst.add.f32.msk $0xffff, v12  }
0x15f: {  	[tilespmem:s6+$0x1E0] =	vst.add.f32.msk $0xffff, v13  }
0x160: {  	[tilespmem:s6+$0x1D0] =	vst.add.f32.msk $0xffff, v14  }
0x161: {  	[tilespmem:s6+$0x1C0] =	vst.add.f32.msk $0xffff, v15  }
0x162: {  	[tilespmem:s6+$0x1B0] =	vst.add.f32.msk $0xffff, v11  }
0x163: {  	[tilespmem:s6+$0x1A0] =	vst.add.f32.msk $0xffff, v10  }
0x164: {  	[tilespmem:s6+$0x190] =	vst.add.f32.msk $0xffff, v8  }
0x165: {  	[tilespmem:s6+$0x180] =	vst.add.f32.msk $0xffff, v9  }
0x166: {  	[tilespmem:s6+$0x170] =	vst.add.f32.msk $0xffff, v12  }
0x167: {  	[tilespmem:s6+$0x160] =	vst.add.f32.msk $0xffff, v13  }
0x168: {  	[tilespmem:s6+$0x150] =	vst.add.f32.msk $0xffff, v14  }
0x169: {  	[tilespmem:s6+$0x140] =	vst.add.f32.msk $0xffff, v15  }
0x16a: {  	[tilespmem:s6+$0x130] =	vst.add.f32.msk $0xffff, v11  }
0x16b: {  	[tilespmem:s6+$0x120] =	vst.add.f32.msk $0xffff, v10  }
0x16c: {  	[tilespmem:s6+$0x110] =	vst.add.f32.msk $0xffff, v8  }
0x16d: {  	[tilespmem:s6+$0x100] =	vst.add.f32.msk $0xffff, v9  }
0x16e: {  	[tilespmem:s6+$0xF0] =	vst.add.f32.msk $0xffff, v12  }
0x16f: {  	[tilespmem:s6+$0xE0] =	vst.add.f32.msk $0xffff, v13  }
0x170: {  	[tilespmem:s6+$0xD0] =	vst.add.f32.msk $0xffff, v14  }
0x171: {  	[tilespmem:s6+$0xC0] =	vst.add.f32.msk $0xffff, v15  }
0x172: {  	[tilespmem:s6+$0xB0] =	vst.add.f32.msk $0xffff, v11  }
0x173: {  	[tilespmem:s6+$0xA0] =	vst.add.f32.msk $0xffff, v10  }
0x174: {  	[tilespmem:s6+$0x90] =	vst.add.f32.msk $0xffff, v8  }
0x175: {  	[tilespmem:s6+$0x80] =	vst.add.f32.msk $0xffff, v9  }
0x176: {  	[tilespmem:s6+$0x70] =	vst.add.f32.msk $0xffff, v12  }
.Ltmp3:
0x177: {  	[tilespmem:s6+$0x60] =	vst.add.f32.msk $0xffff, v13;
	(pc) =	sbr.rel @p0 .LBB2_9-.Ltmp3, $4  }
0x178: {  	[tilespmem:s6+$0x50] =	vst.add.f32.msk $0xffff, v14  }
0x179: {  	[tilespmem:s6+$0x40] =	vst.add.f32.msk $0xffff, v15  }
0x17a: {  	[tilespmem:s6+$0x30] =	vst.add.f32.msk $0xffff, v11  }
0x17b: {  	[tilespmem:s6+$0x20] =	vst.add.f32.msk $0xffff, v10  }
0x17c: {  	[tilespmem:s6+$0x10] =	vst.add.f32.msk $0xffff, v8;
	v8 =	vadd.s32 s3, v0  }
0x17d: {  	[tilespmem:$0x1C980] =	vst v8;
	v8 =	vadd.s32 s3, v1  }
0x17e: {  	[tilespmem:$0x1C990] =	vst v8;
	v8 =	vadd.s32 s3, v2  }
0x17f: {  	s1 =	sadd.s32 $0x1, s1;
	[tilespmem:$0x1C9A0] =	vst v8;
	v8 =	vadd.s32 s3, v3  }
0x180: {  	p0 =	sne.s32 s1, $0x32;
	[tilespmem:$0x1C9B0] =	vst v8;
	v8 =	vadd.s32 s3, v4  }
.Ltmp4:
0x181: {  	[tilespmem:$0x1C9C0] =	vst v8;
	v8 =	vadd.s32 s3, v5;
	(pc) =	sbr.rel @p0 .LBB2_2-.Ltmp4, $4  }
0x182: {  	[tilespmem:$0x1C9D0] =	vst v8;
	v8 =	vadd.s32 s3, v6  }
0x183: {  	[tilespmem:$0x1C9E0] =	vst v8;
	v8 =	vadd.s32 s3, v7  }
0x184: {  	[tilespmem:$0x1C9F0] =	vst v8  }
0x185: {  	[hbm4b:s4+s12] =	stream.indirect.scatter [tilespmem:s19], [sflag:$0x8], $0x80, s26, s12, $0xb8;
	[tilespmem:$0x1CA00] =	vst v63  }
0x186: {  	_ =	swait.ge [sflag:s28], $0x4000  }
0x187: {  	[sflag:s28] =	ssyncset.done $0x0  }
0x188: {  	[sflag:s28] =	ssyncadd.s32 $0xFFFFC000  }
0x189: {  	_ =	swait.ge [sflag:s29], $0x4000  }
0x18a: {  	[sflag:s29] =	ssyncset.done $0x0  }
0x18b: {  	[sflag:s29] =	ssyncadd.s32 $0xFFFFC000  }
0x18c: {  	_ =	swait.ge [sflag:s30], $0x4000  }
0x18d: {  	[sflag:s30] =	ssyncset.done $0x0  }
0x18e: {  	[sflag:s30] =	ssyncadd.s32 $0xFFFFC000  }
0x18f: {  	_ =	swait.ge [sflag:s31], $0x4000  }
0x190: {  	s0 =	sadd.s32 $0x1, s0;
	s1 =	rddreg [dreg:$0x6]  }
0x191: {  	p0 =	sne.s32 s0, s1  }
.Ltmp5:
0x192: {  	_ = 	snop;
	(pc) =	sbr.rel @p0 .LBB2_1-.Ltmp5, $3  }
0x193: {  	_ =	sdelay $0x1  }
0x194: {  	[sflag:s31] =	ssyncset.done $0x0  }
0x195: {  	[sflag:s31] =	ssyncadd.s32 $0xFFFFC000  }
0x196: {  	_ =	sfence.sel $0x180000  }
0x197: {  	[bflag:$0x0] =	sbarrier.arrive $0xFFFF  }
0x198: {  	_ =	strace $0x90000047  }
0x199: {  	s0 =	stileid.u32;
	[bflag:$0x2] =	sbarrier.arrive $0xFFFF  }
0x19a: {  	p0 =	sne.s32 s0, $0x0;
	s0 =	rddreg [dreg:$0x4]  }
0x19b: {  	s0 =	sadd.s32 @!p0 $0x100000, s0  }
0x19c: {  	[sflag:s0] =	ssyncadd.tile.s32 @!p0 $0x1;
	_ =	shalt  }
.Lfunc_end2:
_tile_overlayer_lowered:
.L_overlay_start_2:
0x19d: {  	(tag) =	ssettag $0x2  }
0x19e: {  	s0 =	rddreg [dreg:$0x0];
	s2 =	stileid.u32  }
0x19f: {  	s1 =	rddreg [dreg:$0x1];
	p0 =	sne.s32 s2, $0x0  }
0x1a0: {  	s3 =	rddreg [dreg:$0x2];
	[bflag:$0x3] =	sbarrier.arrive $0xFFFF;
	s2 =	simm.s32 @!p0 $0x1C0B  }
0x1a1: {  	[timem:s3], [sflag:s2] =	dma.local @!p0 [hbm:s0], s1  }
0x1a2: {  	s0 =	simm.s32 @!p0 $0xB  }
0x1a3: {  	_ =	swait.ge @!p0 [sflag:s0], s1  }
0x1a4: {  	s1 =	ssub.s32 @!p0 $0x0, s1;
	[sflag:s0] =	ssyncset.done @!p0 $0x0  }
0x1a5: {  	[sflag:s0] =	ssyncadd.s32 @!p0 s1  }
0x1a6: {  	[bflag:$0x3] =	sbarrier.arrive $0xFFFF  }
0x1a7: {  	_ =	shalt  }

</sc_bundles>
